<compile_context>
chip_gen: v7x
topology: tpu7x:2x2x1
jax: 0.10.2.dev20260603
libtpu: 0.0.44.dev20260713+nightly
codegen_flags: <defaults>
</compile_context>

<pallas_src>
import jax
import jax.numpy as jnp
import numpy as np
from jax import lax
from jax.experimental import pallas as pl
from jax.experimental.pallas import tpu as pltpu
from jax.experimental.pallas import tpu_sc as plsc

NOTES_POOL_SIZE = 1000000
EMBED_DIM = 64
BATCH = 4096
SEQ_LEN = 200

NC = 2
NS = 16
NW = NC * NS
ROWS_PER_W = BATCH // NW
NCHUNK = 5
CHUNK = SEQ_LEN // NCHUNK
NBUF = 3


def _positional_encoding(max_pos, embed_dim):
    pos = np.arange(max_pos)[:, np.newaxis]
    i = np.arange(embed_dim)[np.newaxis, :]
    angle_rates = 1.0 / np.power(10000, 2 * (i // 2) / np.float32(embed_dim))
    angle_rads = pos * angle_rates
    angle_rads[:, 0::2] = np.sin(angle_rads[:, 0::2])
    angle_rads[:, 1::2] = np.cos(angle_rads[:, 1::2])
    return angle_rads.astype(np.float32)


def _body(x_hbm, table_hbm, pos_hbm, out_hbm,
          pos_v, idx_v, rows0, rows1, rows2,
          psem, xsem, gsem0, gsem1, gsem2, ssem0, ssem1, ssem2):
    rows = [rows0, rows1, rows2]
    gsem = [gsem0, gsem1, gsem2]
    ssem = [ssem0, ssem1, ssem2]

    wid = lax.axis_index("s") * NC + lax.axis_index("c")
    base = wid * ROWS_PER_W

    pltpu.async_copy(pos_hbm, pos_v, psem)
    pltpu.async_copy(x_hbm.at[pl.ds(base, ROWS_PER_W)], idx_v, xsem)
    pltpu.make_async_copy(pos_hbm, pos_v, psem).wait()
    pltpu.make_async_copy(x_hbm.at[pl.ds(base, ROWS_PER_W)], idx_v,
                          xsem).wait()

    def fire_gathers(b, q):
        for h in range(NCHUNK):
            pltpu.async_copy(table_hbm.at[idx_v.at[b, h]],
                             rows[q].at[pl.ds(h * CHUNK, CHUNK)], gsem[q])

    def wait_gather(b, q):
        for h in range(NCHUNK):
            pltpu.make_async_copy(table_hbm.at[idx_v.at[b, h]],
                                  rows[q].at[pl.ds(h * CHUNK, CHUNK)],
                                  gsem[q]).wait()

    def wait_store(q):
        pltpu.make_async_copy(rows[q], out_hbm.at[base], ssem[q]).wait()

    def add_pos(q):
        def inner(i, carry):
            for ii in range(8):
                r = 8 * i + ii
                for j in range(EMBED_DIM // 16):
                    s = pl.ds(16 * j, 16)
                    plsc.addupdate(rows[q].at[r, s], pos_v[r, s])
            return carry
        lax.fori_loop(0, SEQ_LEN // 8, inner, 0)

    fire_gathers(0, 0)

    def step(b, carry):
        q0 = lax.rem(b, NBUF)
        for q in range(NBUF):
            @pl.when(q0 == q)
            def _(q=q):
                wait_gather(b, q)

                @pl.when(b >= 2)
                def _():
                    wait_store((q + 1) % NBUF)

                @pl.when(b < ROWS_PER_W - 1)
                def _():
                    fire_gathers(b + 1, (q + 1) % NBUF)

                add_pos(q)
                pltpu.async_copy(rows[q], out_hbm.at[base + b], ssem[q])
        return carry

    lax.fori_loop(0, ROWS_PER_W, step, 0)

    wait_store((ROWS_PER_W - 2) % NBUF)
    wait_store((ROWS_PER_W - 1) % NBUF)


@jax.jit
def _run(x3, table, pos):
    mesh = plsc.VectorSubcoreMesh(core_axis_name="c", subcore_axis_name="s")
    k = pl.kernel(
        _body,
        out_type=jax.ShapeDtypeStruct((BATCH, SEQ_LEN, EMBED_DIM),
                                      jnp.float32),
        mesh=mesh,
        scratch_types=[
            pltpu.VMEM((SEQ_LEN, EMBED_DIM), jnp.float32),
            pltpu.VMEM((ROWS_PER_W, NCHUNK, CHUNK), jnp.int32),
            pltpu.VMEM((SEQ_LEN, EMBED_DIM), jnp.float32),
            pltpu.VMEM((SEQ_LEN, EMBED_DIM), jnp.float32),
            pltpu.VMEM((SEQ_LEN, EMBED_DIM), jnp.float32),
            pltpu.SemaphoreType.DMA,
            pltpu.SemaphoreType.DMA,
            pltpu.SemaphoreType.DMA,
            pltpu.SemaphoreType.DMA,
            pltpu.SemaphoreType.DMA,
            pltpu.SemaphoreType.DMA,
            pltpu.SemaphoreType.DMA,
            pltpu.SemaphoreType.DMA,
        ],
        compiler_params=pltpu.CompilerParams(use_tc_tiling_on_sc=False),
    )
    return k(x3, table, pos)


def kernel(x_in, table):
    x3 = x_in.astype(jnp.int32).reshape(BATCH, NCHUNK, CHUNK)
    pos = jnp.asarray(_positional_encoding(SEQ_LEN, EMBED_DIM))
    return _run(x3, table, pos)

# --- scband reference (transcript-rebuilt; emitter-appended) ---
"""Pipeline reference for scband-notes-embedder-36189394436697 (READ-ONLY COPY).

The authoritative reference and input builder live on the scoring server;
editing this copy changes nothing except your own understanding.
"""

import jax, jax.numpy as jnp
import numpy as np

NOTES_POOL_SIZE = 1000000
MAX_POS = 512
EMBED_DIM = 64
BATCH = 4096
SEQ_LEN = 200


def positional_encoding(max_pos, embed_dim):
    pos = np.arange(max_pos)[:, np.newaxis]
    i = np.arange(embed_dim)[np.newaxis, :]
    angle_rates = 1.0 / np.power(10000, 2 * (i // 2) / np.float32(embed_dim))
    angle_rads = pos * angle_rates
    angle_rads[:, 0::2] = np.sin(angle_rads[:, 0::2])
    angle_rads[:, 1::2] = np.cos(angle_rads[:, 1::2])
    pos_enc = angle_rads[np.newaxis, ...]
    return jnp.asarray(pos_enc, dtype=jnp.float32)


def setup_inputs(seed: int = 0) -> dict:
    key = jax.random.key(seed)
    k1, k2 = jax.random.split(key)
    x_in = jax.random.randint(k1, (BATCH, SEQ_LEN), 0, NOTES_POOL_SIZE, dtype=jnp.int64 if jax.config.jax_enable_x64 else jnp.int32)
    table = jax.random.normal(k2, (NOTES_POOL_SIZE, EMBED_DIM), dtype=jnp.float32) * 0.02
    return {"x_in": x_in, "table": table}


def reference(x_in, table):
    # Embedding lookup (gather)
    notes_emb = jnp.take(table, x_in, axis=0)  # [B, S, D]
    # Sinusoidal positional encoding, sliced to current seq_len
    pos_emb = positional_encoding(MAX_POS, EMBED_DIM)  # [1, MAX_POS, D]
    combine = notes_emb + pos_emb[:, : x_in.shape[1], :]
    # Dropout layer is a no-op at inference (Keras default training=False)
    return combine

if __name__ == "__main__":
    import jax
    _d = setup_inputs()
    print(jax.jit(kernel)(*tuple(_d.values())))

</pallas_src>

<mosaic_0001>
#map = affine_map<(d0, d1) -> (0, 0, 0)>
#map1 = affine_map<(d0, d1) -> (0, 0)>
module attributes {stable_mosaic.version = 14 : i64} {
  func.func @_body(%arg0: i32, %arg1: i32, %arg2: memref<4096x5x40xi32, #tpu.memory_space<hbm>>, %arg3: memref<1000000x64xf32, #tpu.memory_space<hbm>>, %arg4: memref<200x64xf32, #tpu.memory_space<hbm>>, %arg5: memref<4096x200x64xf32, #tpu.memory_space<hbm>>, %arg6: memref<200x64xf32, #tpu.memory_space<vmem>>, %arg7: memref<128x5x40xi32, #tpu.memory_space<vmem>>, %arg8: memref<200x64xf32, #tpu.memory_space<vmem>>, %arg9: memref<200x64xf32, #tpu.memory_space<vmem>>, %arg10: memref<200x64xf32, #tpu.memory_space<vmem>>, %arg11: memref<!tpu.dma_semaphore, #tpu.memory_space<semaphore_mem>>, %arg12: memref<!tpu.dma_semaphore, #tpu.memory_space<semaphore_mem>>, %arg13: memref<!tpu.dma_semaphore, #tpu.memory_space<semaphore_mem>>, %arg14: memref<!tpu.dma_semaphore, #tpu.memory_space<semaphore_mem>>, %arg15: memref<!tpu.dma_semaphore, #tpu.memory_space<semaphore_mem>>, %arg16: memref<!tpu.dma_semaphore, #tpu.memory_space<semaphore_mem>>, %arg17: memref<!tpu.dma_semaphore, #tpu.memory_space<semaphore_mem>>, %arg18: memref<!tpu.dma_semaphore, #tpu.memory_space<semaphore_mem>>) attributes {dimension_semantics = [#tpu.dimension_semantics<core_parallel>, #tpu.dimension_semantics<subcore_parallel>], iteration_bounds = array<i64: 2, 16>, scalar_prefetch = 0 : i64, scratch_operands = 13 : i64, tpu.core_type = #tpu.core_type<sc_vector_subcore>, window_params = [{transform_indices = #map}, {transform_indices = #map1}, {transform_indices = #map1}, {transform_indices = #map}]} {
    %mul3A = arith.constant 2 : i32
    %mul3A_0 = arith.muli %arg1, %mul3A : i32
    %add3A = arith.addi %mul3A_0, %arg0 : i32
    %mul3A_1 = arith.constant 128 : i32
    %mul3A_2 = arith.muli %add3A, %mul3A_1 : i32
    tpu.enqueue_dma source(%arg4 : memref<200x64xf32, #tpu.memory_space<hbm>>) target(%arg6 : memref<200x64xf32, #tpu.memory_space<vmem>>) target_semaphore(%arg11 : memref<!tpu.dma_semaphore, #tpu.memory_space<semaphore_mem>>)
    %dma_start3A = arith.constant 0 : i32
    %dma_start3A_3 = arith.constant 0 : i32
    %dma_start3A_4 = tpu.memref_slice %arg2[%mul3A_2, %dma_start3A, %dma_start3A_3] : memref<4096x5x40xi32, #tpu.memory_space<hbm>> -> memref<128x5x40xi32, #tpu.memory_space<hbm>>
    %dma_start3A_5 = arith.constant 0 : i32
    %dma_start3A_6 = arith.constant 0 : i32
    %dma_start3A_7 = tpu.memref_slice %arg2[%mul3A_2, %dma_start3A_5, %dma_start3A_6] : memref<4096x5x40xi32, #tpu.memory_space<hbm>> -> memref<128x5x40xi32, #tpu.memory_space<hbm>>
    tpu.enqueue_dma source(%dma_start3A_7 : memref<128x5x40xi32, #tpu.memory_space<hbm>>) target(%arg7 : memref<128x5x40xi32, #tpu.memory_space<vmem>>) target_semaphore(%arg12 : memref<!tpu.dma_semaphore, #tpu.memory_space<semaphore_mem>>)
    tpu.wait_dma2 semaphore(%arg11 : memref<!tpu.dma_semaphore, #tpu.memory_space<semaphore_mem>>) src(%arg4 : memref<200x64xf32, #tpu.memory_space<hbm>>) dst(%arg6 : memref<200x64xf32, #tpu.memory_space<vmem>>)
    %dma_wait3A = arith.constant 0 : i32
    %dma_wait3A_8 = arith.constant 0 : i32
    %dma_wait3A_9 = tpu.memref_slice %arg2[%mul3A_2, %dma_wait3A, %dma_wait3A_8] : memref<4096x5x40xi32, #tpu.memory_space<hbm>> -> memref<128x5x40xi32, #tpu.memory_space<hbm>>
    %dma_wait3A_10 = arith.constant 0 : i32
    %dma_wait3A_11 = arith.constant 0 : i32
    %dma_wait3A_12 = tpu.memref_slice %arg2[%mul3A_2, %dma_wait3A_10, %dma_wait3A_11] : memref<4096x5x40xi32, #tpu.memory_space<hbm>> -> memref<128x5x40xi32, #tpu.memory_space<hbm>>
    tpu.wait_dma2 semaphore(%arg12 : memref<!tpu.dma_semaphore, #tpu.memory_space<semaphore_mem>>) src(%dma_wait3A_12 : memref<128x5x40xi32, #tpu.memory_space<hbm>>) dst(%arg7 : memref<128x5x40xi32, #tpu.memory_space<vmem>>)
    %dma_start3A_13 = arith.constant 0 : i32
    %dma_start3A_14 = arith.constant 0 : i32
    %dma_start3A_15 = arith.constant 0 : i32
    %dma_start3A_16 = arith.constant 0 : i32
    %dma_start3A_17 = tpu.memref_slice %arg8[%dma_start3A_15, %dma_start3A_16] : memref<200x64xf32, #tpu.memory_space<vmem>> -> memref<40x64xf32, #tpu.memory_space<vmem>>
    %dma_start3A_18 = arith.constant 0 : i32
    %dma_start3A_19 = tpu.memref_slice %arg7[%dma_start3A_13, %dma_start3A_14, %dma_start3A_18] : memref<128x5x40xi32, #tpu.memory_space<vmem>> -> memref<1x1x40xi32, #tpu.memory_space<vmem>>
    %dma_start3A_20 = tpu.memref_squeeze %dma_start3A_19 : memref<1x1x40xi32, #tpu.memory_space<vmem>> -> memref<40xi32, #tpu.memory_space<vmem>>
    %dma_start3A_21 = arith.constant 0 : i32
    %dma_start3A_22 = arith.constant 0 : i32
    %dma_start3A_23 = tpu.memref_slice %arg3[%dma_start3A_21, %dma_start3A_22] : memref<1000000x64xf32, #tpu.memory_space<hbm>> -> memref<1000000x64xf32, #tpu.memory_space<hbm>>
    tpu.enqueue_indirect_dma source(%dma_start3A_23 : memref<1000000x64xf32, #tpu.memory_space<hbm>>) target(%dma_start3A_17 : memref<40x64xf32, #tpu.memory_space<vmem>>) offsets(%dma_start3A_20 : memref<40xi32, #tpu.memory_space<vmem>>) semaphore(%arg13 : memref<!tpu.dma_semaphore, #tpu.memory_space<semaphore_mem>>)
    %dma_start3A_24 = arith.constant 0 : i32
    %dma_start3A_25 = arith.constant 1 : i32
    %dma_start3A_26 = arith.constant 40 : i32
    %dma_start3A_27 = arith.constant 0 : i32
    %dma_start3A_28 = tpu.memref_slice %arg8[%dma_start3A_26, %dma_start3A_27] : memref<200x64xf32, #tpu.memory_space<vmem>> -> memref<40x64xf32, #tpu.memory_space<vmem>>
    %dma_start3A_29 = arith.constant 0 : i32
    %dma_start3A_30 = tpu.memref_slice %arg7[%dma_start3A_24, %dma_start3A_25, %dma_start3A_29] : memref<128x5x40xi32, #tpu.memory_space<vmem>> -> memref<1x1x40xi32, #tpu.memory_space<vmem>>
    %dma_start3A_31 = tpu.memref_squeeze %dma_start3A_30 : memref<1x1x40xi32, #tpu.memory_space<vmem>> -> memref<40xi32, #tpu.memory_space<vmem>>
    %dma_start3A_32 = arith.constant 0 : i32
    %dma_start3A_33 = arith.constant 0 : i32
    %dma_start3A_34 = tpu.memref_slice %arg3[%dma_start3A_32, %dma_start3A_33] : memref<1000000x64xf32, #tpu.memory_space<hbm>> -> memref<1000000x64xf32, #tpu.memory_space<hbm>>
    tpu.enqueue_indirect_dma source(%dma_start3A_34 : memref<1000000x64xf32, #tpu.memory_space<hbm>>) target(%dma_start3A_28 : memref<40x64xf32, #tpu.memory_space<vmem>>) offsets(%dma_start3A_31 : memref<40xi32, #tpu.memory_space<vmem>>) semaphore(%arg13 : memref<!tpu.dma_semaphore, #tpu.memory_space<semaphore_mem>>)
    %dma_start3A_35 = arith.constant 0 : i32
    %dma_start3A_36 = arith.constant 2 : i32
    %dma_start3A_37 = arith.constant 80 : i32
    %dma_start3A_38 = arith.constant 0 : i32
    %dma_start3A_39 = tpu.memref_slice %arg8[%dma_start3A_37, %dma_start3A_38] : memref<200x64xf32, #tpu.memory_space<vmem>> -> memref<40x64xf32, #tpu.memory_space<vmem>>
    %dma_start3A_40 = arith.constant 0 : i32
    %dma_start3A_41 = tpu.memref_slice %arg7[%dma_start3A_35, %dma_start3A_36, %dma_start3A_40] : memref<128x5x40xi32, #tpu.memory_space<vmem>> -> memref<1x1x40xi32, #tpu.memory_space<vmem>>
    %dma_start3A_42 = tpu.memref_squeeze %dma_start3A_41 : memref<1x1x40xi32, #tpu.memory_space<vmem>> -> memref<40xi32, #tpu.memory_space<vmem>>
    %dma_start3A_43 = arith.constant 0 : i32
    %dma_start3A_44 = arith.constant 0 : i32
    %dma_start3A_45 = tpu.memref_slice %arg3[%dma_start3A_43, %dma_start3A_44] : memref<1000000x64xf32, #tpu.memory_space<hbm>> -> memref<1000000x64xf32, #tpu.memory_space<hbm>>
    tpu.enqueue_indirect_dma source(%dma_start3A_45 : memref<1000000x64xf32, #tpu.memory_space<hbm>>) target(%dma_start3A_39 : memref<40x64xf32, #tpu.memory_space<vmem>>) offsets(%dma_start3A_42 : memref<40xi32, #tpu.memory_space<vmem>>) semaphore(%arg13 : memref<!tpu.dma_semaphore, #tpu.memory_space<semaphore_mem>>)
    %dma_start3A_46 = arith.constant 0 : i32
    %dma_start3A_47 = arith.constant 3 : i32
    %dma_start3A_48 = arith.constant 120 : i32
    %dma_start3A_49 = arith.constant 0 : i32
    %dma_start3A_50 = tpu.memref_slice %arg8[%dma_start3A_48, %dma_start3A_49] : memref<200x64xf32, #tpu.memory_space<vmem>> -> memref<40x64xf32, #tpu.memory_space<vmem>>
    %dma_start3A_51 = arith.constant 0 : i32
    %dma_start3A_52 = tpu.memref_slice %arg7[%dma_start3A_46, %dma_start3A_47, %dma_start3A_51] : memref<128x5x40xi32, #tpu.memory_space<vmem>> -> memref<1x1x40xi32, #tpu.memory_space<vmem>>
    %dma_start3A_53 = tpu.memref_squeeze %dma_start3A_52 : memref<1x1x40xi32, #tpu.memory_space<vmem>> -> memref<40xi32, #tpu.memory_space<vmem>>
    %dma_start3A_54 = arith.constant 0 : i32
    %dma_start3A_55 = arith.constant 0 : i32
    %dma_start3A_56 = tpu.memref_slice %arg3[%dma_start3A_54, %dma_start3A_55] : memref<1000000x64xf32, #tpu.memory_space<hbm>> -> memref<1000000x64xf32, #tpu.memory_space<hbm>>
    tpu.enqueue_indirect_dma source(%dma_start3A_56 : memref<1000000x64xf32, #tpu.memory_space<hbm>>) target(%dma_start3A_50 : memref<40x64xf32, #tpu.memory_space<vmem>>) offsets(%dma_start3A_53 : memref<40xi32, #tpu.memory_space<vmem>>) semaphore(%arg13 : memref<!tpu.dma_semaphore, #tpu.memory_space<semaphore_mem>>)
    %dma_start3A_57 = arith.constant 0 : i32
    %dma_start3A_58 = arith.constant 4 : i32
    %dma_start3A_59 = arith.constant 160 : i32
    %dma_start3A_60 = arith.constant 0 : i32
    %dma_start3A_61 = tpu.memref_slice %arg8[%dma_start3A_59, %dma_start3A_60] : memref<200x64xf32, #tpu.memory_space<vmem>> -> memref<40x64xf32, #tpu.memory_space<vmem>>
    %dma_start3A_62 = arith.constant 0 : i32
    %dma_start3A_63 = tpu.memref_slice %arg7[%dma_start3A_57, %dma_start3A_58, %dma_start3A_62] : memref<128x5x40xi32, #tpu.memory_space<vmem>> -> memref<1x1x40xi32, #tpu.memory_space<vmem>>
    %dma_start3A_64 = tpu.memref_squeeze %dma_start3A_63 : memref<1x1x40xi32, #tpu.memory_space<vmem>> -> memref<40xi32, #tpu.memory_space<vmem>>
    %dma_start3A_65 = arith.constant 0 : i32
    %dma_start3A_66 = arith.constant 0 : i32
    %dma_start3A_67 = tpu.memref_slice %arg3[%dma_start3A_65, %dma_start3A_66] : memref<1000000x64xf32, #tpu.memory_space<hbm>> -> memref<1000000x64xf32, #tpu.memory_space<hbm>>
    tpu.enqueue_indirect_dma source(%dma_start3A_67 : memref<1000000x64xf32, #tpu.memory_space<hbm>>) target(%dma_start3A_61 : memref<40x64xf32, #tpu.memory_space<vmem>>) offsets(%dma_start3A_64 : memref<40xi32, #tpu.memory_space<vmem>>) semaphore(%arg13 : memref<!tpu.dma_semaphore, #tpu.memory_space<semaphore_mem>>)
    %scan3A = arith.constant 0 : i32
    %scan3A_68 = arith.constant 0 : i32
    %scan3A_69 = arith.constant 128 : i32
    %scan3A_70 = arith.addi %scan3A_68, %scan3A_69 : i32
    %scan3A_71 = arith.constant 1 : i32
    scf.for %scan3A_89 = %scan3A_68 to %scan3A_70 step %scan3A_71  : i32 {
      %rem3A = arith.constant 3 : i32
      %rem3A_90 = arith.remsi %scan3A_89, %rem3A : i32
      %eq3A = arith.constant 0 : i32
      %eq3A_91 = arith.cmpi eq, %rem3A_90, %eq3A : i32
      %convert_element_type3A = arith.extui %eq3A_91 : i1 to i32
      %cond3A = arith.constant 0 : i32
      %cond3A_92 = arith.cmpi ne, %convert_element_type3A, %cond3A : i32
      scf.if %cond3A_92 {
        %dma_wait3A_103 = arith.constant 0 : i32
        %dma_wait3A_104 = arith.constant 0 : i32
        %dma_wait3A_105 = arith.constant 0 : i32
        %dma_wait3A_106 = tpu.memref_slice %arg8[%dma_wait3A_104, %dma_wait3A_105] : memref<200x64xf32, #tpu.memory_space<vmem>> -> memref<40x64xf32, #tpu.memory_space<vmem>>
        %dma_wait3A_107 = arith.constant 0 : i32
        %dma_wait3A_108 = tpu.memref_slice %arg7[%scan3A_89, %dma_wait3A_103, %dma_wait3A_107] : memref<128x5x40xi32, #tpu.memory_space<vmem>> -> memref<1x1x40xi32, #tpu.memory_space<vmem>>
        %dma_wait3A_109 = tpu.memref_squeeze %dma_wait3A_108 : memref<1x1x40xi32, #tpu.memory_space<vmem>> -> memref<40xi32, #tpu.memory_space<vmem>>
        %dma_wait3A_110 = arith.constant 0 : i32
        %dma_wait3A_111 = arith.constant 0 : i32
        %dma_wait3A_112 = tpu.memref_slice %arg3[%dma_wait3A_110, %dma_wait3A_111] : memref<1000000x64xf32, #tpu.memory_space<hbm>> -> memref<1000000x64xf32, #tpu.memory_space<hbm>>
        tpu.wait_indirect_dma semaphore(%arg13 : memref<!tpu.dma_semaphore, #tpu.memory_space<semaphore_mem>>) src(%dma_wait3A_112 : memref<1000000x64xf32, #tpu.memory_space<hbm>>) dst(%dma_wait3A_106 : memref<40x64xf32, #tpu.memory_space<vmem>>)
        %dma_wait3A_113 = arith.constant 1 : i32
        %dma_wait3A_114 = arith.constant 40 : i32
        %dma_wait3A_115 = arith.constant 0 : i32
        %dma_wait3A_116 = tpu.memref_slice %arg8[%dma_wait3A_114, %dma_wait3A_115] : memref<200x64xf32, #tpu.memory_space<vmem>> -> memref<40x64xf32, #tpu.memory_space<vmem>>
        %dma_wait3A_117 = arith.constant 0 : i32
        %dma_wait3A_118 = tpu.memref_slice %arg7[%scan3A_89, %dma_wait3A_113, %dma_wait3A_117] : memref<128x5x40xi32, #tpu.memory_space<vmem>> -> memref<1x1x40xi32, #tpu.memory_space<vmem>>
        %dma_wait3A_119 = tpu.memref_squeeze %dma_wait3A_118 : memref<1x1x40xi32, #tpu.memory_space<vmem>> -> memref<40xi32, #tpu.memory_space<vmem>>
        %dma_wait3A_120 = arith.constant 0 : i32
        %dma_wait3A_121 = arith.constant 0 : i32
        %dma_wait3A_122 = tpu.memref_slice %arg3[%dma_wait3A_120, %dma_wait3A_121] : memref<1000000x64xf32, #tpu.memory_space<hbm>> -> memref<1000000x64xf32, #tpu.memory_space<hbm>>
        tpu.wait_indirect_dma semaphore(%arg13 : memref<!tpu.dma_semaphore, #tpu.memory_space<semaphore_mem>>) src(%dma_wait3A_122 : memref<1000000x64xf32, #tpu.memory_space<hbm>>) dst(%dma_wait3A_116 : memref<40x64xf32, #tpu.memory_space<vmem>>)
        %dma_wait3A_123 = arith.constant 2 : i32
        %dma_wait3A_124 = arith.constant 80 : i32
        %dma_wait3A_125 = arith.constant 0 : i32
        %dma_wait3A_126 = tpu.memref_slice %arg8[%dma_wait3A_124, %dma_wait3A_125] : memref<200x64xf32, #tpu.memory_space<vmem>> -> memref<40x64xf32, #tpu.memory_space<vmem>>
        %dma_wait3A_127 = arith.constant 0 : i32
        %dma_wait3A_128 = tpu.memref_slice %arg7[%scan3A_89, %dma_wait3A_123, %dma_wait3A_127] : memref<128x5x40xi32, #tpu.memory_space<vmem>> -> memref<1x1x40xi32, #tpu.memory_space<vmem>>
        %dma_wait3A_129 = tpu.memref_squeeze %dma_wait3A_128 : memref<1x1x40xi32, #tpu.memory_space<vmem>> -> memref<40xi32, #tpu.memory_space<vmem>>
        %dma_wait3A_130 = arith.constant 0 : i32
        %dma_wait3A_131 = arith.constant 0 : i32
        %dma_wait3A_132 = tpu.memref_slice %arg3[%dma_wait3A_130, %dma_wait3A_131] : memref<1000000x64xf32, #tpu.memory_space<hbm>> -> memref<1000000x64xf32, #tpu.memory_space<hbm>>
        tpu.wait_indirect_dma semaphore(%arg13 : memref<!tpu.dma_semaphore, #tpu.memory_space<semaphore_mem>>) src(%dma_wait3A_132 : memref<1000000x64xf32, #tpu.memory_space<hbm>>) dst(%dma_wait3A_126 : memref<40x64xf32, #tpu.memory_space<vmem>>)
        %dma_wait3A_133 = arith.constant 3 : i32
        %dma_wait3A_134 = arith.constant 120 : i32
        %dma_wait3A_135 = arith.constant 0 : i32
        %dma_wait3A_136 = tpu.memref_slice %arg8[%dma_wait3A_134, %dma_wait3A_135] : memref<200x64xf32, #tpu.memory_space<vmem>> -> memref<40x64xf32, #tpu.memory_space<vmem>>
        %dma_wait3A_137 = arith.constant 0 : i32
        %dma_wait3A_138 = tpu.memref_slice %arg7[%scan3A_89, %dma_wait3A_133, %dma_wait3A_137] : memref<128x5x40xi32, #tpu.memory_space<vmem>> -> memref<1x1x40xi32, #tpu.memory_space<vmem>>
        %dma_wait3A_139 = tpu.memref_squeeze %dma_wait3A_138 : memref<1x1x40xi32, #tpu.memory_space<vmem>> -> memref<40xi32, #tpu.memory_space<vmem>>
        %dma_wait3A_140 = arith.constant 0 : i32
        %dma_wait3A_141 = arith.constant 0 : i32
        %dma_wait3A_142 = tpu.memref_slice %arg3[%dma_wait3A_140, %dma_wait3A_141] : memref<1000000x64xf32, #tpu.memory_space<hbm>> -> memref<1000000x64xf32, #tpu.memory_space<hbm>>
        tpu.wait_indirect_dma semaphore(%arg13 : memref<!tpu.dma_semaphore, #tpu.memory_space<semaphore_mem>>) src(%dma_wait3A_142 : memref<1000000x64xf32, #tpu.memory_space<hbm>>) dst(%dma_wait3A_136 : memref<40x64xf32, #tpu.memory_space<vmem>>)
        %dma_wait3A_143 = arith.constant 4 : i32
        %dma_wait3A_144 = arith.constant 160 : i32
        %dma_wait3A_145 = arith.constant 0 : i32
        %dma_wait3A_146 = tpu.memref_slice %arg8[%dma_wait3A_144, %dma_wait3A_145] : memref<200x64xf32, #tpu.memory_space<vmem>> -> memref<40x64xf32, #tpu.memory_space<vmem>>
        %dma_wait3A_147 = arith.constant 0 : i32
        %dma_wait3A_148 = tpu.memref_slice %arg7[%scan3A_89, %dma_wait3A_143, %dma_wait3A_147] : memref<128x5x40xi32, #tpu.memory_space<vmem>> -> memref<1x1x40xi32, #tpu.memory_space<vmem>>
        %dma_wait3A_149 = tpu.memref_squeeze %dma_wait3A_148 : memref<1x1x40xi32, #tpu.memory_space<vmem>> -> memref<40xi32, #tpu.memory_space<vmem>>
        %dma_wait3A_150 = arith.constant 0 : i32
        %dma_wait3A_151 = arith.constant 0 : i32
        %dma_wait3A_152 = tpu.memref_slice %arg3[%dma_wait3A_150, %dma_wait3A_151] : memref<1000000x64xf32, #tpu.memory_space<hbm>> -> memref<1000000x64xf32, #tpu.memory_space<hbm>>
        tpu.wait_indirect_dma semaphore(%arg13 : memref<!tpu.dma_semaphore, #tpu.memory_space<semaphore_mem>>) src(%dma_wait3A_152 : memref<1000000x64xf32, #tpu.memory_space<hbm>>) dst(%dma_wait3A_146 : memref<40x64xf32, #tpu.memory_space<vmem>>)
        %ge3A = arith.constant 2 : i32
        %ge3A_153 = arith.cmpi sge, %scan3A_89, %ge3A : i32
        %convert_element_type3A_154 = arith.extui %ge3A_153 : i1 to i32
        %cond3A_155 = arith.constant 0 : i32
        %cond3A_156 = arith.cmpi ne, %convert_element_type3A_154, %cond3A_155 : i32
        scf.if %cond3A_156 {
          %dma_wait3A_176 = arith.constant 0 : i32
          %dma_wait3A_177 = arith.constant 0 : i32
          %dma_wait3A_178 = tpu.memref_slice %arg5[%mul3A_2, %dma_wait3A_176, %dma_wait3A_177] : memref<4096x200x64xf32, #tpu.memory_space<hbm>> -> memref<1x200x64xf32, #tpu.memory_space<hbm>>
          %dma_wait3A_179 = tpu.memref_squeeze %dma_wait3A_178 : memref<1x200x64xf32, #tpu.memory_space<hbm>> -> memref<200x64xf32, #tpu.memory_space<hbm>>
          %dma_wait3A_180 = arith.constant 0 : i32
          %dma_wait3A_181 = arith.constant 0 : i32
          %dma_wait3A_182 = tpu.memref_slice %arg5[%mul3A_2, %dma_wait3A_180, %dma_wait3A_181] : memref<4096x200x64xf32, #tpu.memory_space<hbm>> -> memref<1x200x64xf32, #tpu.memory_space<hbm>>
          %dma_wait3A_183 = tpu.memref_squeeze %dma_wait3A_182 : memref<1x200x64xf32, #tpu.memory_space<hbm>> -> memref<200x64xf32, #tpu.memory_space<hbm>>
          tpu.wait_dma2 semaphore(%arg17 : memref<!tpu.dma_semaphore, #tpu.memory_space<semaphore_mem>>) src(%arg9 : memref<200x64xf32, #tpu.memory_space<vmem>>) dst(%dma_wait3A_183 : memref<200x64xf32, #tpu.memory_space<hbm>>)
        } else {
        }
        %lt3A = arith.constant 127 : i32
        %lt3A_157 = arith.cmpi slt, %scan3A_89, %lt3A : i32
        %convert_element_type3A_158 = arith.extui %lt3A_157 : i1 to i32
        %cond3A_159 = arith.constant 0 : i32
        %cond3A_160 = arith.cmpi ne, %convert_element_type3A_158, %cond3A_159 : i32
        scf.if %cond3A_160 {
          %add3A_176 = arith.constant 1 : i32
          %add3A_177 = arith.addi %scan3A_89, %add3A_176 : i32
          %dma_start3A_178 = arith.constant 0 : i32
          %dma_start3A_179 = arith.constant 0 : i32
          %dma_start3A_180 = arith.constant 0 : i32
          %dma_start3A_181 = tpu.memref_slice %arg9[%dma_start3A_179, %dma_start3A_180] : memref<200x64xf32, #tpu.memory_space<vmem>> -> memref<40x64xf32, #tpu.memory_space<vmem>>
          %dma_start3A_182 = arith.constant 0 : i32
          %dma_start3A_183 = tpu.memref_slice %arg7[%add3A_177, %dma_start3A_178, %dma_start3A_182] : memref<128x5x40xi32, #tpu.memory_space<vmem>> -> memref<1x1x40xi32, #tpu.memory_space<vmem>>
          %dma_start3A_184 = tpu.memref_squeeze %dma_start3A_183 : memref<1x1x40xi32, #tpu.memory_space<vmem>> -> memref<40xi32, #tpu.memory_space<vmem>>
          %dma_start3A_185 = arith.constant 0 : i32
          %dma_start3A_186 = arith.constant 0 : i32
          %dma_start3A_187 = tpu.memref_slice %arg3[%dma_start3A_185, %dma_start3A_186] : memref<1000000x64xf32, #tpu.memory_space<hbm>> -> memref<1000000x64xf32, #tpu.memory_space<hbm>>
          tpu.enqueue_indirect_dma source(%dma_start3A_187 : memref<1000000x64xf32, #tpu.memory_space<hbm>>) target(%dma_start3A_181 : memref<40x64xf32, #tpu.memory_space<vmem>>) offsets(%dma_start3A_184 : memref<40xi32, #tpu.memory_space<vmem>>) semaphore(%arg14 : memref<!tpu.dma_semaphore, #tpu.memory_space<semaphore_mem>>)
          %dma_start3A_188 = arith.constant 1 : i32
          %dma_start3A_189 = arith.constant 40 : i32
          %dma_start3A_190 = arith.constant 0 : i32
          %dma_start3A_191 = tpu.memref_slice %arg9[%dma_start3A_189, %dma_start3A_190] : memref<200x64xf32, #tpu.memory_space<vmem>> -> memref<40x64xf32, #tpu.memory_space<vmem>>
          %dma_start3A_192 = arith.constant 0 : i32
          %dma_start3A_193 = tpu.memref_slice %arg7[%add3A_177, %dma_start3A_188, %dma_start3A_192] : memref<128x5x40xi32, #tpu.memory_space<vmem>> -> memref<1x1x40xi32, #tpu.memory_space<vmem>>
          %dma_start3A_194 = tpu.memref_squeeze %dma_start3A_193 : memref<1x1x40xi32, #tpu.memory_space<vmem>> -> memref<40xi32, #tpu.memory_space<vmem>>
          %dma_start3A_195 = arith.constant 0 : i32
          %dma_start3A_196 = arith.constant 0 : i32
          %dma_start3A_197 = tpu.memref_slice %arg3[%dma_start3A_195, %dma_start3A_196] : memref<1000000x64xf32, #tpu.memory_space<hbm>> -> memref<1000000x64xf32, #tpu.memory_space<hbm>>
          tpu.enqueue_indirect_dma source(%dma_start3A_197 : memref<1000000x64xf32, #tpu.memory_space<hbm>>) target(%dma_start3A_191 : memref<40x64xf32, #tpu.memory_space<vmem>>) offsets(%dma_start3A_194 : memref<40xi32, #tpu.memory_space<vmem>>) semaphore(%arg14 : memref<!tpu.dma_semaphore, #tpu.memory_space<semaphore_mem>>)
          %dma_start3A_198 = arith.constant 2 : i32
          %dma_start3A_199 = arith.constant 80 : i32
          %dma_start3A_200 = arith.constant 0 : i32
          %dma_start3A_201 = tpu.memref_slice %arg9[%dma_start3A_199, %dma_start3A_200] : memref<200x64xf32, #tpu.memory_space<vmem>> -> memref<40x64xf32, #tpu.memory_space<vmem>>
          %dma_start3A_202 = arith.constant 0 : i32
          %dma_start3A_203 = tpu.memref_slice %arg7[%add3A_177, %dma_start3A_198, %dma_start3A_202] : memref<128x5x40xi32, #tpu.memory_space<vmem>> -> memref<1x1x40xi32, #tpu.memory_space<vmem>>
          %dma_start3A_204 = tpu.memref_squeeze %dma_start3A_203 : memref<1x1x40xi32, #tpu.memory_space<vmem>> -> memref<40xi32, #tpu.memory_space<vmem>>
          %dma_start3A_205 = arith.constant 0 : i32
          %dma_start3A_206 = arith.constant 0 : i32
          %dma_start3A_207 = tpu.memref_slice %arg3[%dma_start3A_205, %dma_start3A_206] : memref<1000000x64xf32, #tpu.memory_space<hbm>> -> memref<1000000x64xf32, #tpu.memory_space<hbm>>
          tpu.enqueue_indirect_dma source(%dma_start3A_207 : memref<1000000x64xf32, #tpu.memory_space<hbm>>) target(%dma_start3A_201 : memref<40x64xf32, #tpu.memory_space<vmem>>) offsets(%dma_start3A_204 : memref<40xi32, #tpu.memory_space<vmem>>) semaphore(%arg14 : memref<!tpu.dma_semaphore, #tpu.memory_space<semaphore_mem>>)
          %dma_start3A_208 = arith.constant 3 : i32
          %dma_start3A_209 = arith.constant 120 : i32
          %dma_start3A_210 = arith.constant 0 : i32
          %dma_start3A_211 = tpu.memref_slice %arg9[%dma_start3A_209, %dma_start3A_210] : memref<200x64xf32, #tpu.memory_space<vmem>> -> memref<40x64xf32, #tpu.memory_space<vmem>>
          %dma_start3A_212 = arith.constant 0 : i32
          %dma_start3A_213 = tpu.memref_slice %arg7[%add3A_177, %dma_start3A_208, %dma_start3A_212] : memref<128x5x40xi32, #tpu.memory_space<vmem>> -> memref<1x1x40xi32, #tpu.memory_space<vmem>>
          %dma_start3A_214 = tpu.memref_squeeze %dma_start3A_213 : memref<1x1x40xi32, #tpu.memory_space<vmem>> -> memref<40xi32, #tpu.memory_space<vmem>>
          %dma_start3A_215 = arith.constant 0 : i32
          %dma_start3A_216 = arith.constant 0 : i32
          %dma_start3A_217 = tpu.memref_slice %arg3[%dma_start3A_215, %dma_start3A_216] : memref<1000000x64xf32, #tpu.memory_space<hbm>> -> memref<1000000x64xf32, #tpu.memory_space<hbm>>
          tpu.enqueue_indirect_dma source(%dma_start3A_217 : memref<1000000x64xf32, #tpu.memory_space<hbm>>) target(%dma_start3A_211 : memref<40x64xf32, #tpu.memory_space<vmem>>) offsets(%dma_start3A_214 : memref<40xi32, #tpu.memory_space<vmem>>) semaphore(%arg14 : memref<!tpu.dma_semaphore, #tpu.memory_space<semaphore_mem>>)
          %dma_start3A_218 = arith.constant 4 : i32
          %dma_start3A_219 = arith.constant 160 : i32
          %dma_start3A_220 = arith.constant 0 : i32
          %dma_start3A_221 = tpu.memref_slice %arg9[%dma_start3A_219, %dma_start3A_220] : memref<200x64xf32, #tpu.memory_space<vmem>> -> memref<40x64xf32, #tpu.memory_space<vmem>>
          %dma_start3A_222 = arith.constant 0 : i32
          %dma_start3A_223 = tpu.memref_slice %arg7[%add3A_177, %dma_start3A_218, %dma_start3A_222] : memref<128x5x40xi32, #tpu.memory_space<vmem>> -> memref<1x1x40xi32, #tpu.memory_space<vmem>>
          %dma_start3A_224 = tpu.memref_squeeze %dma_start3A_223 : memref<1x1x40xi32, #tpu.memory_space<vmem>> -> memref<40xi32, #tpu.memory_space<vmem>>
          %dma_start3A_225 = arith.constant 0 : i32
          %dma_start3A_226 = arith.constant 0 : i32
          %dma_start3A_227 = tpu.memref_slice %arg3[%dma_start3A_225, %dma_start3A_226] : memref<1000000x64xf32, #tpu.memory_space<hbm>> -> memref<1000000x64xf32, #tpu.memory_space<hbm>>
          tpu.enqueue_indirect_dma source(%dma_start3A_227 : memref<1000000x64xf32, #tpu.memory_space<hbm>>) target(%dma_start3A_221 : memref<40x64xf32, #tpu.memory_space<vmem>>) offsets(%dma_start3A_224 : memref<40xi32, #tpu.memory_space<vmem>>) semaphore(%arg14 : memref<!tpu.dma_semaphore, #tpu.memory_space<semaphore_mem>>)
        } else {
        }
        %scan3A_161 = arith.constant 0 : i32
        %scan3A_162 = arith.constant 0 : i32
        %scan3A_163 = arith.constant 25 : i32
        %scan3A_164 = arith.addi %scan3A_162, %scan3A_163 : i32
        %scan3A_165 = arith.constant 1 : i32
        scf.for %scan3A_176 = %scan3A_162 to %scan3A_164 step %scan3A_165  : i32 {
          %mul3A_177 = arith.constant 8 : i32
          %mul3A_178 = arith.muli %mul3A_177, %scan3A_176 : i32
          %add3A_179 = arith.constant 0 : i32
          %add3A_180 = arith.addi %mul3A_178, %add3A_179 : i32
          %get3A = arith.index_cast %add3A_180 : i32 to index
          %get3A_181 = arith.constant 0 : index
          %get3A_182 = tpu.vector_load %arg6[%get3A, %get3A_181] {strides = array<i32>} : memref<200x64xf32, #tpu.memory_space<vmem>>, vector<1x16xf32>,
          %get3A_183 = vector.shape_cast %get3A_182 : vector<1x16xf32> to vector<16xf32>
          %swap3A = arith.index_cast %add3A_180 : i32 to index
          %swap3A_184 = arith.constant 0 : index
          %swap3A_185 = tpu.vector_load %arg8[%swap3A, %swap3A_184] {strides = array<i32>} : memref<200x64xf32, #tpu.memory_space<vmem>>, vector<1x16xf32>,
          %swap3A_186 = vector.shape_cast %swap3A_185 : vector<1x16xf32> to vector<16xf32>
          %swap3A_187 = vector.shape_cast %get3A_183 : vector<16xf32> to vector<1x16xf32>
          tpu.vector_store %arg8[%swap3A, %swap3A_184], %swap3A_187 {add = true, strides = array<i32>} : memref<200x64xf32, #tpu.memory_space<vmem>>, vector<1x16xf32>,
          %get3A_188 = arith.index_cast %add3A_180 : i32 to index
          %get3A_189 = arith.constant 16 : index
          %get3A_190 = tpu.vector_load %arg6[%get3A_188, %get3A_189] {strides = array<i32>} : memref<200x64xf32, #tpu.memory_space<vmem>>, vector<1x16xf32>,
          %get3A_191 = vector.shape_cast %get3A_190 : vector<1x16xf32> to vector<16xf32>
          %swap3A_192 = arith.index_cast %add3A_180 : i32 to index
          %swap3A_193 = arith.constant 16 : index
          %swap3A_194 = tpu.vector_load %arg8[%swap3A_192, %swap3A_193] {strides = array<i32>} : memref<200x64xf32, #tpu.memory_space<vmem>>, vector<1x16xf32>,
          %swap3A_195 = vector.shape_cast %swap3A_194 : vector<1x16xf32> to vector<16xf32>
          %swap3A_196 = vector.shape_cast %get3A_191 : vector<16xf32> to vector<1x16xf32>
          tpu.vector_store %arg8[%swap3A_192, %swap3A_193], %swap3A_196 {add = true, strides = array<i32>} : memref<200x64xf32, #tpu.memory_space<vmem>>, vector<1x16xf32>,
          %get3A_197 = arith.index_cast %add3A_180 : i32 to index
          %get3A_198 = arith.constant 32 : index
          %get3A_199 = tpu.vector_load %arg6[%get3A_197, %get3A_198] {strides = array<i32>} : memref<200x64xf32, #tpu.memory_space<vmem>>, vector<1x16xf32>,
          %get3A_200 = vector.shape_cast %get3A_199 : vector<1x16xf32> to vector<16xf32>
          %swap3A_201 = arith.index_cast %add3A_180 : i32 to index
          %swap3A_202 = arith.constant 32 : index
          %swap3A_203 = tpu.vector_load %arg8[%swap3A_201, %swap3A_202] {strides = array<i32>} : memref<200x64xf32, #tpu.memory_space<vmem>>, vector<1x16xf32>,
          %swap3A_204 = vector.shape_cast %swap3A_203 : vector<1x16xf32> to vector<16xf32>
          %swap3A_205 = vector.shape_cast %get3A_200 : vector<16xf32> to vector<1x16xf32>
          tpu.vector_store %arg8[%swap3A_201, %swap3A_202], %swap3A_205 {add = true, strides = array<i32>} : memref<200x64xf32, #tpu.memory_space<vmem>>, vector<1x16xf32>,
          %get3A_206 = arith.index_cast %add3A_180 : i32 to index
          %get3A_207 = arith.constant 48 : index
          %get3A_208 = tpu.vector_load %arg6[%get3A_206, %get3A_207] {strides = array<i32>} : memref<200x64xf32, #tpu.memory_space<vmem>>, vector<1x16xf32>,
          %get3A_209 = vector.shape_cast %get3A_208 : vector<1x16xf32> to vector<16xf32>
          %swap3A_210 = arith.index_cast %add3A_180 : i32 to index
          %swap3A_211 = arith.constant 48 : index
          %swap3A_212 = tpu.vector_load %arg8[%swap3A_210, %swap3A_211] {strides = array<i32>} : memref<200x64xf32, #tpu.memory_space<vmem>>, vector<1x16xf32>,
          %swap3A_213 = vector.shape_cast %swap3A_212 : vector<1x16xf32> to vector<16xf32>
          %swap3A_214 = vector.shape_cast %get3A_209 : vector<16xf32> to vector<1x16xf32>
          tpu.vector_store %arg8[%swap3A_210, %swap3A_211], %swap3A_214 {add = true, strides = array<i32>} : memref<200x64xf32, #tpu.memory_space<vmem>>, vector<1x16xf32>,
          %mul3A_215 = arith.constant 8 : i32
          %mul3A_216 = arith.muli %mul3A_215, %scan3A_176 : i32
          %add3A_217 = arith.constant 1 : i32
          %add3A_218 = arith.addi %mul3A_216, %add3A_217 : i32
          %get3A_219 = arith.index_cast %add3A_218 : i32 to index
          %get3A_220 = arith.constant 0 : index
          %get3A_221 = tpu.vector_load %arg6[%get3A_219, %get3A_220] {strides = array<i32>} : memref<200x64xf32, #tpu.memory_space<vmem>>, vector<1x16xf32>,
          %get3A_222 = vector.shape_cast %get3A_221 : vector<1x16xf32> to vector<16xf32>
          %swap3A_223 = arith.index_cast %add3A_218 : i32 to index
          %swap3A_224 = arith.constant 0 : index
          %swap3A_225 = tpu.vector_load %arg8[%swap3A_223, %swap3A_224] {strides = array<i32>} : memref<200x64xf32, #tpu.memory_space<vmem>>, vector<1x16xf32>,
          %swap3A_226 = vector.shape_cast %swap3A_225 : vector<1x16xf32> to vector<16xf32>
          %swap3A_227 = vector.shape_cast %get3A_222 : vector<16xf32> to vector<1x16xf32>
          tpu.vector_store %arg8[%swap3A_223, %swap3A_224], %swap3A_227 {add = true, strides = array<i32>} : memref<200x64xf32, #tpu.memory_space<vmem>>, vector<1x16xf32>,
          %get3A_228 = arith.index_cast %add3A_218 : i32 to index
          %get3A_229 = arith.constant 16 : index
          %get3A_230 = tpu.vector_load %arg6[%get3A_228, %get3A_229] {strides = array<i32>} : memref<200x64xf32, #tpu.memory_space<vmem>>, vector<1x16xf32>,
          %get3A_231 = vector.shape_cast %get3A_230 : vector<1x16xf32> to vector<16xf32>
          %swap3A_232 = arith.index_cast %add3A_218 : i32 to index
          %swap3A_233 = arith.constant 16 : index
          %swap3A_234 = tpu.vector_load %arg8[%swap3A_232, %swap3A_233] {strides = array<i32>} : memref<200x64xf32, #tpu.memory_space<vmem>>, vector<1x16xf32>,
          %swap3A_235 = vector.shape_cast %swap3A_234 : vector<1x16xf32> to vector<16xf32>
          %swap3A_236 = vector.shape_cast %get3A_231 : vector<16xf32> to vector<1x16xf32>
          tpu.vector_store %arg8[%swap3A_232, %swap3A_233], %swap3A_236 {add = true, strides = array<i32>} : memref<200x64xf32, #tpu.memory_space<vmem>>, vector<1x16xf32>,
          %get3A_237 = arith.index_cast %add3A_218 : i32 to index
          %get3A_238 = arith.constant 32 : index
          %get3A_239 = tpu.vector_load %arg6[%get3A_237, %get3A_238] {strides = array<i32>} : memref<200x64xf32, #tpu.memory_space<vmem>>, vector<1x16xf32>,
          %get3A_240 = vector.shape_cast %get3A_239 : vector<1x16xf32> to vector<16xf32>
          %swap3A_241 = arith.index_cast %add3A_218 : i32 to index
          %swap3A_242 = arith.constant 32 : index
          %swap3A_243 = tpu.vector_load %arg8[%swap3A_241, %swap3A_242] {strides = array<i32>} : memref<200x64xf32, #tpu.memory_space<vmem>>, vector<1x16xf32>,
          %swap3A_244 = vector.shape_cast %swap3A_243 : vector<1x16xf32> to vector<16xf32>
          %swap3A_245 = vector.shape_cast %get3A_240 : vector<16xf32> to vector<1x16xf32>
          tpu.vector_store %arg8[%swap3A_241, %swap3A_242], %swap3A_245 {add = true, strides = array<i32>} : memref<200x64xf32, #tpu.memory_space<vmem>>, vector<1x16xf32>,
          %get3A_246 = arith.index_cast %add3A_218 : i32 to index
          %get3A_247 = arith.constant 48 : index
          %get3A_248 = tpu.vector_load %arg6[%get3A_246, %get3A_247] {strides = array<i32>} : memref<200x64xf32, #tpu.memory_space<vmem>>, vector<1x16xf32>,
          %get3A_249 = vector.shape_cast %get3A_248 : vector<1x16xf32> to vector<16xf32>
          %swap3A_250 = arith.index_cast %add3A_218 : i32 to index
          %swap3A_251 = arith.constant 48 : index
          %swap3A_252 = tpu.vector_load %arg8[%swap3A_250, %swap3A_251] {strides = array<i32>} : memref<200x64xf32, #tpu.memory_space<vmem>>, vector<1x16xf32>,
          %swap3A_253 = vector.shape_cast %swap3A_252 : vector<1x16xf32> to vector<16xf32>
          %swap3A_254 = vector.shape_cast %get3A_249 : vector<16xf32> to vector<1x16xf32>
          tpu.vector_store %arg8[%swap3A_250, %swap3A_251], %swap3A_254 {add = true, strides = array<i32>} : memref<200x64xf32, #tpu.memory_space<vmem>>, vector<1x16xf32>,
          %mul3A_255 = arith.constant 8 : i32
          %mul3A_256 = arith.muli %mul3A_255, %scan3A_176 : i32
          %add3A_257 = arith.constant 2 : i32
          %add3A_258 = arith.addi %mul3A_256, %add3A_257 : i32
          %get3A_259 = arith.index_cast %add3A_258 : i32 to index
          %get3A_260 = arith.constant 0 : index
          %get3A_261 = tpu.vector_load %arg6[%get3A_259, %get3A_260] {strides = array<i32>} : memref<200x64xf32, #tpu.memory_space<vmem>>, vector<1x16xf32>,
          %get3A_262 = vector.shape_cast %get3A_261 : vector<1x16xf32> to vector<16xf32>
          %swap3A_263 = arith.index_cast %add3A_258 : i32 to index
          %swap3A_264 = arith.constant 0 : index
          %swap3A_265 = tpu.vector_load %arg8[%swap3A_263, %swap3A_264] {strides = array<i32>} : memref<200x64xf32, #tpu.memory_space<vmem>>, vector<1x16xf32>,
          %swap3A_266 = vector.shape_cast %swap3A_265 : vector<1x16xf32> to vector<16xf32>
          %swap3A_267 = vector.shape_cast %get3A_262 : vector<16xf32> to vector<1x16xf32>
          tpu.vector_store %arg8[%swap3A_263, %swap3A_264], %swap3A_267 {add = true, strides = array<i32>} : memref<200x64xf32, #tpu.memory_space<vmem>>, vector<1x16xf32>,
          %get3A_268 = arith.index_cast %add3A_258 : i32 to index
          %get3A_269 = arith.constant 16 : index
          %get3A_270 = tpu.vector_load %arg6[%get3A_268, %get3A_269] {strides = array<i32>} : memref<200x64xf32, #tpu.memory_space<vmem>>, vector<1x16xf32>,
          %get3A_271 = vector.shape_cast %get3A_270 : vector<1x16xf32> to vector<16xf32>
          %swap3A_272 = arith.index_cast %add3A_258 : i32 to index
          %swap3A_273 = arith.constant 16 : index
          %swap3A_274 = tpu.vector_load %arg8[%swap3A_272, %swap3A_273] {strides = array<i32>} : memref<200x64xf32, #tpu.memory_space<vmem>>, vector<1x16xf32>,
          %swap3A_275 = vector.shape_cast %swap3A_274 : vector<1x16xf32> to vector<16xf32>
          %swap3A_276 = vector.shape_cast %get3A_271 : vector<16xf32> to vector<1x16xf32>
          tpu.vector_store %arg8[%swap3A_272, %swap3A_273], %swap3A_276 {add = true, strides = array<i32>} : memref<200x64xf32, #tpu.memory_space<vmem>>, vector<1x16xf32>,
          %get3A_277 = arith.index_cast %add3A_258 : i32 to index
          %get3A_278 = arith.constant 32 : index
          %get3A_279 = tpu.vector_load %arg6[%get3A_277, %get3A_278] {strides = array<i32>} : memref<200x64xf32, #tpu.memory_space<vmem>>, vector<1x16xf32>,
          %get3A_280 = vector.shape_cast %get3A_279 : vector<1x16xf32> to vector<16xf32>
          %swap3A_281 = arith.index_cast %add3A_258 : i32 to index
          %swap3A_282 = arith.constant 32 : index
          %swap3A_283 = tpu.vector_load %arg8[%swap3A_281, %swap3A_282] {strides = array<i32>} : memref<200x64xf32, #tpu.memory_space<vmem>>, vector<1x16xf32>,
          %swap3A_284 = vector.shape_cast %swap3A_283 : vector<1x16xf32> to vector<16xf32>
          %swap3A_285 = vector.shape_cast %get3A_280 : vector<16xf32> to vector<1x16xf32>
          tpu.vector_store %arg8[%swap3A_281, %swap3A_282], %swap3A_285 {add = true, strides = array<i32>} : memref<200x64xf32, #tpu.memory_space<vmem>>, vector<1x16xf32>,
          %get3A_286 = arith.index_cast %add3A_258 : i32 to index
          %get3A_287 = arith.constant 48 : index
          %get3A_288 = tpu.vector_load %arg6[%get3A_286, %get3A_287] {strides = array<i32>} : memref<200x64xf32, #tpu.memory_space<vmem>>, vector<1x16xf32>,
          %get3A_289 = vector.shape_cast %get3A_288 : vector<1x16xf32> to vector<16xf32>
          %swap3A_290 = arith.index_cast %add3A_258 : i32 to index
          %swap3A_291 = arith.constant 48 : index
          %swap3A_292 = tpu.vector_load %arg8[%swap3A_290, %swap3A_291] {strides = array<i32>} : memref<200x64xf32, #tpu.memory_space<vmem>>, vector<1x16xf32>,
          %swap3A_293 = vector.shape_cast %swap3A_292 : vector<1x16xf32> to vector<16xf32>
          %swap3A_294 = vector.shape_cast %get3A_289 : vector<16xf32> to vector<1x16xf32>
          tpu.vector_store %arg8[%swap3A_290, %swap3A_291], %swap3A_294 {add = true, strides = array<i32>} : memref<200x64xf32, #tpu.memory_space<vmem>>, vector<1x16xf32>,
          %mul3A_295 = arith.constant 8 : i32
          %mul3A_296 = arith.muli %mul3A_295, %scan3A_176 : i32
          %add3A_297 = arith.constant 3 : i32
          %add3A_298 = arith.addi %mul3A_296, %add3A_297 : i32
          %get3A_299 = arith.index_cast %add3A_298 : i32 to index
          %get3A_300 = arith.constant 0 : index
          %get3A_301 = tpu.vector_load %arg6[%get3A_299, %get3A_300] {strides = array<i32>} : memref<200x64xf32, #tpu.memory_space<vmem>>, vector<1x16xf32>,
          %get3A_302 = vector.shape_cast %get3A_301 : vector<1x16xf32> to vector<16xf32>
          %swap3A_303 = arith.index_cast %add3A_298 : i32 to index
          %swap3A_304 = arith.constant 0 : index
          %swap3A_305 = tpu.vector_load %arg8[%swap3A_303, %swap3A_304] {strides = array<i32>} : memref<200x64xf32, #tpu.memory_space<vmem>>, vector<1x16xf32>,
          %swap3A_306 = vector.shape_cast %swap3A_305 : vector<1x16xf32> to vector<16xf32>
          %swap3A_307 = vector.shape_cast %get3A_302 : vector<16xf32> to vector<1x16xf32>
          tpu.vector_store %arg8[%swap3A_303, %swap3A_304], %swap3A_307 {add = true, strides = array<i32>} : memref<200x64xf32, #tpu.memory_space<vmem>>, vector<1x16xf32>,
          %get3A_308 = arith.index_cast %add3A_298 : i32 to index
          %get3A_309 = arith.constant 16 : index
          %get3A_310 = tpu.vector_load %arg6[%get3A_308, %get3A_309] {strides = array<i32>} : memref<200x64xf32, #tpu.memory_space<vmem>>, vector<1x16xf32>,
          %get3A_311 = vector.shape_cast %get3A_310 : vector<1x16xf32> to vector<16xf32>
          %swap3A_312 = arith.index_cast %add3A_298 : i32 to index
          %swap3A_313 = arith.constant 16 : index
          %swap3A_314 = tpu.vector_load %arg8[%swap3A_312, %swap3A_313] {strides = array<i32>} : memref<200x64xf32, #tpu.memory_space<vmem>>, vector<1x16xf32>,
          %swap3A_315 = vector.shape_cast %swap3A_314 : vector<1x16xf32> to vector<16xf32>
          %swap3A_316 = vector.shape_cast %get3A_311 : vector<16xf32> to vector<1x16xf32>
          tpu.vector_store %arg8[%swap3A_312, %swap3A_313], %swap3A_316 {add = true, strides = array<i32>} : memref<200x64xf32, #tpu.memory_space<vmem>>, vector<1x16xf32>,
          %get3A_317 = arith.index_cast %add3A_298 : i32 to index
          %get3A_318 = arith.constant 32 : index
          %get3A_319 = tpu.vector_load %arg6[%get3A_317, %get3A_318] {strides = array<i32>} : memref<200x64xf32, #tpu.memory_space<vmem>>, vector<1x16xf32>,
          %get3A_320 = vector.shape_cast %get3A_319 : vector<1x16xf32> to vector<16xf32>
          %swap3A_321 = arith.index_cast %add3A_298 : i32 to index
          %swap3A_322 = arith.constant 32 : index
          %swap3A_323 = tpu.vector_load %arg8[%swap3A_321, %swap3A_322] {strides = array<i32>} : memref<200x64xf32, #tpu.memory_space<vmem>>, vector<1x16xf32>,
          %swap3A_324 = vector.shape_cast %swap3A_323 : vector<1x16xf32> to vector<16xf32>
          %swap3A_325 = vector.shape_cast %get3A_320 : vector<16xf32> to vector<1x16xf32>
          tpu.vector_store %arg8[%swap3A_321, %swap3A_322], %swap3A_325 {add = true, strides = array<i32>} : memref<200x64xf32, #tpu.memory_space<vmem>>, vector<1x16xf32>,
          %get3A_326 = arith.index_cast %add3A_298 : i32 to index
          %get3A_327 = arith.constant 48 : index
          %get3A_328 = tpu.vector_load %arg6[%get3A_326, %get3A_327] {strides = array<i32>} : memref<200x64xf32, #tpu.memory_space<vmem>>, vector<1x16xf32>,
          %get3A_329 = vector.shape_cast %get3A_328 : vector<1x16xf32> to vector<16xf32>
          %swap3A_330 = arith.index_cast %add3A_298 : i32 to index
          %swap3A_331 = arith.constant 48 : index
          %swap3A_332 = tpu.vector_load %arg8[%swap3A_330, %swap3A_331] {strides = array<i32>} : memref<200x64xf32, #tpu.memory_space<vmem>>, vector<1x16xf32>,
          %swap3A_333 = vector.shape_cast %swap3A_332 : vector<1x16xf32> to vector<16xf32>
          %swap3A_334 = vector.shape_cast %get3A_329 : vector<16xf32> to vector<1x16xf32>
          tpu.vector_store %arg8[%swap3A_330, %swap3A_331], %swap3A_334 {add = true, strides = array<i32>} : memref<200x64xf32, #tpu.memory_space<vmem>>, vector<1x16xf32>,
          %mul3A_335 = arith.constant 8 : i32
          %mul3A_336 = arith.muli %mul3A_335, %scan3A_176 : i32
          %add3A_337 = arith.constant 4 : i32
          %add3A_338 = arith.addi %mul3A_336, %add3A_337 : i32
          %get3A_339 = arith.index_cast %add3A_338 : i32 to index
          %get3A_340 = arith.constant 0 : index
          %get3A_341 = tpu.vector_load %arg6[%get3A_339, %get3A_340] {strides = array<i32>} : memref<200x64xf32, #tpu.memory_space<vmem>>, vector<1x16xf32>,
          %get3A_342 = vector.shape_cast %get3A_341 : vector<1x16xf32> to vector<16xf32>
          %swap3A_343 = arith.index_cast %add3A_338 : i32 to index
          %swap3A_344 = arith.constant 0 : index
          %swap3A_345 = tpu.vector_load %arg8[%swap3A_343, %swap3A_344] {strides = array<i32>} : memref<200x64xf32, #tpu.memory_space<vmem>>, vector<1x16xf32>,
          %swap3A_346 = vector.shape_cast %swap3A_345 : vector<1x16xf32> to vector<16xf32>
          %swap3A_347 = vector.shape_cast %get3A_342 : vector<16xf32> to vector<1x16xf32>
          tpu.vector_store %arg8[%swap3A_343, %swap3A_344], %swap3A_347 {add = true, strides = array<i32>} : memref<200x64xf32, #tpu.memory_space<vmem>>, vector<1x16xf32>,
          %get3A_348 = arith.index_cast %add3A_338 : i32 to index
          %get3A_349 = arith.constant 16 : index
          %get3A_350 = tpu.vector_load %arg6[%get3A_348, %get3A_349] {strides = array<i32>} : memref<200x64xf32, #tpu.memory_space<vmem>>, vector<1x16xf32>,
          %get3A_351 = vector.shape_cast %get3A_350 : vector<1x16xf32> to vector<16xf32>
          %swap3A_352 = arith.index_cast %add3A_338 : i32 to index
          %swap3A_353 = arith.constant 16 : index
          %swap3A_354 = tpu.vector_load %arg8[%swap3A_352, %swap3A_353] {strides = array<i32>} : memref<200x64xf32, #tpu.memory_space<vmem>>, vector<1x16xf32>,
          %swap3A_355 = vector.shape_cast %swap3A_354 : vector<1x16xf32> to vector<16xf32>
          %swap3A_356 = vector.shape_cast %get3A_351 : vector<16xf32> to vector<1x16xf32>
          tpu.vector_store %arg8[%swap3A_352, %swap3A_353], %swap3A_356 {add = true, strides = array<i32>} : memref<200x64xf32, #tpu.memory_space<vmem>>, vector<1x16xf32>,
          %get3A_357 = arith.index_cast %add3A_338 : i32 to index
          %get3A_358 = arith.constant 32 : index
          %get3A_359 = tpu.vector_load %arg6[%get3A_357, %get3A_358] {strides = array<i32>} : memref<200x64xf32, #tpu.memory_space<vmem>>, vector<1x16xf32>,
          %get3A_360 = vector.shape_cast %get3A_359 : vector<1x16xf32> to vector<16xf32>
          %swap3A_361 = arith.index_cast %add3A_338 : i32 to index
          %swap3A_362 = arith.constant 32 : index
          %swap3A_363 = tpu.vector_load %arg8[%swap3A_361, %swap3A_362] {strides = array<i32>} : memref<200x64xf32, #tpu.memory_space<vmem>>, vector<1x16xf32>,
          %swap3A_364 = vector.shape_cast %swap3A_363 : vector<1x16xf32> to vector<16xf32>
          %swap3A_365 = vector.shape_cast %get3A_360 : vector<16xf32> to vector<1x16xf32>
          tpu.vector_store %arg8[%swap3A_361, %swap3A_362], %swap3A_365 {add = true, strides = array<i32>} : memref<200x64xf32, #tpu.memory_space<vmem>>, vector<1x16xf32>,
          %get3A_366 = arith.index_cast %add3A_338 : i32 to index
          %get3A_367 = arith.constant 48 : index
          %get3A_368 = tpu.vector_load %arg6[%get3A_366, %get3A_367] {strides = array<i32>} : memref<200x64xf32, #tpu.memory_space<vmem>>, vector<1x16xf32>,
          %get3A_369 = vector.shape_cast %get3A_368 : vector<1x16xf32> to vector<16xf32>
          %swap3A_370 = arith.index_cast %add3A_338 : i32 to index
          %swap3A_371 = arith.constant 48 : index
          %swap3A_372 = tpu.vector_load %arg8[%swap3A_370, %swap3A_371] {strides = array<i32>} : memref<200x64xf32, #tpu.memory_space<vmem>>, vector<1x16xf32>,
          %swap3A_373 = vector.shape_cast %swap3A_372 : vector<1x16xf32> to vector<16xf32>
          %swap3A_374 = vector.shape_cast %get3A_369 : vector<16xf32> to vector<1x16xf32>
          tpu.vector_store %arg8[%swap3A_370, %swap3A_371], %swap3A_374 {add = true, strides = array<i32>} : memref<200x64xf32, #tpu.memory_space<vmem>>, vector<1x16xf32>,
          %mul3A_375 = arith.constant 8 : i32
          %mul3A_376 = arith.muli %mul3A_375, %scan3A_176 : i32
          %add3A_377 = arith.constant 5 : i32
          %add3A_378 = arith.addi %mul3A_376, %add3A_377 : i32
          %get3A_379 = arith.index_cast %add3A_378 : i32 to index
          %get3A_380 = arith.constant 0 : index
          %get3A_381 = tpu.vector_load %arg6[%get3A_379, %get3A_380] {strides = array<i32>} : memref<200x64xf32, #tpu.memory_space<vmem>>, vector<1x16xf32>,
          %get3A_382 = vector.shape_cast %get3A_381 : vector<1x16xf32> to vector<16xf32>
          %swap3A_383 = arith.index_cast %add3A_378 : i32 to index
          %swap3A_384 = arith.constant 0 : index
          %swap3A_385 = tpu.vector_load %arg8[%swap3A_383, %swap3A_384] {strides = array<i32>} : memref<200x64xf32, #tpu.memory_space<vmem>>, vector<1x16xf32>,
          %swap3A_386 = vector.shape_cast %swap3A_385 : vector<1x16xf32> to vector<16xf32>
          %swap3A_387 = vector.shape_cast %get3A_382 : vector<16xf32> to vector<1x16xf32>
          tpu.vector_store %arg8[%swap3A_383, %swap3A_384], %swap3A_387 {add = true, strides = array<i32>} : memref<200x64xf32, #tpu.memory_space<vmem>>, vector<1x16xf32>,
          %get3A_388 = arith.index_cast %add3A_378 : i32 to index
          %get3A_389 = arith.constant 16 : index
          %get3A_390 = tpu.vector_load %arg6[%get3A_388, %get3A_389] {strides = array<i32>} : memref<200x64xf32, #tpu.memory_space<vmem>>, vector<1x16xf32>,
          %get3A_391 = vector.shape_cast %get3A_390 : vector<1x16xf32> to vector<16xf32>
          %swap3A_392 = arith.index_cast %add3A_378 : i32 to index
          %swap3A_393 = arith.constant 16 : index
          %swap3A_394 = tpu.vector_load %arg8[%swap3A_392, %swap3A_393] {strides = array<i32>} : memref<200x64xf32, #tpu.memory_space<vmem>>, vector<1x16xf32>,
          %swap3A_395 = vector.shape_cast %swap3A_394 : vector<1x16xf32> to vector<16xf32>
          %swap3A_396 = vector.shape_cast %get3A_391 : vector<16xf32> to vector<1x16xf32>
          tpu.vector_store %arg8[%swap3A_392, %swap3A_393], %swap3A_396 {add = true, strides = array<i32>} : memref<200x64xf32, #tpu.memory_space<vmem>>, vector<1x16xf32>,
          %get3A_397 = arith.index_cast %add3A_378 : i32 to index
          %get3A_398 = arith.constant 32 : index
          %get3A_399 = tpu.vector_load %arg6[%get3A_397, %get3A_398] {strides = array<i32>} : memref<200x64xf32, #tpu.memory_space<vmem>>, vector<1x16xf32>,
          %get3A_400 = vector.shape_cast %get3A_399 : vector<1x16xf32> to vector<16xf32>
          %swap3A_401 = arith.index_cast %add3A_378 : i32 to index
          %swap3A_402 = arith.constant 32 : index
          %swap3A_403 = tpu.vector_load %arg8[%swap3A_401, %swap3A_402] {strides = array<i32>} : memref<200x64xf32, #tpu.memory_space<vmem>>, vector<1x16xf32>,
          %swap3A_404 = vector.shape_cast %swap3A_403 : vector<1x16xf32> to vector<16xf32>
          %swap3A_405 = vector.shape_cast %get3A_400 : vector<16xf32> to vector<1x16xf32>
          tpu.vector_store %arg8[%swap3A_401, %swap3A_402], %swap3A_405 {add = true, strides = array<i32>} : memref<200x64xf32, #tpu.memory_space<vmem>>, vector<1x16xf32>,
          %get3A_406 = arith.index_cast %add3A_378 : i32 to index
          %get3A_407 = arith.constant 48 : index
          %get3A_408 = tpu.vector_load %arg6[%get3A_406, %get3A_407] {strides = array<i32>} : memref<200x64xf32, #tpu.memory_space<vmem>>, vector<1x16xf32>,
          %get3A_409 = vector.shape_cast %get3A_408 : vector<1x16xf32> to vector<16xf32>
          %swap3A_410 = arith.index_cast %add3A_378 : i32 to index
          %swap3A_411 = arith.constant 48 : index
          %swap3A_412 = tpu.vector_load %arg8[%swap3A_410, %swap3A_411] {strides = array<i32>} : memref<200x64xf32, #tpu.memory_space<vmem>>, vector<1x16xf32>,
          %swap3A_413 = vector.shape_cast %swap3A_412 : vector<1x16xf32> to vector<16xf32>
          %swap3A_414 = vector.shape_cast %get3A_409 : vector<16xf32> to vector<1x16xf32>
          tpu.vector_store %arg8[%swap3A_410, %swap3A_411], %swap3A_414 {add = true, strides = array<i32>} : memref<200x64xf32, #tpu.memory_space<vmem>>, vector<1x16xf32>,
          %mul3A_415 = arith.constant 8 : i32
          %mul3A_416 = arith.muli %mul3A_415, %scan3A_176 : i32
          %add3A_417 = arith.constant 6 : i32
          %add3A_418 = arith.addi %mul3A_416, %add3A_417 : i32
          %get3A_419 = arith.index_cast %add3A_418 : i32 to index
          %get3A_420 = arith.constant 0 : index
          %get3A_421 = tpu.vector_load %arg6[%get3A_419, %get3A_420] {strides = array<i32>} : memref<200x64xf32, #tpu.memory_space<vmem>>, vector<1x16xf32>,
          %get3A_422 = vector.shape_cast %get3A_421 : vector<1x16xf32> to vector<16xf32>
          %swap3A_423 = arith.index_cast %add3A_418 : i32 to index
          %swap3A_424 = arith.constant 0 : index
          %swap3A_425 = tpu.vector_load %arg8[%swap3A_423, %swap3A_424] {strides = array<i32>} : memref<200x64xf32, #tpu.memory_space<vmem>>, vector<1x16xf32>,
          %swap3A_426 = vector.shape_cast %swap3A_425 : vector<1x16xf32> to vector<16xf32>
          %swap3A_427 = vector.shape_cast %get3A_422 : vector<16xf32> to vector<1x16xf32>
          tpu.vector_store %arg8[%swap3A_423, %swap3A_424], %swap3A_427 {add = true, strides = array<i32>} : memref<200x64xf32, #tpu.memory_space<vmem>>, vector<1x16xf32>,
          %get3A_428 = arith.index_cast %add3A_418 : i32 to index
          %get3A_429 = arith.constant 16 : index
          %get3A_430 = tpu.vector_load %arg6[%get3A_428, %get3A_429] {strides = array<i32>} : memref<200x64xf32, #tpu.memory_space<vmem>>, vector<1x16xf32>,
          %get3A_431 = vector.shape_cast %get3A_430 : vector<1x16xf32> to vector<16xf32>
          %swap3A_432 = arith.index_cast %add3A_418 : i32 to index
          %swap3A_433 = arith.constant 16 : index
          %swap3A_434 = tpu.vector_load %arg8[%swap3A_432, %swap3A_433] {strides = array<i32>} : memref<200x64xf32, #tpu.memory_space<vmem>>, vector<1x16xf32>,
          %swap3A_435 = vector.shape_cast %swap3A_434 : vector<1x16xf32> to vector<16xf32>
          %swap3A_436 = vector.shape_cast %get3A_431 : vector<16xf32> to vector<1x16xf32>
          tpu.vector_store %arg8[%swap3A_432, %swap3A_433], %swap3A_436 {add = true, strides = array<i32>} : memref<200x64xf32, #tpu.memory_space<vmem>>, vector<1x16xf32>,
          %get3A_437 = arith.index_cast %add3A_418 : i32 to index
          %get3A_438 = arith.constant 32 : index
          %get3A_439 = tpu.vector_load %arg6[%get3A_437, %get3A_438] {strides = array<i32>} : memref<200x64xf32, #tpu.memory_space<vmem>>, vector<1x16xf32>,
          %get3A_440 = vector.shape_cast %get3A_439 : vector<1x16xf32> to vector<16xf32>
          %swap3A_441 = arith.index_cast %add3A_418 : i32 to index
          %swap3A_442 = arith.constant 32 : index
          %swap3A_443 = tpu.vector_load %arg8[%swap3A_441, %swap3A_442] {strides = array<i32>} : memref<200x64xf32, #tpu.memory_space<vmem>>, vector<1x16xf32>,
          %swap3A_444 = vector.shape_cast %swap3A_443 : vector<1x16xf32> to vector<16xf32>
          %swap3A_445 = vector.shape_cast %get3A_440 : vector<16xf32> to vector<1x16xf32>
          tpu.vector_store %arg8[%swap3A_441, %swap3A_442], %swap3A_445 {add = true, strides = array<i32>} : memref<200x64xf32, #tpu.memory_space<vmem>>, vector<1x16xf32>,
          %get3A_446 = arith.index_cast %add3A_418 : i32 to index
          %get3A_447 = arith.constant 48 : index
          %get3A_448 = tpu.vector_load %arg6[%get3A_446, %get3A_447] {strides = array<i32>} : memref<200x64xf32, #tpu.memory_space<vmem>>, vector<1x16xf32>,
          %get3A_449 = vector.shape_cast %get3A_448 : vector<1x16xf32> to vector<16xf32>
          %swap3A_450 = arith.index_cast %add3A_418 : i32 to index
          %swap3A_451 = arith.constant 48 : index
          %swap3A_452 = tpu.vector_load %arg8[%swap3A_450, %swap3A_451] {strides = array<i32>} : memref<200x64xf32, #tpu.memory_space<vmem>>, vector<1x16xf32>,
          %swap3A_453 = vector.shape_cast %swap3A_452 : vector<1x16xf32> to vector<16xf32>
          %swap3A_454 = vector.shape_cast %get3A_449 : vector<16xf32> to vector<1x16xf32>
          tpu.vector_store %arg8[%swap3A_450, %swap3A_451], %swap3A_454 {add = true, strides = array<i32>} : memref<200x64xf32, #tpu.memory_space<vmem>>, vector<1x16xf32>,
          %mul3A_455 = arith.constant 8 : i32
          %mul3A_456 = arith.muli %mul3A_455, %scan3A_176 : i32
          %add3A_457 = arith.constant 7 : i32
          %add3A_458 = arith.addi %mul3A_456, %add3A_457 : i32
          %get3A_459 = arith.index_cast %add3A_458 : i32 to index
          %get3A_460 = arith.constant 0 : index
          %get3A_461 = tpu.vector_load %arg6[%get3A_459, %get3A_460] {strides = array<i32>} : memref<200x64xf32, #tpu.memory_space<vmem>>, vector<1x16xf32>,
          %get3A_462 = vector.shape_cast %get3A_461 : vector<1x16xf32> to vector<16xf32>
          %swap3A_463 = arith.index_cast %add3A_458 : i32 to index
          %swap3A_464 = arith.constant 0 : index
          %swap3A_465 = tpu.vector_load %arg8[%swap3A_463, %swap3A_464] {strides = array<i32>} : memref<200x64xf32, #tpu.memory_space<vmem>>, vector<1x16xf32>,
          %swap3A_466 = vector.shape_cast %swap3A_465 : vector<1x16xf32> to vector<16xf32>
          %swap3A_467 = vector.shape_cast %get3A_462 : vector<16xf32> to vector<1x16xf32>
          tpu.vector_store %arg8[%swap3A_463, %swap3A_464], %swap3A_467 {add = true, strides = array<i32>} : memref<200x64xf32, #tpu.memory_space<vmem>>, vector<1x16xf32>,
          %get3A_468 = arith.index_cast %add3A_458 : i32 to index
          %get3A_469 = arith.constant 16 : index
          %get3A_470 = tpu.vector_load %arg6[%get3A_468, %get3A_469] {strides = array<i32>} : memref<200x64xf32, #tpu.memory_space<vmem>>, vector<1x16xf32>,
          %get3A_471 = vector.shape_cast %get3A_470 : vector<1x16xf32> to vector<16xf32>
          %swap3A_472 = arith.index_cast %add3A_458 : i32 to index
          %swap3A_473 = arith.constant 16 : index
          %swap3A_474 = tpu.vector_load %arg8[%swap3A_472, %swap3A_473] {strides = array<i32>} : memref<200x64xf32, #tpu.memory_space<vmem>>, vector<1x16xf32>,
          %swap3A_475 = vector.shape_cast %swap3A_474 : vector<1x16xf32> to vector<16xf32>
          %swap3A_476 = vector.shape_cast %get3A_471 : vector<16xf32> to vector<1x16xf32>
          tpu.vector_store %arg8[%swap3A_472, %swap3A_473], %swap3A_476 {add = true, strides = array<i32>} : memref<200x64xf32, #tpu.memory_space<vmem>>, vector<1x16xf32>,
          %get3A_477 = arith.index_cast %add3A_458 : i32 to index
          %get3A_478 = arith.constant 32 : index
          %get3A_479 = tpu.vector_load %arg6[%get3A_477, %get3A_478] {strides = array<i32>} : memref<200x64xf32, #tpu.memory_space<vmem>>, vector<1x16xf32>,
          %get3A_480 = vector.shape_cast %get3A_479 : vector<1x16xf32> to vector<16xf32>
          %swap3A_481 = arith.index_cast %add3A_458 : i32 to index
          %swap3A_482 = arith.constant 32 : index
          %swap3A_483 = tpu.vector_load %arg8[%swap3A_481, %swap3A_482] {strides = array<i32>} : memref<200x64xf32, #tpu.memory_space<vmem>>, vector<1x16xf32>,
          %swap3A_484 = vector.shape_cast %swap3A_483 : vector<1x16xf32> to vector<16xf32>
          %swap3A_485 = vector.shape_cast %get3A_480 : vector<16xf32> to vector<1x16xf32>
          tpu.vector_store %arg8[%swap3A_481, %swap3A_482], %swap3A_485 {add = true, strides = array<i32>} : memref<200x64xf32, #tpu.memory_space<vmem>>, vector<1x16xf32>,
          %get3A_486 = arith.index_cast %add3A_458 : i32 to index
          %get3A_487 = arith.constant 48 : index
          %get3A_488 = tpu.vector_load %arg6[%get3A_486, %get3A_487] {strides = array<i32>} : memref<200x64xf32, #tpu.memory_space<vmem>>, vector<1x16xf32>,
          %get3A_489 = vector.shape_cast %get3A_488 : vector<1x16xf32> to vector<16xf32>
          %swap3A_490 = arith.index_cast %add3A_458 : i32 to index
          %swap3A_491 = arith.constant 48 : index
          %swap3A_492 = tpu.vector_load %arg8[%swap3A_490, %swap3A_491] {strides = array<i32>} : memref<200x64xf32, #tpu.memory_space<vmem>>, vector<1x16xf32>,
          %swap3A_493 = vector.shape_cast %swap3A_492 : vector<1x16xf32> to vector<16xf32>
          %swap3A_494 = vector.shape_cast %get3A_489 : vector<16xf32> to vector<1x16xf32>
          tpu.vector_store %arg8[%swap3A_490, %swap3A_491], %swap3A_494 {add = true, strides = array<i32>} : memref<200x64xf32, #tpu.memory_space<vmem>>, vector<1x16xf32>,
        }
        %scan3A_166 = arith.constant 25 : i32
        %add3A_167 = arith.addi %mul3A_2, %scan3A_89 : i32
        %dma_start3A_168 = arith.constant 0 : i32
        %dma_start3A_169 = arith.constant 0 : i32
        %dma_start3A_170 = tpu.memref_slice %arg5[%add3A_167, %dma_start3A_168, %dma_start3A_169] : memref<4096x200x64xf32, #tpu.memory_space<hbm>> -> memref<1x200x64xf32, #tpu.memory_space<hbm>>
        %dma_start3A_171 = tpu.memref_squeeze %dma_start3A_170 : memref<1x200x64xf32, #tpu.memory_space<hbm>> -> memref<200x64xf32, #tpu.memory_space<hbm>>
        %dma_start3A_172 = arith.constant 0 : i32
        %dma_start3A_173 = arith.constant 0 : i32
        %dma_start3A_174 = tpu.memref_slice %arg5[%add3A_167, %dma_start3A_172, %dma_start3A_173] : memref<4096x200x64xf32, #tpu.memory_space<hbm>> -> memref<1x200x64xf32, #tpu.memory_space<hbm>>
        %dma_start3A_175 = tpu.memref_squeeze %dma_start3A_174 : memref<1x200x64xf32, #tpu.memory_space<hbm>> -> memref<200x64xf32, #tpu.memory_space<hbm>>
        tpu.enqueue_dma source(%arg8 : memref<200x64xf32, #tpu.memory_space<vmem>>) target(%dma_start3A_175 : memref<200x64xf32, #tpu.memory_space<hbm>>) target_semaphore(%arg16 : memref<!tpu.dma_semaphore, #tpu.memory_space<semaphore_mem>>)
      } else {
      }
      %eq3A_93 = arith.constant 1 : i32
      %eq3A_94 = arith.cmpi eq, %rem3A_90, %eq3A_93 : i32
      %convert_element_type3A_95 = arith.extui %eq3A_94 : i1 to i32
      %cond3A_96 = arith.constant 0 : i32
      %cond3A_97 = arith.cmpi ne, %convert_element_type3A_95, %cond3A_96 : i32
      scf.if %cond3A_97 {
        %dma_wait3A_103 = arith.constant 0 : i32
        %dma_wait3A_104 = arith.constant 0 : i32
        %dma_wait3A_105 = arith.constant 0 : i32
        %dma_wait3A_106 = tpu.memref_slice %arg9[%dma_wait3A_104, %dma_wait3A_105] : memref<200x64xf32, #tpu.memory_space<vmem>> -> memref<40x64xf32, #tpu.memory_space<vmem>>
        %dma_wait3A_107 = arith.constant 0 : i32
        %dma_wait3A_108 = tpu.memref_slice %arg7[%scan3A_89, %dma_wait3A_103, %dma_wait3A_107] : memref<128x5x40xi32, #tpu.memory_space<vmem>> -> memref<1x1x40xi32, #tpu.memory_space<vmem>>
        %dma_wait3A_109 = tpu.memref_squeeze %dma_wait3A_108 : memref<1x1x40xi32, #tpu.memory_space<vmem>> -> memref<40xi32, #tpu.memory_space<vmem>>
        %dma_wait3A_110 = arith.constant 0 : i32
        %dma_wait3A_111 = arith.constant 0 : i32
        %dma_wait3A_112 = tpu.memref_slice %arg3[%dma_wait3A_110, %dma_wait3A_111] : memref<1000000x64xf32, #tpu.memory_space<hbm>> -> memref<1000000x64xf32, #tpu.memory_space<hbm>>
        tpu.wait_indirect_dma semaphore(%arg14 : memref<!tpu.dma_semaphore, #tpu.memory_space<semaphore_mem>>) src(%dma_wait3A_112 : memref<1000000x64xf32, #tpu.memory_space<hbm>>) dst(%dma_wait3A_106 : memref<40x64xf32, #tpu.memory_space<vmem>>)
        %dma_wait3A_113 = arith.constant 1 : i32
        %dma_wait3A_114 = arith.constant 40 : i32
        %dma_wait3A_115 = arith.constant 0 : i32
        %dma_wait3A_116 = tpu.memref_slice %arg9[%dma_wait3A_114, %dma_wait3A_115] : memref<200x64xf32, #tpu.memory_space<vmem>> -> memref<40x64xf32, #tpu.memory_space<vmem>>
        %dma_wait3A_117 = arith.constant 0 : i32
        %dma_wait3A_118 = tpu.memref_slice %arg7[%scan3A_89, %dma_wait3A_113, %dma_wait3A_117] : memref<128x5x40xi32, #tpu.memory_space<vmem>> -> memref<1x1x40xi32, #tpu.memory_space<vmem>>
        %dma_wait3A_119 = tpu.memref_squeeze %dma_wait3A_118 : memref<1x1x40xi32, #tpu.memory_space<vmem>> -> memref<40xi32, #tpu.memory_space<vmem>>
        %dma_wait3A_120 = arith.constant 0 : i32
        %dma_wait3A_121 = arith.constant 0 : i32
        %dma_wait3A_122 = tpu.memref_slice %arg3[%dma_wait3A_120, %dma_wait3A_121] : memref<1000000x64xf32, #tpu.memory_space<hbm>> -> memref<1000000x64xf32, #tpu.memory_space<hbm>>
        tpu.wait_indirect_dma semaphore(%arg14 : memref<!tpu.dma_semaphore, #tpu.memory_space<semaphore_mem>>) src(%dma_wait3A_122 : memref<1000000x64xf32, #tpu.memory_space<hbm>>) dst(%dma_wait3A_116 : memref<40x64xf32, #tpu.memory_space<vmem>>)
        %dma_wait3A_123 = arith.constant 2 : i32
        %dma_wait3A_124 = arith.constant 80 : i32
        %dma_wait3A_125 = arith.constant 0 : i32
        %dma_wait3A_126 = tpu.memref_slice %arg9[%dma_wait3A_124, %dma_wait3A_125] : memref<200x64xf32, #tpu.memory_space<vmem>> -> memref<40x64xf32, #tpu.memory_space<vmem>>
        %dma_wait3A_127 = arith.constant 0 : i32
        %dma_wait3A_128 = tpu.memref_slice %arg7[%scan3A_89, %dma_wait3A_123, %dma_wait3A_127] : memref<128x5x40xi32, #tpu.memory_space<vmem>> -> memref<1x1x40xi32, #tpu.memory_space<vmem>>
        %dma_wait3A_129 = tpu.memref_squeeze %dma_wait3A_128 : memref<1x1x40xi32, #tpu.memory_space<vmem>> -> memref<40xi32, #tpu.memory_space<vmem>>
        %dma_wait3A_130 = arith.constant 0 : i32
        %dma_wait3A_131 = arith.constant 0 : i32
        %dma_wait3A_132 = tpu.memref_slice %arg3[%dma_wait3A_130, %dma_wait3A_131] : memref<1000000x64xf32, #tpu.memory_space<hbm>> -> memref<1000000x64xf32, #tpu.memory_space<hbm>>
        tpu.wait_indirect_dma semaphore(%arg14 : memref<!tpu.dma_semaphore, #tpu.memory_space<semaphore_mem>>) src(%dma_wait3A_132 : memref<1000000x64xf32, #tpu.memory_space<hbm>>) dst(%dma_wait3A_126 : memref<40x64xf32, #tpu.memory_space<vmem>>)
        %dma_wait3A_133 = arith.constant 3 : i32
        %dma_wait3A_134 = arith.constant 120 : i32
        %dma_wait3A_135 = arith.constant 0 : i32
        %dma_wait3A_136 = tpu.memref_slice %arg9[%dma_wait3A_134, %dma_wait3A_135] : memref<200x64xf32, #tpu.memory_space<vmem>> -> memref<40x64xf32, #tpu.memory_space<vmem>>
        %dma_wait3A_137 = arith.constant 0 : i32
        %dma_wait3A_138 = tpu.memref_slice %arg7[%scan3A_89, %dma_wait3A_133, %dma_wait3A_137] : memref<128x5x40xi32, #tpu.memory_space<vmem>> -> memref<1x1x40xi32, #tpu.memory_space<vmem>>
        %dma_wait3A_139 = tpu.memref_squeeze %dma_wait3A_138 : memref<1x1x40xi32, #tpu.memory_space<vmem>> -> memref<40xi32, #tpu.memory_space<vmem>>
        %dma_wait3A_140 = arith.constant 0 : i32
        %dma_wait3A_141 = arith.constant 0 : i32
        %dma_wait3A_142 = tpu.memref_slice %arg3[%dma_wait3A_140, %dma_wait3A_141] : memref<1000000x64xf32, #tpu.memory_space<hbm>> -> memref<1000000x64xf32, #tpu.memory_space<hbm>>
        tpu.wait_indirect_dma semaphore(%arg14 : memref<!tpu.dma_semaphore, #tpu.memory_space<semaphore_mem>>) src(%dma_wait3A_142 : memref<1000000x64xf32, #tpu.memory_space<hbm>>) dst(%dma_wait3A_136 : memref<40x64xf32, #tpu.memory_space<vmem>>)
        %dma_wait3A_143 = arith.constant 4 : i32
        %dma_wait3A_144 = arith.constant 160 : i32
        %dma_wait3A_145 = arith.constant 0 : i32
        %dma_wait3A_146 = tpu.memref_slice %arg9[%dma_wait3A_144, %dma_wait3A_145] : memref<200x64xf32, #tpu.memory_space<vmem>> -> memref<40x64xf32, #tpu.memory_space<vmem>>
        %dma_wait3A_147 = arith.constant 0 : i32
        %dma_wait3A_148 = tpu.memref_slice %arg7[%scan3A_89, %dma_wait3A_143, %dma_wait3A_147] : memref<128x5x40xi32, #tpu.memory_space<vmem>> -> memref<1x1x40xi32, #tpu.memory_space<vmem>>
        %dma_wait3A_149 = tpu.memref_squeeze %dma_wait3A_148 : memref<1x1x40xi32, #tpu.memory_space<vmem>> -> memref<40xi32, #tpu.memory_space<vmem>>
        %dma_wait3A_150 = arith.constant 0 : i32
        %dma_wait3A_151 = arith.constant 0 : i32
        %dma_wait3A_152 = tpu.memref_slice %arg3[%dma_wait3A_150, %dma_wait3A_151] : memref<1000000x64xf32, #tpu.memory_space<hbm>> -> memref<1000000x64xf32, #tpu.memory_space<hbm>>
        tpu.wait_indirect_dma semaphore(%arg14 : memref<!tpu.dma_semaphore, #tpu.memory_space<semaphore_mem>>) src(%dma_wait3A_152 : memref<1000000x64xf32, #tpu.memory_space<hbm>>) dst(%dma_wait3A_146 : memref<40x64xf32, #tpu.memory_space<vmem>>)
        %ge3A = arith.constant 2 : i32
        %ge3A_153 = arith.cmpi sge, %scan3A_89, %ge3A : i32
        %convert_element_type3A_154 = arith.extui %ge3A_153 : i1 to i32
        %cond3A_155 = arith.constant 0 : i32
        %cond3A_156 = arith.cmpi ne, %convert_element_type3A_154, %cond3A_155 : i32
        scf.if %cond3A_156 {
          %dma_wait3A_176 = arith.constant 0 : i32
          %dma_wait3A_177 = arith.constant 0 : i32
          %dma_wait3A_178 = tpu.memref_slice %arg5[%mul3A_2, %dma_wait3A_176, %dma_wait3A_177] : memref<4096x200x64xf32, #tpu.memory_space<hbm>> -> memref<1x200x64xf32, #tpu.memory_space<hbm>>
          %dma_wait3A_179 = tpu.memref_squeeze %dma_wait3A_178 : memref<1x200x64xf32, #tpu.memory_space<hbm>> -> memref<200x64xf32, #tpu.memory_space<hbm>>
          %dma_wait3A_180 = arith.constant 0 : i32
          %dma_wait3A_181 = arith.constant 0 : i32
          %dma_wait3A_182 = tpu.memref_slice %arg5[%mul3A_2, %dma_wait3A_180, %dma_wait3A_181] : memref<4096x200x64xf32, #tpu.memory_space<hbm>> -> memref<1x200x64xf32, #tpu.memory_space<hbm>>
          %dma_wait3A_183 = tpu.memref_squeeze %dma_wait3A_182 : memref<1x200x64xf32, #tpu.memory_space<hbm>> -> memref<200x64xf32, #tpu.memory_space<hbm>>
          tpu.wait_dma2 semaphore(%arg18 : memref<!tpu.dma_semaphore, #tpu.memory_space<semaphore_mem>>) src(%arg10 : memref<200x64xf32, #tpu.memory_space<vmem>>) dst(%dma_wait3A_183 : memref<200x64xf32, #tpu.memory_space<hbm>>)
        } else {
        }
        %lt3A = arith.constant 127 : i32
        %lt3A_157 = arith.cmpi slt, %scan3A_89, %lt3A : i32
        %convert_element_type3A_158 = arith.extui %lt3A_157 : i1 to i32
        %cond3A_159 = arith.constant 0 : i32
        %cond3A_160 = arith.cmpi ne, %convert_element_type3A_158, %cond3A_159 : i32
        scf.if %cond3A_160 {
          %add3A_176 = arith.constant 1 : i32
          %add3A_177 = arith.addi %scan3A_89, %add3A_176 : i32
          %dma_start3A_178 = arith.constant 0 : i32
          %dma_start3A_179 = arith.constant 0 : i32
          %dma_start3A_180 = arith.constant 0 : i32
          %dma_start3A_181 = tpu.memref_slice %arg10[%dma_start3A_179, %dma_start3A_180] : memref<200x64xf32, #tpu.memory_space<vmem>> -> memref<40x64xf32, #tpu.memory_space<vmem>>
          %dma_start3A_182 = arith.constant 0 : i32
          %dma_start3A_183 = tpu.memref_slice %arg7[%add3A_177, %dma_start3A_178, %dma_start3A_182] : memref<128x5x40xi32, #tpu.memory_space<vmem>> -> memref<1x1x40xi32, #tpu.memory_space<vmem>>
          %dma_start3A_184 = tpu.memref_squeeze %dma_start3A_183 : memref<1x1x40xi32, #tpu.memory_space<vmem>> -> memref<40xi32, #tpu.memory_space<vmem>>
          %dma_start3A_185 = arith.constant 0 : i32
          %dma_start3A_186 = arith.constant 0 : i32
          %dma_start3A_187 = tpu.memref_slice %arg3[%dma_start3A_185, %dma_start3A_186] : memref<1000000x64xf32, #tpu.memory_space<hbm>> -> memref<1000000x64xf32, #tpu.memory_space<hbm>>
          tpu.enqueue_indirect_dma source(%dma_start3A_187 : memref<1000000x64xf32, #tpu.memory_space<hbm>>) target(%dma_start3A_181 : memref<40x64xf32, #tpu.memory_space<vmem>>) offsets(%dma_start3A_184 : memref<40xi32, #tpu.memory_space<vmem>>) semaphore(%arg15 : memref<!tpu.dma_semaphore, #tpu.memory_space<semaphore_mem>>)
          %dma_start3A_188 = arith.constant 1 : i32
          %dma_start3A_189 = arith.constant 40 : i32
          %dma_start3A_190 = arith.constant 0 : i32
          %dma_start3A_191 = tpu.memref_slice %arg10[%dma_start3A_189, %dma_start3A_190] : memref<200x64xf32, #tpu.memory_space<vmem>> -> memref<40x64xf32, #tpu.memory_space<vmem>>
          %dma_start3A_192 = arith.constant 0 : i32
          %dma_start3A_193 = tpu.memref_slice %arg7[%add3A_177, %dma_start3A_188, %dma_start3A_192] : memref<128x5x40xi32, #tpu.memory_space<vmem>> -> memref<1x1x40xi32, #tpu.memory_space<vmem>>
          %dma_start3A_194 = tpu.memref_squeeze %dma_start3A_193 : memref<1x1x40xi32, #tpu.memory_space<vmem>> -> memref<40xi32, #tpu.memory_space<vmem>>
          %dma_start3A_195 = arith.constant 0 : i32
          %dma_start3A_196 = arith.constant 0 : i32
          %dma_start3A_197 = tpu.memref_slice %arg3[%dma_start3A_195, %dma_start3A_196] : memref<1000000x64xf32, #tpu.memory_space<hbm>> -> memref<1000000x64xf32, #tpu.memory_space<hbm>>
          tpu.enqueue_indirect_dma source(%dma_start3A_197 : memref<1000000x64xf32, #tpu.memory_space<hbm>>) target(%dma_start3A_191 : memref<40x64xf32, #tpu.memory_space<vmem>>) offsets(%dma_start3A_194 : memref<40xi32, #tpu.memory_space<vmem>>) semaphore(%arg15 : memref<!tpu.dma_semaphore, #tpu.memory_space<semaphore_mem>>)
          %dma_start3A_198 = arith.constant 2 : i32
          %dma_start3A_199 = arith.constant 80 : i32
          %dma_start3A_200 = arith.constant 0 : i32
          %dma_start3A_201 = tpu.memref_slice %arg10[%dma_start3A_199, %dma_start3A_200] : memref<200x64xf32, #tpu.memory_space<vmem>> -> memref<40x64xf32, #tpu.memory_space<vmem>>
          %dma_start3A_202 = arith.constant 0 : i32
          %dma_start3A_203 = tpu.memref_slice %arg7[%add3A_177, %dma_start3A_198, %dma_start3A_202] : memref<128x5x40xi32, #tpu.memory_space<vmem>> -> memref<1x1x40xi32, #tpu.memory_space<vmem>>
          %dma_start3A_204 = tpu.memref_squeeze %dma_start3A_203 : memref<1x1x40xi32, #tpu.memory_space<vmem>> -> memref<40xi32, #tpu.memory_space<vmem>>
          %dma_start3A_205 = arith.constant 0 : i32
          %dma_start3A_206 = arith.constant 0 : i32
          %dma_start3A_207 = tpu.memref_slice %arg3[%dma_start3A_205, %dma_start3A_206] : memref<1000000x64xf32, #tpu.memory_space<hbm>> -> memref<1000000x64xf32, #tpu.memory_space<hbm>>
          tpu.enqueue_indirect_dma source(%dma_start3A_207 : memref<1000000x64xf32, #tpu.memory_space<hbm>>) target(%dma_start3A_201 : memref<40x64xf32, #tpu.memory_space<vmem>>) offsets(%dma_start3A_204 : memref<40xi32, #tpu.memory_space<vmem>>) semaphore(%arg15 : memref<!tpu.dma_semaphore, #tpu.memory_space<semaphore_mem>>)
          %dma_start3A_208 = arith.constant 3 : i32
          %dma_start3A_209 = arith.constant 120 : i32
          %dma_start3A_210 = arith.constant 0 : i32
          %dma_start3A_211 = tpu.memref_slice %arg10[%dma_start3A_209, %dma_start3A_210] : memref<200x64xf32, #tpu.memory_space<vmem>> -> memref<40x64xf32, #tpu.memory_space<vmem>>
          %dma_start3A_212 = arith.constant 0 : i32
          %dma_start3A_213 = tpu.memref_slice %arg7[%add3A_177, %dma_start3A_208, %dma_start3A_212] : memref<128x5x40xi32, #tpu.memory_space<vmem>> -> memref<1x1x40xi32, #tpu.memory_space<vmem>>
          %dma_start3A_214 = tpu.memref_squeeze %dma_start3A_213 : memref<1x1x40xi32, #tpu.memory_space<vmem>> -> memref<40xi32, #tpu.memory_space<vmem>>
          %dma_start3A_215 = arith.constant 0 : i32
          %dma_start3A_216 = arith.constant 0 : i32
          %dma_start3A_217 = tpu.memref_slice %arg3[%dma_start3A_215, %dma_start3A_216] : memref<1000000x64xf32, #tpu.memory_space<hbm>> -> memref<1000000x64xf32, #tpu.memory_space<hbm>>
          tpu.enqueue_indirect_dma source(%dma_start3A_217 : memref<1000000x64xf32, #tpu.memory_space<hbm>>) target(%dma_start3A_211 : memref<40x64xf32, #tpu.memory_space<vmem>>) offsets(%dma_start3A_214 : memref<40xi32, #tpu.memory_space<vmem>>) semaphore(%arg15 : memref<!tpu.dma_semaphore, #tpu.memory_space<semaphore_mem>>)
          %dma_start3A_218 = arith.constant 4 : i32
          %dma_start3A_219 = arith.constant 160 : i32
          %dma_start3A_220 = arith.constant 0 : i32
          %dma_start3A_221 = tpu.memref_slice %arg10[%dma_start3A_219, %dma_start3A_220] : memref<200x64xf32, #tpu.memory_space<vmem>> -> memref<40x64xf32, #tpu.memory_space<vmem>>
          %dma_start3A_222 = arith.constant 0 : i32
          %dma_start3A_223 = tpu.memref_slice %arg7[%add3A_177, %dma_start3A_218, %dma_start3A_222] : memref<128x5x40xi32, #tpu.memory_space<vmem>> -> memref<1x1x40xi32, #tpu.memory_space<vmem>>
          %dma_start3A_224 = tpu.memref_squeeze %dma_start3A_223 : memref<1x1x40xi32, #tpu.memory_space<vmem>> -> memref<40xi32, #tpu.memory_space<vmem>>
          %dma_start3A_225 = arith.constant 0 : i32
          %dma_start3A_226 = arith.constant 0 : i32
          %dma_start3A_227 = tpu.memref_slice %arg3[%dma_start3A_225, %dma_start3A_226] : memref<1000000x64xf32, #tpu.memory_space<hbm>> -> memref<1000000x64xf32, #tpu.memory_space<hbm>>
          tpu.enqueue_indirect_dma source(%dma_start3A_227 : memref<1000000x64xf32, #tpu.memory_space<hbm>>) target(%dma_start3A_221 : memref<40x64xf32, #tpu.memory_space<vmem>>) offsets(%dma_start3A_224 : memref<40xi32, #tpu.memory_space<vmem>>) semaphore(%arg15 : memref<!tpu.dma_semaphore, #tpu.memory_space<semaphore_mem>>)
        } else {
        }
        %scan3A_161 = arith.constant 0 : i32
        %scan3A_162 = arith.constant 0 : i32
        %scan3A_163 = arith.constant 25 : i32
        %scan3A_164 = arith.addi %scan3A_162, %scan3A_163 : i32
        %scan3A_165 = arith.constant 1 : i32
        scf.for %scan3A_176 = %scan3A_162 to %scan3A_164 step %scan3A_165  : i32 {
          %mul3A_177 = arith.constant 8 : i32
          %mul3A_178 = arith.muli %mul3A_177, %scan3A_176 : i32
          %add3A_179 = arith.constant 0 : i32
          %add3A_180 = arith.addi %mul3A_178, %add3A_179 : i32
          %get3A = arith.index_cast %add3A_180 : i32 to index
          %get3A_181 = arith.constant 0 : index
          %get3A_182 = tpu.vector_load %arg6[%get3A, %get3A_181] {strides = array<i32>} : memref<200x64xf32, #tpu.memory_space<vmem>>, vector<1x16xf32>,
          %get3A_183 = vector.shape_cast %get3A_182 : vector<1x16xf32> to vector<16xf32>
          %swap3A = arith.index_cast %add3A_180 : i32 to index
          %swap3A_184 = arith.constant 0 : index
          %swap3A_185 = tpu.vector_load %arg9[%swap3A, %swap3A_184] {strides = array<i32>} : memref<200x64xf32, #tpu.memory_space<vmem>>, vector<1x16xf32>,
          %swap3A_186 = vector.shape_cast %swap3A_185 : vector<1x16xf32> to vector<16xf32>
          %swap3A_187 = vector.shape_cast %get3A_183 : vector<16xf32> to vector<1x16xf32>
          tpu.vector_store %arg9[%swap3A, %swap3A_184], %swap3A_187 {add = true, strides = array<i32>} : memref<200x64xf32, #tpu.memory_space<vmem>>, vector<1x16xf32>,
          %get3A_188 = arith.index_cast %add3A_180 : i32 to index
          %get3A_189 = arith.constant 16 : index
          %get3A_190 = tpu.vector_load %arg6[%get3A_188, %get3A_189] {strides = array<i32>} : memref<200x64xf32, #tpu.memory_space<vmem>>, vector<1x16xf32>,
          %get3A_191 = vector.shape_cast %get3A_190 : vector<1x16xf32> to vector<16xf32>
          %swap3A_192 = arith.index_cast %add3A_180 : i32 to index
          %swap3A_193 = arith.constant 16 : index
          %swap3A_194 = tpu.vector_load %arg9[%swap3A_192, %swap3A_193] {strides = array<i32>} : memref<200x64xf32, #tpu.memory_space<vmem>>, vector<1x16xf32>,
          %swap3A_195 = vector.shape_cast %swap3A_194 : vector<1x16xf32> to vector<16xf32>
          %swap3A_196 = vector.shape_cast %get3A_191 : vector<16xf32> to vector<1x16xf32>
          tpu.vector_store %arg9[%swap3A_192, %swap3A_193], %swap3A_196 {add = true, strides = array<i32>} : memref<200x64xf32, #tpu.memory_space<vmem>>, vector<1x16xf32>,
          %get3A_197 = arith.index_cast %add3A_180 : i32 to index
          %get3A_198 = arith.constant 32 : index
          %get3A_199 = tpu.vector_load %arg6[%get3A_197, %get3A_198] {strides = array<i32>} : memref<200x64xf32, #tpu.memory_space<vmem>>, vector<1x16xf32>,
          %get3A_200 = vector.shape_cast %get3A_199 : vector<1x16xf32> to vector<16xf32>
          %swap3A_201 = arith.index_cast %add3A_180 : i32 to index
          %swap3A_202 = arith.constant 32 : index
          %swap3A_203 = tpu.vector_load %arg9[%swap3A_201, %swap3A_202] {strides = array<i32>} : memref<200x64xf32, #tpu.memory_space<vmem>>, vector<1x16xf32>,
          %swap3A_204 = vector.shape_cast %swap3A_203 : vector<1x16xf32> to vector<16xf32>
          %swap3A_205 = vector.shape_cast %get3A_200 : vector<16xf32> to vector<1x16xf32>
          tpu.vector_store %arg9[%swap3A_201, %swap3A_202], %swap3A_205 {add = true, strides = array<i32>} : memref<200x64xf32, #tpu.memory_space<vmem>>, vector<1x16xf32>,
          %get3A_206 = arith.index_cast %add3A_180 : i32 to index
          %get3A_207 = arith.constant 48 : index
          %get3A_208 = tpu.vector_load %arg6[%get3A_206, %get3A_207] {strides = array<i32>} : memref<200x64xf32, #tpu.memory_space<vmem>>, vector<1x16xf32>,
          %get3A_209 = vector.shape_cast %get3A_208 : vector<1x16xf32> to vector<16xf32>
          %swap3A_210 = arith.index_cast %add3A_180 : i32 to index
          %swap3A_211 = arith.constant 48 : index
          %swap3A_212 = tpu.vector_load %arg9[%swap3A_210, %swap3A_211] {strides = array<i32>} : memref<200x64xf32, #tpu.memory_space<vmem>>, vector<1x16xf32>,
          %swap3A_213 = vector.shape_cast %swap3A_212 : vector<1x16xf32> to vector<16xf32>
          %swap3A_214 = vector.shape_cast %get3A_209 : vector<16xf32> to vector<1x16xf32>
          tpu.vector_store %arg9[%swap3A_210, %swap3A_211], %swap3A_214 {add = true, strides = array<i32>} : memref<200x64xf32, #tpu.memory_space<vmem>>, vector<1x16xf32>,
          %mul3A_215 = arith.constant 8 : i32
          %mul3A_216 = arith.muli %mul3A_215, %scan3A_176 : i32
          %add3A_217 = arith.constant 1 : i32
          %add3A_218 = arith.addi %mul3A_216, %add3A_217 : i32
          %get3A_219 = arith.index_cast %add3A_218 : i32 to index
          %get3A_220 = arith.constant 0 : index
          %get3A_221 = tpu.vector_load %arg6[%get3A_219, %get3A_220] {strides = array<i32>} : memref<200x64xf32, #tpu.memory_space<vmem>>, vector<1x16xf32>,
          %get3A_222 = vector.shape_cast %get3A_221 : vector<1x16xf32> to vector<16xf32>
          %swap3A_223 = arith.index_cast %add3A_218 : i32 to index
          %swap3A_224 = arith.constant 0 : index
          %swap3A_225 = tpu.vector_load %arg9[%swap3A_223, %swap3A_224] {strides = array<i32>} : memref<200x64xf32, #tpu.memory_space<vmem>>, vector<1x16xf32>,
          %swap3A_226 = vector.shape_cast %swap3A_225 : vector<1x16xf32> to vector<16xf32>
          %swap3A_227 = vector.shape_cast %get3A_222 : vector<16xf32> to vector<1x16xf32>
          tpu.vector_store %arg9[%swap3A_223, %swap3A_224], %swap3A_227 {add = true, strides = array<i32>} : memref<200x64xf32, #tpu.memory_space<vmem>>, vector<1x16xf32>,
          %get3A_228 = arith.index_cast %add3A_218 : i32 to index
          %get3A_229 = arith.constant 16 : index
          %get3A_230 = tpu.vector_load %arg6[%get3A_228, %get3A_229] {strides = array<i32>} : memref<200x64xf32, #tpu.memory_space<vmem>>, vector<1x16xf32>,
          %get3A_231 = vector.shape_cast %get3A_230 : vector<1x16xf32> to vector<16xf32>
          %swap3A_232 = arith.index_cast %add3A_218 : i32 to index
          %swap3A_233 = arith.constant 16 : index
          %swap3A_234 = tpu.vector_load %arg9[%swap3A_232, %swap3A_233] {strides = array<i32>} : memref<200x64xf32, #tpu.memory_space<vmem>>, vector<1x16xf32>,
          %swap3A_235 = vector.shape_cast %swap3A_234 : vector<1x16xf32> to vector<16xf32>
          %swap3A_236 = vector.shape_cast %get3A_231 : vector<16xf32> to vector<1x16xf32>
          tpu.vector_store %arg9[%swap3A_232, %swap3A_233], %swap3A_236 {add = true, strides = array<i32>} : memref<200x64xf32, #tpu.memory_space<vmem>>, vector<1x16xf32>,
          %get3A_237 = arith.index_cast %add3A_218 : i32 to index
          %get3A_238 = arith.constant 32 : index
          %get3A_239 = tpu.vector_load %arg6[%get3A_237, %get3A_238] {strides = array<i32>} : memref<200x64xf32, #tpu.memory_space<vmem>>, vector<1x16xf32>,
          %get3A_240 = vector.shape_cast %get3A_239 : vector<1x16xf32> to vector<16xf32>
          %swap3A_241 = arith.index_cast %add3A_218 : i32 to index
          %swap3A_242 = arith.constant 32 : index
          %swap3A_243 = tpu.vector_load %arg9[%swap3A_241, %swap3A_242] {strides = array<i32>} : memref<200x64xf32, #tpu.memory_space<vmem>>, vector<1x16xf32>,
          %swap3A_244 = vector.shape_cast %swap3A_243 : vector<1x16xf32> to vector<16xf32>
          %swap3A_245 = vector.shape_cast %get3A_240 : vector<16xf32> to vector<1x16xf32>
          tpu.vector_store %arg9[%swap3A_241, %swap3A_242], %swap3A_245 {add = true, strides = array<i32>} : memref<200x64xf32, #tpu.memory_space<vmem>>, vector<1x16xf32>,
          %get3A_246 = arith.index_cast %add3A_218 : i32 to index
          %get3A_247 = arith.constant 48 : index
          %get3A_248 = tpu.vector_load %arg6[%get3A_246, %get3A_247] {strides = array<i32>} : memref<200x64xf32, #tpu.memory_space<vmem>>, vector<1x16xf32>,
          %get3A_249 = vector.shape_cast %get3A_248 : vector<1x16xf32> to vector<16xf32>
          %swap3A_250 = arith.index_cast %add3A_218 : i32 to index
          %swap3A_251 = arith.constant 48 : index
          %swap3A_252 = tpu.vector_load %arg9[%swap3A_250, %swap3A_251] {strides = array<i32>} : memref<200x64xf32, #tpu.memory_space<vmem>>, vector<1x16xf32>,
          %swap3A_253 = vector.shape_cast %swap3A_252 : vector<1x16xf32> to vector<16xf32>
          %swap3A_254 = vector.shape_cast %get3A_249 : vector<16xf32> to vector<1x16xf32>
          tpu.vector_store %arg9[%swap3A_250, %swap3A_251], %swap3A_254 {add = true, strides = array<i32>} : memref<200x64xf32, #tpu.memory_space<vmem>>, vector<1x16xf32>,
          %mul3A_255 = arith.constant 8 : i32
          %mul3A_256 = arith.muli %mul3A_255, %scan3A_176 : i32
          %add3A_257 = arith.constant 2 : i32
          %add3A_258 = arith.addi %mul3A_256, %add3A_257 : i32
          %get3A_259 = arith.index_cast %add3A_258 : i32 to index
          %get3A_260 = arith.constant 0 : index
          %get3A_261 = tpu.vector_load %arg6[%get3A_259, %get3A_260] {strides = array<i32>} : memref<200x64xf32, #tpu.memory_space<vmem>>, vector<1x16xf32>,
          %get3A_262 = vector.shape_cast %get3A_261 : vector<1x16xf32> to vector<16xf32>
          %swap3A_263 = arith.index_cast %add3A_258 : i32 to index
          %swap3A_264 = arith.constant 0 : index
          %swap3A_265 = tpu.vector_load %arg9[%swap3A_263, %swap3A_264] {strides = array<i32>} : memref<200x64xf32, #tpu.memory_space<vmem>>, vector<1x16xf32>,
          %swap3A_266 = vector.shape_cast %swap3A_265 : vector<1x16xf32> to vector<16xf32>
          %swap3A_267 = vector.shape_cast %get3A_262 : vector<16xf32> to vector<1x16xf32>
          tpu.vector_store %arg9[%swap3A_263, %swap3A_264], %swap3A_267 {add = true, strides = array<i32>} : memref<200x64xf32, #tpu.memory_space<vmem>>, vector<1x16xf32>,
          %get3A_268 = arith.index_cast %add3A_258 : i32 to index
          %get3A_269 = arith.constant 16 : index
          %get3A_270 = tpu.vector_load %arg6[%get3A_268, %get3A_269] {strides = array<i32>} : memref<200x64xf32, #tpu.memory_space<vmem>>, vector<1x16xf32>,
          %get3A_271 = vector.shape_cast %get3A_270 : vector<1x16xf32> to vector<16xf32>
          %swap3A_272 = arith.index_cast %add3A_258 : i32 to index
          %swap3A_273 = arith.constant 16 : index
          %swap3A_274 = tpu.vector_load %arg9[%swap3A_272, %swap3A_273] {strides = array<i32>} : memref<200x64xf32, #tpu.memory_space<vmem>>, vector<1x16xf32>,
          %swap3A_275 = vector.shape_cast %swap3A_274 : vector<1x16xf32> to vector<16xf32>
          %swap3A_276 = vector.shape_cast %get3A_271 : vector<16xf32> to vector<1x16xf32>
          tpu.vector_store %arg9[%swap3A_272, %swap3A_273], %swap3A_276 {add = true, strides = array<i32>} : memref<200x64xf32, #tpu.memory_space<vmem>>, vector<1x16xf32>,
          %get3A_277 = arith.index_cast %add3A_258 : i32 to index
          %get3A_278 = arith.constant 32 : index
          %get3A_279 = tpu.vector_load %arg6[%get3A_277, %get3A_278] {strides = array<i32>} : memref<200x64xf32, #tpu.memory_space<vmem>>, vector<1x16xf32>,
          %get3A_280 = vector.shape_cast %get3A_279 : vector<1x16xf32> to vector<16xf32>
          %swap3A_281 = arith.index_cast %add3A_258 : i32 to index
          %swap3A_282 = arith.constant 32 : index
          %swap3A_283 = tpu.vector_load %arg9[%swap3A_281, %swap3A_282] {strides = array<i32>} : memref<200x64xf32, #tpu.memory_space<vmem>>, vector<1x16xf32>,
          %swap3A_284 = vector.shape_cast %swap3A_283 : vector<1x16xf32> to vector<16xf32>
          %swap3A_285 = vector.shape_cast %get3A_280 : vector<16xf32> to vector<1x16xf32>
          tpu.vector_store %arg9[%swap3A_281, %swap3A_282], %swap3A_285 {add = true, strides = array<i32>} : memref<200x64xf32, #tpu.memory_space<vmem>>, vector<1x16xf32>,
          %get3A_286 = arith.index_cast %add3A_258 : i32 to index
          %get3A_287 = arith.constant 48 : index
          %get3A_288 = tpu.vector_load %arg6[%get3A_286, %get3A_287] {strides = array<i32>} : memref<200x64xf32, #tpu.memory_space<vmem>>, vector<1x16xf32>,
          %get3A_289 = vector.shape_cast %get3A_288 : vector<1x16xf32> to vector<16xf32>
          %swap3A_290 = arith.index_cast %add3A_258 : i32 to index
          %swap3A_291 = arith.constant 48 : index
          %swap3A_292 = tpu.vector_load %arg9[%swap3A_290, %swap3A_291] {strides = array<i32>} : memref<200x64xf32, #tpu.memory_space<vmem>>, vector<1x16xf32>,
          %swap3A_293 = vector.shape_cast %swap3A_292 : vector<1x16xf32> to vector<16xf32>
          %swap3A_294 = vector.shape_cast %get3A_289 : vector<16xf32> to vector<1x16xf32>
          tpu.vector_store %arg9[%swap3A_290, %swap3A_291], %swap3A_294 {add = true, strides = array<i32>} : memref<200x64xf32, #tpu.memory_space<vmem>>, vector<1x16xf32>,
          %mul3A_295 = arith.constant 8 : i32
          %mul3A_296 = arith.muli %mul3A_295, %scan3A_176 : i32
          %add3A_297 = arith.constant 3 : i32
          %add3A_298 = arith.addi %mul3A_296, %add3A_297 : i32
          %get3A_299 = arith.index_cast %add3A_298 : i32 to index
          %get3A_300 = arith.constant 0 : index
          %get3A_301 = tpu.vector_load %arg6[%get3A_299, %get3A_300] {strides = array<i32>} : memref<200x64xf32, #tpu.memory_space<vmem>>, vector<1x16xf32>,
          %get3A_302 = vector.shape_cast %get3A_301 : vector<1x16xf32> to vector<16xf32>
          %swap3A_303 = arith.index_cast %add3A_298 : i32 to index
          %swap3A_304 = arith.constant 0 : index
          %swap3A_305 = tpu.vector_load %arg9[%swap3A_303, %swap3A_304] {strides = array<i32>} : memref<200x64xf32, #tpu.memory_space<vmem>>, vector<1x16xf32>,
          %swap3A_306 = vector.shape_cast %swap3A_305 : vector<1x16xf32> to vector<16xf32>
          %swap3A_307 = vector.shape_cast %get3A_302 : vector<16xf32> to vector<1x16xf32>
          tpu.vector_store %arg9[%swap3A_303, %swap3A_304], %swap3A_307 {add = true, strides = array<i32>} : memref<200x64xf32, #tpu.memory_space<vmem>>, vector<1x16xf32>,
          %get3A_308 = arith.index_cast %add3A_298 : i32 to index
          %get3A_309 = arith.constant 16 : index
          %get3A_310 = tpu.vector_load %arg6[%get3A_308, %get3A_309] {strides = array<i32>} : memref<200x64xf32, #tpu.memory_space<vmem>>, vector<1x16xf32>,
          %get3A_311 = vector.shape_cast %get3A_310 : vector<1x16xf32> to vector<16xf32>
          %swap3A_312 = arith.index_cast %add3A_298 : i32 to index
          %swap3A_313 = arith.constant 16 : index
          %swap3A_314 = tpu.vector_load %arg9[%swap3A_312, %swap3A_313] {strides = array<i32>} : memref<200x64xf32, #tpu.memory_space<vmem>>, vector<1x16xf32>,
          %swap3A_315 = vector.shape_cast %swap3A_314 : vector<1x16xf32> to vector<16xf32>
          %swap3A_316 = vector.shape_cast %get3A_311 : vector<16xf32> to vector<1x16xf32>
          tpu.vector_store %arg9[%swap3A_312, %swap3A_313], %swap3A_316 {add = true, strides = array<i32>} : memref<200x64xf32, #tpu.memory_space<vmem>>, vector<1x16xf32>,
          %get3A_317 = arith.index_cast %add3A_298 : i32 to index
          %get3A_318 = arith.constant 32 : index
          %get3A_319 = tpu.vector_load %arg6[%get3A_317, %get3A_318] {strides = array<i32>} : memref<200x64xf32, #tpu.memory_space<vmem>>, vector<1x16xf32>,
          %get3A_320 = vector.shape_cast %get3A_319 : vector<1x16xf32> to vector<16xf32>
          %swap3A_321 = arith.index_cast %add3A_298 : i32 to index
          %swap3A_322 = arith.constant 32 : index
          %swap3A_323 = tpu.vector_load %arg9[%swap3A_321, %swap3A_322] {strides = array<i32>} : memref<200x64xf32, #tpu.memory_space<vmem>>, vector<1x16xf32>,
          %swap3A_324 = vector.shape_cast %swap3A_323 : vector<1x16xf32> to vector<16xf32>
          %swap3A_325 = vector.shape_cast %get3A_320 : vector<16xf32> to vector<1x16xf32>
          tpu.vector_store %arg9[%swap3A_321, %swap3A_322], %swap3A_325 {add = true, strides = array<i32>} : memref<200x64xf32, #tpu.memory_space<vmem>>, vector<1x16xf32>,
          %get3A_326 = arith.index_cast %add3A_298 : i32 to index
          %get3A_327 = arith.constant 48 : index
          %get3A_328 = tpu.vector_load %arg6[%get3A_326, %get3A_327] {strides = array<i32>} : memref<200x64xf32, #tpu.memory_space<vmem>>, vector<1x16xf32>,
          %get3A_329 = vector.shape_cast %get3A_328 : vector<1x16xf32> to vector<16xf32>
          %swap3A_330 = arith.index_cast %add3A_298 : i32 to index
          %swap3A_331 = arith.constant 48 : index
          %swap3A_332 = tpu.vector_load %arg9[%swap3A_330, %swap3A_331] {strides = array<i32>} : memref<200x64xf32, #tpu.memory_space<vmem>>, vector<1x16xf32>,
          %swap3A_333 = vector.shape_cast %swap3A_332 : vector<1x16xf32> to vector<16xf32>
          %swap3A_334 = vector.shape_cast %get3A_329 : vector<16xf32> to vector<1x16xf32>
          tpu.vector_store %arg9[%swap3A_330, %swap3A_331], %swap3A_334 {add = true, strides = array<i32>} : memref<200x64xf32, #tpu.memory_space<vmem>>, vector<1x16xf32>,
          %mul3A_335 = arith.constant 8 : i32
          %mul3A_336 = arith.muli %mul3A_335, %scan3A_176 : i32
          %add3A_337 = arith.constant 4 : i32
          %add3A_338 = arith.addi %mul3A_336, %add3A_337 : i32
          %get3A_339 = arith.index_cast %add3A_338 : i32 to index
          %get3A_340 = arith.constant 0 : index
          %get3A_341 = tpu.vector_load %arg6[%get3A_339, %get3A_340] {strides = array<i32>} : memref<200x64xf32, #tpu.memory_space<vmem>>, vector<1x16xf32>,
          %get3A_342 = vector.shape_cast %get3A_341 : vector<1x16xf32> to vector<16xf32>
          %swap3A_343 = arith.index_cast %add3A_338 : i32 to index
          %swap3A_344 = arith.constant 0 : index
          %swap3A_345 = tpu.vector_load %arg9[%swap3A_343, %swap3A_344] {strides = array<i32>} : memref<200x64xf32, #tpu.memory_space<vmem>>, vector<1x16xf32>,
          %swap3A_346 = vector.shape_cast %swap3A_345 : vector<1x16xf32> to vector<16xf32>
          %swap3A_347 = vector.shape_cast %get3A_342 : vector<16xf32> to vector<1x16xf32>
          tpu.vector_store %arg9[%swap3A_343, %swap3A_344], %swap3A_347 {add = true, strides = array<i32>} : memref<200x64xf32, #tpu.memory_space<vmem>>, vector<1x16xf32>,
          %get3A_348 = arith.index_cast %add3A_338 : i32 to index
          %get3A_349 = arith.constant 16 : index
          %get3A_350 = tpu.vector_load %arg6[%get3A_348, %get3A_349] {strides = array<i32>} : memref<200x64xf32, #tpu.memory_space<vmem>>, vector<1x16xf32>,
          %get3A_351 = vector.shape_cast %get3A_350 : vector<1x16xf32> to vector<16xf32>
          %swap3A_352 = arith.index_cast %add3A_338 : i32 to index
          %swap3A_353 = arith.constant 16 : index
          %swap3A_354 = tpu.vector_load %arg9[%swap3A_352, %swap3A_353] {strides = array<i32>} : memref<200x64xf32, #tpu.memory_space<vmem>>, vector<1x16xf32>,
          %swap3A_355 = vector.shape_cast %swap3A_354 : vector<1x16xf32> to vector<16xf32>
          %swap3A_356 = vector.shape_cast %get3A_351 : vector<16xf32> to vector<1x16xf32>
          tpu.vector_store %arg9[%swap3A_352, %swap3A_353], %swap3A_356 {add = true, strides = array<i32>} : memref<200x64xf32, #tpu.memory_space<vmem>>, vector<1x16xf32>,
          %get3A_357 = arith.index_cast %add3A_338 : i32 to index
          %get3A_358 = arith.constant 32 : index
          %get3A_359 = tpu.vector_load %arg6[%get3A_357, %get3A_358] {strides = array<i32>} : memref<200x64xf32, #tpu.memory_space<vmem>>, vector<1x16xf32>,
          %get3A_360 = vector.shape_cast %get3A_359 : vector<1x16xf32> to vector<16xf32>
          %swap3A_361 = arith.index_cast %add3A_338 : i32 to index
          %swap3A_362 = arith.constant 32 : index
          %swap3A_363 = tpu.vector_load %arg9[%swap3A_361, %swap3A_362] {strides = array<i32>} : memref<200x64xf32, #tpu.memory_space<vmem>>, vector<1x16xf32>,
          %swap3A_364 = vector.shape_cast %swap3A_363 : vector<1x16xf32> to vector<16xf32>
          %swap3A_365 = vector.shape_cast %get3A_360 : vector<16xf32> to vector<1x16xf32>
          tpu.vector_store %arg9[%swap3A_361, %swap3A_362], %swap3A_365 {add = true, strides = array<i32>} : memref<200x64xf32, #tpu.memory_space<vmem>>, vector<1x16xf32>,
          %get3A_366 = arith.index_cast %add3A_338 : i32 to index
          %get3A_367 = arith.constant 48 : index
          %get3A_368 = tpu.vector_load %arg6[%get3A_366, %get3A_367] {strides = array<i32>} : memref<200x64xf32, #tpu.memory_space<vmem>>, vector<1x16xf32>,
          %get3A_369 = vector.shape_cast %get3A_368 : vector<1x16xf32> to vector<16xf32>
          %swap3A_370 = arith.index_cast %add3A_338 : i32 to index
          %swap3A_371 = arith.constant 48 : index
          %swap3A_372 = tpu.vector_load %arg9[%swap3A_370, %swap3A_371] {strides = array<i32>} : memref<200x64xf32, #tpu.memory_space<vmem>>, vector<1x16xf32>,
          %swap3A_373 = vector.shape_cast %swap3A_372 : vector<1x16xf32> to vector<16xf32>
          %swap3A_374 = vector.shape_cast %get3A_369 : vector<16xf32> to vector<1x16xf32>
          tpu.vector_store %arg9[%swap3A_370, %swap3A_371], %swap3A_374 {add = true, strides = array<i32>} : memref<200x64xf32, #tpu.memory_space<vmem>>, vector<1x16xf32>,
          %mul3A_375 = arith.constant 8 : i32
          %mul3A_376 = arith.muli %mul3A_375, %scan3A_176 : i32
          %add3A_377 = arith.constant 5 : i32
          %add3A_378 = arith.addi %mul3A_376, %add3A_377 : i32
          %get3A_379 = arith.index_cast %add3A_378 : i32 to index
          %get3A_380 = arith.constant 0 : index
          %get3A_381 = tpu.vector_load %arg6[%get3A_379, %get3A_380] {strides = array<i32>} : memref<200x64xf32, #tpu.memory_space<vmem>>, vector<1x16xf32>,
          %get3A_382 = vector.shape_cast %get3A_381 : vector<1x16xf32> to vector<16xf32>
          %swap3A_383 = arith.index_cast %add3A_378 : i32 to index
          %swap3A_384 = arith.constant 0 : index
          %swap3A_385 = tpu.vector_load %arg9[%swap3A_383, %swap3A_384] {strides = array<i32>} : memref<200x64xf32, #tpu.memory_space<vmem>>, vector<1x16xf32>,
          %swap3A_386 = vector.shape_cast %swap3A_385 : vector<1x16xf32> to vector<16xf32>
          %swap3A_387 = vector.shape_cast %get3A_382 : vector<16xf32> to vector<1x16xf32>
          tpu.vector_store %arg9[%swap3A_383, %swap3A_384], %swap3A_387 {add = true, strides = array<i32>} : memref<200x64xf32, #tpu.memory_space<vmem>>, vector<1x16xf32>,
          %get3A_388 = arith.index_cast %add3A_378 : i32 to index
          %get3A_389 = arith.constant 16 : index
          %get3A_390 = tpu.vector_load %arg6[%get3A_388, %get3A_389] {strides = array<i32>} : memref<200x64xf32, #tpu.memory_space<vmem>>, vector<1x16xf32>,
          %get3A_391 = vector.shape_cast %get3A_390 : vector<1x16xf32> to vector<16xf32>
          %swap3A_392 = arith.index_cast %add3A_378 : i32 to index
          %swap3A_393 = arith.constant 16 : index
          %swap3A_394 = tpu.vector_load %arg9[%swap3A_392, %swap3A_393] {strides = array<i32>} : memref<200x64xf32, #tpu.memory_space<vmem>>, vector<1x16xf32>,
          %swap3A_395 = vector.shape_cast %swap3A_394 : vector<1x16xf32> to vector<16xf32>
          %swap3A_396 = vector.shape_cast %get3A_391 : vector<16xf32> to vector<1x16xf32>
          tpu.vector_store %arg9[%swap3A_392, %swap3A_393], %swap3A_396 {add = true, strides = array<i32>} : memref<200x64xf32, #tpu.memory_space<vmem>>, vector<1x16xf32>,
          %get3A_397 = arith.index_cast %add3A_378 : i32 to index
          %get3A_398 = arith.constant 32 : index
          %get3A_399 = tpu.vector_load %arg6[%get3A_397, %get3A_398] {strides = array<i32>} : memref<200x64xf32, #tpu.memory_space<vmem>>, vector<1x16xf32>,
          %get3A_400 = vector.shape_cast %get3A_399 : vector<1x16xf32> to vector<16xf32>
          %swap3A_401 = arith.index_cast %add3A_378 : i32 to index
          %swap3A_402 = arith.constant 32 : index
          %swap3A_403 = tpu.vector_load %arg9[%swap3A_401, %swap3A_402] {strides = array<i32>} : memref<200x64xf32, #tpu.memory_space<vmem>>, vector<1x16xf32>,
          %swap3A_404 = vector.shape_cast %swap3A_403 : vector<1x16xf32> to vector<16xf32>
          %swap3A_405 = vector.shape_cast %get3A_400 : vector<16xf32> to vector<1x16xf32>
          tpu.vector_store %arg9[%swap3A_401, %swap3A_402], %swap3A_405 {add = true, strides = array<i32>} : memref<200x64xf32, #tpu.memory_space<vmem>>, vector<1x16xf32>,
          %get3A_406 = arith.index_cast %add3A_378 : i32 to index
          %get3A_407 = arith.constant 48 : index
          %get3A_408 = tpu.vector_load %arg6[%get3A_406, %get3A_407] {strides = array<i32>} : memref<200x64xf32, #tpu.memory_space<vmem>>, vector<1x16xf32>,
          %get3A_409 = vector.shape_cast %get3A_408 : vector<1x16xf32> to vector<16xf32>
          %swap3A_410 = arith.index_cast %add3A_378 : i32 to index
          %swap3A_411 = arith.constant 48 : index
          %swap3A_412 = tpu.vector_load %arg9[%swap3A_410, %swap3A_411] {strides = array<i32>} : memref<200x64xf32, #tpu.memory_space<vmem>>, vector<1x16xf32>,
          %swap3A_413 = vector.shape_cast %swap3A_412 : vector<1x16xf32> to vector<16xf32>
          %swap3A_414 = vector.shape_cast %get3A_409 : vector<16xf32> to vector<1x16xf32>
          tpu.vector_store %arg9[%swap3A_410, %swap3A_411], %swap3A_414 {add = true, strides = array<i32>} : memref<200x64xf32, #tpu.memory_space<vmem>>, vector<1x16xf32>,
          %mul3A_415 = arith.constant 8 : i32
          %mul3A_416 = arith.muli %mul3A_415, %scan3A_176 : i32
          %add3A_417 = arith.constant 6 : i32
          %add3A_418 = arith.addi %mul3A_416, %add3A_417 : i32
          %get3A_419 = arith.index_cast %add3A_418 : i32 to index
          %get3A_420 = arith.constant 0 : index
          %get3A_421 = tpu.vector_load %arg6[%get3A_419, %get3A_420] {strides = array<i32>} : memref<200x64xf32, #tpu.memory_space<vmem>>, vector<1x16xf32>,
          %get3A_422 = vector.shape_cast %get3A_421 : vector<1x16xf32> to vector<16xf32>
          %swap3A_423 = arith.index_cast %add3A_418 : i32 to index
          %swap3A_424 = arith.constant 0 : index
          %swap3A_425 = tpu.vector_load %arg9[%swap3A_423, %swap3A_424] {strides = array<i32>} : memref<200x64xf32, #tpu.memory_space<vmem>>, vector<1x16xf32>,
          %swap3A_426 = vector.shape_cast %swap3A_425 : vector<1x16xf32> to vector<16xf32>
          %swap3A_427 = vector.shape_cast %get3A_422 : vector<16xf32> to vector<1x16xf32>
          tpu.vector_store %arg9[%swap3A_423, %swap3A_424], %swap3A_427 {add = true, strides = array<i32>} : memref<200x64xf32, #tpu.memory_space<vmem>>, vector<1x16xf32>,
          %get3A_428 = arith.index_cast %add3A_418 : i32 to index
          %get3A_429 = arith.constant 16 : index
          %get3A_430 = tpu.vector_load %arg6[%get3A_428, %get3A_429] {strides = array<i32>} : memref<200x64xf32, #tpu.memory_space<vmem>>, vector<1x16xf32>,
          %get3A_431 = vector.shape_cast %get3A_430 : vector<1x16xf32> to vector<16xf32>
          %swap3A_432 = arith.index_cast %add3A_418 : i32 to index
          %swap3A_433 = arith.constant 16 : index
          %swap3A_434 = tpu.vector_load %arg9[%swap3A_432, %swap3A_433] {strides = array<i32>} : memref<200x64xf32, #tpu.memory_space<vmem>>, vector<1x16xf32>,
          %swap3A_435 = vector.shape_cast %swap3A_434 : vector<1x16xf32> to vector<16xf32>
          %swap3A_436 = vector.shape_cast %get3A_431 : vector<16xf32> to vector<1x16xf32>
          tpu.vector_store %arg9[%swap3A_432, %swap3A_433], %swap3A_436 {add = true, strides = array<i32>} : memref<200x64xf32, #tpu.memory_space<vmem>>, vector<1x16xf32>,
          %get3A_437 = arith.index_cast %add3A_418 : i32 to index
          %get3A_438 = arith.constant 32 : index
          %get3A_439 = tpu.vector_load %arg6[%get3A_437, %get3A_438] {strides = array<i32>} : memref<200x64xf32, #tpu.memory_space<vmem>>, vector<1x16xf32>,
          %get3A_440 = vector.shape_cast %get3A_439 : vector<1x16xf32> to vector<16xf32>
          %swap3A_441 = arith.index_cast %add3A_418 : i32 to index
          %swap3A_442 = arith.constant 32 : index
          %swap3A_443 = tpu.vector_load %arg9[%swap3A_441, %swap3A_442] {strides = array<i32>} : memref<200x64xf32, #tpu.memory_space<vmem>>, vector<1x16xf32>,
          %swap3A_444 = vector.shape_cast %swap3A_443 : vector<1x16xf32> to vector<16xf32>
          %swap3A_445 = vector.shape_cast %get3A_440 : vector<16xf32> to vector<1x16xf32>
          tpu.vector_store %arg9[%swap3A_441, %swap3A_442], %swap3A_445 {add = true, strides = array<i32>} : memref<200x64xf32, #tpu.memory_space<vmem>>, vector<1x16xf32>,
          %get3A_446 = arith.index_cast %add3A_418 : i32 to index
          %get3A_447 = arith.constant 48 : index
          %get3A_448 = tpu.vector_load %arg6[%get3A_446, %get3A_447] {strides = array<i32>} : memref<200x64xf32, #tpu.memory_space<vmem>>, vector<1x16xf32>,
          %get3A_449 = vector.shape_cast %get3A_448 : vector<1x16xf32> to vector<16xf32>
          %swap3A_450 = arith.index_cast %add3A_418 : i32 to index
          %swap3A_451 = arith.constant 48 : index
          %swap3A_452 = tpu.vector_load %arg9[%swap3A_450, %swap3A_451] {strides = array<i32>} : memref<200x64xf32, #tpu.memory_space<vmem>>, vector<1x16xf32>,
          %swap3A_453 = vector.shape_cast %swap3A_452 : vector<1x16xf32> to vector<16xf32>
          %swap3A_454 = vector.shape_cast %get3A_449 : vector<16xf32> to vector<1x16xf32>
          tpu.vector_store %arg9[%swap3A_450, %swap3A_451], %swap3A_454 {add = true, strides = array<i32>} : memref<200x64xf32, #tpu.memory_space<vmem>>, vector<1x16xf32>,
          %mul3A_455 = arith.constant 8 : i32
          %mul3A_456 = arith.muli %mul3A_455, %scan3A_176 : i32
          %add3A_457 = arith.constant 7 : i32
          %add3A_458 = arith.addi %mul3A_456, %add3A_457 : i32
          %get3A_459 = arith.index_cast %add3A_458 : i32 to index
          %get3A_460 = arith.constant 0 : index
          %get3A_461 = tpu.vector_load %arg6[%get3A_459, %get3A_460] {strides = array<i32>} : memref<200x64xf32, #tpu.memory_space<vmem>>, vector<1x16xf32>,
          %get3A_462 = vector.shape_cast %get3A_461 : vector<1x16xf32> to vector<16xf32>
          %swap3A_463 = arith.index_cast %add3A_458 : i32 to index
          %swap3A_464 = arith.constant 0 : index
          %swap3A_465 = tpu.vector_load %arg9[%swap3A_463, %swap3A_464] {strides = array<i32>} : memref<200x64xf32, #tpu.memory_space<vmem>>, vector<1x16xf32>,
          %swap3A_466 = vector.shape_cast %swap3A_465 : vector<1x16xf32> to vector<16xf32>
          %swap3A_467 = vector.shape_cast %get3A_462 : vector<16xf32> to vector<1x16xf32>
          tpu.vector_store %arg9[%swap3A_463, %swap3A_464], %swap3A_467 {add = true, strides = array<i32>} : memref<200x64xf32, #tpu.memory_space<vmem>>, vector<1x16xf32>,
          %get3A_468 = arith.index_cast %add3A_458 : i32 to index
          %get3A_469 = arith.constant 16 : index
          %get3A_470 = tpu.vector_load %arg6[%get3A_468, %get3A_469] {strides = array<i32>} : memref<200x64xf32, #tpu.memory_space<vmem>>, vector<1x16xf32>,
          %get3A_471 = vector.shape_cast %get3A_470 : vector<1x16xf32> to vector<16xf32>
          %swap3A_472 = arith.index_cast %add3A_458 : i32 to index
          %swap3A_473 = arith.constant 16 : index
          %swap3A_474 = tpu.vector_load %arg9[%swap3A_472, %swap3A_473] {strides = array<i32>} : memref<200x64xf32, #tpu.memory_space<vmem>>, vector<1x16xf32>,
          %swap3A_475 = vector.shape_cast %swap3A_474 : vector<1x16xf32> to vector<16xf32>
          %swap3A_476 = vector.shape_cast %get3A_471 : vector<16xf32> to vector<1x16xf32>
          tpu.vector_store %arg9[%swap3A_472, %swap3A_473], %swap3A_476 {add = true, strides = array<i32>} : memref<200x64xf32, #tpu.memory_space<vmem>>, vector<1x16xf32>,
          %get3A_477 = arith.index_cast %add3A_458 : i32 to index
          %get3A_478 = arith.constant 32 : index
          %get3A_479 = tpu.vector_load %arg6[%get3A_477, %get3A_478] {strides = array<i32>} : memref<200x64xf32, #tpu.memory_space<vmem>>, vector<1x16xf32>,
          %get3A_480 = vector.shape_cast %get3A_479 : vector<1x16xf32> to vector<16xf32>
          %swap3A_481 = arith.index_cast %add3A_458 : i32 to index
          %swap3A_482 = arith.constant 32 : index
          %swap3A_483 = tpu.vector_load %arg9[%swap3A_481, %swap3A_482] {strides = array<i32>} : memref<200x64xf32, #tpu.memory_space<vmem>>, vector<1x16xf32>,
          %swap3A_484 = vector.shape_cast %swap3A_483 : vector<1x16xf32> to vector<16xf32>
          %swap3A_485 = vector.shape_cast %get3A_480 : vector<16xf32> to vector<1x16xf32>
          tpu.vector_store %arg9[%swap3A_481, %swap3A_482], %swap3A_485 {add = true, strides = array<i32>} : memref<200x64xf32, #tpu.memory_space<vmem>>, vector<1x16xf32>,
          %get3A_486 = arith.index_cast %add3A_458 : i32 to index
          %get3A_487 = arith.constant 48 : index
          %get3A_488 = tpu.vector_load %arg6[%get3A_486, %get3A_487] {strides = array<i32>} : memref<200x64xf32, #tpu.memory_space<vmem>>, vector<1x16xf32>,
          %get3A_489 = vector.shape_cast %get3A_488 : vector<1x16xf32> to vector<16xf32>
          %swap3A_490 = arith.index_cast %add3A_458 : i32 to index
          %swap3A_491 = arith.constant 48 : index
          %swap3A_492 = tpu.vector_load %arg9[%swap3A_490, %swap3A_491] {strides = array<i32>} : memref<200x64xf32, #tpu.memory_space<vmem>>, vector<1x16xf32>,
          %swap3A_493 = vector.shape_cast %swap3A_492 : vector<1x16xf32> to vector<16xf32>
          %swap3A_494 = vector.shape_cast %get3A_489 : vector<16xf32> to vector<1x16xf32>
          tpu.vector_store %arg9[%swap3A_490, %swap3A_491], %swap3A_494 {add = true, strides = array<i32>} : memref<200x64xf32, #tpu.memory_space<vmem>>, vector<1x16xf32>,
        }
        %scan3A_166 = arith.constant 25 : i32
        %add3A_167 = arith.addi %mul3A_2, %scan3A_89 : i32
        %dma_start3A_168 = arith.constant 0 : i32
        %dma_start3A_169 = arith.constant 0 : i32
        %dma_start3A_170 = tpu.memref_slice %arg5[%add3A_167, %dma_start3A_168, %dma_start3A_169] : memref<4096x200x64xf32, #tpu.memory_space<hbm>> -> memref<1x200x64xf32, #tpu.memory_space<hbm>>
        %dma_start3A_171 = tpu.memref_squeeze %dma_start3A_170 : memref<1x200x64xf32, #tpu.memory_space<hbm>> -> memref<200x64xf32, #tpu.memory_space<hbm>>
        %dma_start3A_172 = arith.constant 0 : i32
        %dma_start3A_173 = arith.constant 0 : i32
        %dma_start3A_174 = tpu.memref_slice %arg5[%add3A_167, %dma_start3A_172, %dma_start3A_173] : memref<4096x200x64xf32, #tpu.memory_space<hbm>> -> memref<1x200x64xf32, #tpu.memory_space<hbm>>
        %dma_start3A_175 = tpu.memref_squeeze %dma_start3A_174 : memref<1x200x64xf32, #tpu.memory_space<hbm>> -> memref<200x64xf32, #tpu.memory_space<hbm>>
        tpu.enqueue_dma source(%arg9 : memref<200x64xf32, #tpu.memory_space<vmem>>) target(%dma_start3A_175 : memref<200x64xf32, #tpu.memory_space<hbm>>) target_semaphore(%arg17 : memref<!tpu.dma_semaphore, #tpu.memory_space<semaphore_mem>>)
      } else {
      }
      %eq3A_98 = arith.constant 2 : i32
      %eq3A_99 = arith.cmpi eq, %rem3A_90, %eq3A_98 : i32
      %convert_element_type3A_100 = arith.extui %eq3A_99 : i1 to i32
      %cond3A_101 = arith.constant 0 : i32
      %cond3A_102 = arith.cmpi ne, %convert_element_type3A_100, %cond3A_101 : i32
      scf.if %cond3A_102 {
        %dma_wait3A_103 = arith.constant 0 : i32
        %dma_wait3A_104 = arith.constant 0 : i32
        %dma_wait3A_105 = arith.constant 0 : i32
        %dma_wait3A_106 = tpu.memref_slice %arg10[%dma_wait3A_104, %dma_wait3A_105] : memref<200x64xf32, #tpu.memory_space<vmem>> -> memref<40x64xf32, #tpu.memory_space<vmem>>
        %dma_wait3A_107 = arith.constant 0 : i32
        %dma_wait3A_108 = tpu.memref_slice %arg7[%scan3A_89, %dma_wait3A_103, %dma_wait3A_107] : memref<128x5x40xi32, #tpu.memory_space<vmem>> -> memref<1x1x40xi32, #tpu.memory_space<vmem>>
        %dma_wait3A_109 = tpu.memref_squeeze %dma_wait3A_108 : memref<1x1x40xi32, #tpu.memory_space<vmem>> -> memref<40xi32, #tpu.memory_space<vmem>>
        %dma_wait3A_110 = arith.constant 0 : i32
        %dma_wait3A_111 = arith.constant 0 : i32
        %dma_wait3A_112 = tpu.memref_slice %arg3[%dma_wait3A_110, %dma_wait3A_111] : memref<1000000x64xf32, #tpu.memory_space<hbm>> -> memref<1000000x64xf32, #tpu.memory_space<hbm>>
        tpu.wait_indirect_dma semaphore(%arg15 : memref<!tpu.dma_semaphore, #tpu.memory_space<semaphore_mem>>) src(%dma_wait3A_112 : memref<1000000x64xf32, #tpu.memory_space<hbm>>) dst(%dma_wait3A_106 : memref<40x64xf32, #tpu.memory_space<vmem>>)
        %dma_wait3A_113 = arith.constant 1 : i32
        %dma_wait3A_114 = arith.constant 40 : i32
        %dma_wait3A_115 = arith.constant 0 : i32
        %dma_wait3A_116 = tpu.memref_slice %arg10[%dma_wait3A_114, %dma_wait3A_115] : memref<200x64xf32, #tpu.memory_space<vmem>> -> memref<40x64xf32, #tpu.memory_space<vmem>>
        %dma_wait3A_117 = arith.constant 0 : i32
        %dma_wait3A_118 = tpu.memref_slice %arg7[%scan3A_89, %dma_wait3A_113, %dma_wait3A_117] : memref<128x5x40xi32, #tpu.memory_space<vmem>> -> memref<1x1x40xi32, #tpu.memory_space<vmem>>
        %dma_wait3A_119 = tpu.memref_squeeze %dma_wait3A_118 : memref<1x1x40xi32, #tpu.memory_space<vmem>> -> memref<40xi32, #tpu.memory_space<vmem>>
        %dma_wait3A_120 = arith.constant 0 : i32
        %dma_wait3A_121 = arith.constant 0 : i32
        %dma_wait3A_122 = tpu.memref_slice %arg3[%dma_wait3A_120, %dma_wait3A_121] : memref<1000000x64xf32, #tpu.memory_space<hbm>> -> memref<1000000x64xf32, #tpu.memory_space<hbm>>
        tpu.wait_indirect_dma semaphore(%arg15 : memref<!tpu.dma_semaphore, #tpu.memory_space<semaphore_mem>>) src(%dma_wait3A_122 : memref<1000000x64xf32, #tpu.memory_space<hbm>>) dst(%dma_wait3A_116 : memref<40x64xf32, #tpu.memory_space<vmem>>)
        %dma_wait3A_123 = arith.constant 2 : i32
        %dma_wait3A_124 = arith.constant 80 : i32
        %dma_wait3A_125 = arith.constant 0 : i32
        %dma_wait3A_126 = tpu.memref_slice %arg10[%dma_wait3A_124, %dma_wait3A_125] : memref<200x64xf32, #tpu.memory_space<vmem>> -> memref<40x64xf32, #tpu.memory_space<vmem>>
        %dma_wait3A_127 = arith.constant 0 : i32
        %dma_wait3A_128 = tpu.memref_slice %arg7[%scan3A_89, %dma_wait3A_123, %dma_wait3A_127] : memref<128x5x40xi32, #tpu.memory_space<vmem>> -> memref<1x1x40xi32, #tpu.memory_space<vmem>>
        %dma_wait3A_129 = tpu.memref_squeeze %dma_wait3A_128 : memref<1x1x40xi32, #tpu.memory_space<vmem>> -> memref<40xi32, #tpu.memory_space<vmem>>
        %dma_wait3A_130 = arith.constant 0 : i32
        %dma_wait3A_131 = arith.constant 0 : i32
        %dma_wait3A_132 = tpu.memref_slice %arg3[%dma_wait3A_130, %dma_wait3A_131] : memref<1000000x64xf32, #tpu.memory_space<hbm>> -> memref<1000000x64xf32, #tpu.memory_space<hbm>>
        tpu.wait_indirect_dma semaphore(%arg15 : memref<!tpu.dma_semaphore, #tpu.memory_space<semaphore_mem>>) src(%dma_wait3A_132 : memref<1000000x64xf32, #tpu.memory_space<hbm>>) dst(%dma_wait3A_126 : memref<40x64xf32, #tpu.memory_space<vmem>>)
        %dma_wait3A_133 = arith.constant 3 : i32
        %dma_wait3A_134 = arith.constant 120 : i32
        %dma_wait3A_135 = arith.constant 0 : i32
        %dma_wait3A_136 = tpu.memref_slice %arg10[%dma_wait3A_134, %dma_wait3A_135] : memref<200x64xf32, #tpu.memory_space<vmem>> -> memref<40x64xf32, #tpu.memory_space<vmem>>
        %dma_wait3A_137 = arith.constant 0 : i32
        %dma_wait3A_138 = tpu.memref_slice %arg7[%scan3A_89, %dma_wait3A_133, %dma_wait3A_137] : memref<128x5x40xi32, #tpu.memory_space<vmem>> -> memref<1x1x40xi32, #tpu.memory_space<vmem>>
        %dma_wait3A_139 = tpu.memref_squeeze %dma_wait3A_138 : memref<1x1x40xi32, #tpu.memory_space<vmem>> -> memref<40xi32, #tpu.memory_space<vmem>>
        %dma_wait3A_140 = arith.constant 0 : i32
        %dma_wait3A_141 = arith.constant 0 : i32
        %dma_wait3A_142 = tpu.memref_slice %arg3[%dma_wait3A_140, %dma_wait3A_141] : memref<1000000x64xf32, #tpu.memory_space<hbm>> -> memref<1000000x64xf32, #tpu.memory_space<hbm>>
        tpu.wait_indirect_dma semaphore(%arg15 : memref<!tpu.dma_semaphore, #tpu.memory_space<semaphore_mem>>) src(%dma_wait3A_142 : memref<1000000x64xf32, #tpu.memory_space<hbm>>) dst(%dma_wait3A_136 : memref<40x64xf32, #tpu.memory_space<vmem>>)
        %dma_wait3A_143 = arith.constant 4 : i32
        %dma_wait3A_144 = arith.constant 160 : i32
        %dma_wait3A_145 = arith.constant 0 : i32
        %dma_wait3A_146 = tpu.memref_slice %arg10[%dma_wait3A_144, %dma_wait3A_145] : memref<200x64xf32, #tpu.memory_space<vmem>> -> memref<40x64xf32, #tpu.memory_space<vmem>>
        %dma_wait3A_147 = arith.constant 0 : i32
        %dma_wait3A_148 = tpu.memref_slice %arg7[%scan3A_89, %dma_wait3A_143, %dma_wait3A_147] : memref<128x5x40xi32, #tpu.memory_space<vmem>> -> memref<1x1x40xi32, #tpu.memory_space<vmem>>
        %dma_wait3A_149 = tpu.memref_squeeze %dma_wait3A_148 : memref<1x1x40xi32, #tpu.memory_space<vmem>> -> memref<40xi32, #tpu.memory_space<vmem>>
        %dma_wait3A_150 = arith.constant 0 : i32
        %dma_wait3A_151 = arith.constant 0 : i32
        %dma_wait3A_152 = tpu.memref_slice %arg3[%dma_wait3A_150, %dma_wait3A_151] : memref<1000000x64xf32, #tpu.memory_space<hbm>> -> memref<1000000x64xf32, #tpu.memory_space<hbm>>
        tpu.wait_indirect_dma semaphore(%arg15 : memref<!tpu.dma_semaphore, #tpu.memory_space<semaphore_mem>>) src(%dma_wait3A_152 : memref<1000000x64xf32, #tpu.memory_space<hbm>>) dst(%dma_wait3A_146 : memref<40x64xf32, #tpu.memory_space<vmem>>)
        %ge3A = arith.constant 2 : i32
        %ge3A_153 = arith.cmpi sge, %scan3A_89, %ge3A : i32
        %convert_element_type3A_154 = arith.extui %ge3A_153 : i1 to i32
        %cond3A_155 = arith.constant 0 : i32
        %cond3A_156 = arith.cmpi ne, %convert_element_type3A_154, %cond3A_155 : i32
        scf.if %cond3A_156 {
          %dma_wait3A_176 = arith.constant 0 : i32
          %dma_wait3A_177 = arith.constant 0 : i32
          %dma_wait3A_178 = tpu.memref_slice %arg5[%mul3A_2, %dma_wait3A_176, %dma_wait3A_177] : memref<4096x200x64xf32, #tpu.memory_space<hbm>> -> memref<1x200x64xf32, #tpu.memory_space<hbm>>
          %dma_wait3A_179 = tpu.memref_squeeze %dma_wait3A_178 : memref<1x200x64xf32, #tpu.memory_space<hbm>> -> memref<200x64xf32, #tpu.memory_space<hbm>>
          %dma_wait3A_180 = arith.constant 0 : i32
          %dma_wait3A_181 = arith.constant 0 : i32
          %dma_wait3A_182 = tpu.memref_slice %arg5[%mul3A_2, %dma_wait3A_180, %dma_wait3A_181] : memref<4096x200x64xf32, #tpu.memory_space<hbm>> -> memref<1x200x64xf32, #tpu.memory_space<hbm>>
          %dma_wait3A_183 = tpu.memref_squeeze %dma_wait3A_182 : memref<1x200x64xf32, #tpu.memory_space<hbm>> -> memref<200x64xf32, #tpu.memory_space<hbm>>
          tpu.wait_dma2 semaphore(%arg16 : memref<!tpu.dma_semaphore, #tpu.memory_space<semaphore_mem>>) src(%arg8 : memref<200x64xf32, #tpu.memory_space<vmem>>) dst(%dma_wait3A_183 : memref<200x64xf32, #tpu.memory_space<hbm>>)
        } else {
        }
        %lt3A = arith.constant 127 : i32
        %lt3A_157 = arith.cmpi slt, %scan3A_89, %lt3A : i32
        %convert_element_type3A_158 = arith.extui %lt3A_157 : i1 to i32
        %cond3A_159 = arith.constant 0 : i32
        %cond3A_160 = arith.cmpi ne, %convert_element_type3A_158, %cond3A_159 : i32
        scf.if %cond3A_160 {
          %add3A_176 = arith.constant 1 : i32
          %add3A_177 = arith.addi %scan3A_89, %add3A_176 : i32
          %dma_start3A_178 = arith.constant 0 : i32
          %dma_start3A_179 = arith.constant 0 : i32
          %dma_start3A_180 = arith.constant 0 : i32
          %dma_start3A_181 = tpu.memref_slice %arg8[%dma_start3A_179, %dma_start3A_180] : memref<200x64xf32, #tpu.memory_space<vmem>> -> memref<40x64xf32, #tpu.memory_space<vmem>>
          %dma_start3A_182 = arith.constant 0 : i32
          %dma_start3A_183 = tpu.memref_slice %arg7[%add3A_177, %dma_start3A_178, %dma_start3A_182] : memref<128x5x40xi32, #tpu.memory_space<vmem>> -> memref<1x1x40xi32, #tpu.memory_space<vmem>>
          %dma_start3A_184 = tpu.memref_squeeze %dma_start3A_183 : memref<1x1x40xi32, #tpu.memory_space<vmem>> -> memref<40xi32, #tpu.memory_space<vmem>>
          %dma_start3A_185 = arith.constant 0 : i32
          %dma_start3A_186 = arith.constant 0 : i32
          %dma_start3A_187 = tpu.memref_slice %arg3[%dma_start3A_185, %dma_start3A_186] : memref<1000000x64xf32, #tpu.memory_space<hbm>> -> memref<1000000x64xf32, #tpu.memory_space<hbm>>
          tpu.enqueue_indirect_dma source(%dma_start3A_187 : memref<1000000x64xf32, #tpu.memory_space<hbm>>) target(%dma_start3A_181 : memref<40x64xf32, #tpu.memory_space<vmem>>) offsets(%dma_start3A_184 : memref<40xi32, #tpu.memory_space<vmem>>) semaphore(%arg13 : memref<!tpu.dma_semaphore, #tpu.memory_space<semaphore_mem>>)
          %dma_start3A_188 = arith.constant 1 : i32
          %dma_start3A_189 = arith.constant 40 : i32
          %dma_start3A_190 = arith.constant 0 : i32
          %dma_start3A_191 = tpu.memref_slice %arg8[%dma_start3A_189, %dma_start3A_190] : memref<200x64xf32, #tpu.memory_space<vmem>> -> memref<40x64xf32, #tpu.memory_space<vmem>>
          %dma_start3A_192 = arith.constant 0 : i32
          %dma_start3A_193 = tpu.memref_slice %arg7[%add3A_177, %dma_start3A_188, %dma_start3A_192] : memref<128x5x40xi32, #tpu.memory_space<vmem>> -> memref<1x1x40xi32, #tpu.memory_space<vmem>>
          %dma_start3A_194 = tpu.memref_squeeze %dma_start3A_193 : memref<1x1x40xi32, #tpu.memory_space<vmem>> -> memref<40xi32, #tpu.memory_space<vmem>>
          %dma_start3A_195 = arith.constant 0 : i32
          %dma_start3A_196 = arith.constant 0 : i32
          %dma_start3A_197 = tpu.memref_slice %arg3[%dma_start3A_195, %dma_start3A_196] : memref<1000000x64xf32, #tpu.memory_space<hbm>> -> memref<1000000x64xf32, #tpu.memory_space<hbm>>
          tpu.enqueue_indirect_dma source(%dma_start3A_197 : memref<1000000x64xf32, #tpu.memory_space<hbm>>) target(%dma_start3A_191 : memref<40x64xf32, #tpu.memory_space<vmem>>) offsets(%dma_start3A_194 : memref<40xi32, #tpu.memory_space<vmem>>) semaphore(%arg13 : memref<!tpu.dma_semaphore, #tpu.memory_space<semaphore_mem>>)
          %dma_start3A_198 = arith.constant 2 : i32
          %dma_start3A_199 = arith.constant 80 : i32
          %dma_start3A_200 = arith.constant 0 : i32
          %dma_start3A_201 = tpu.memref_slice %arg8[%dma_start3A_199, %dma_start3A_200] : memref<200x64xf32, #tpu.memory_space<vmem>> -> memref<40x64xf32, #tpu.memory_space<vmem>>
          %dma_start3A_202 = arith.constant 0 : i32
          %dma_start3A_203 = tpu.memref_slice %arg7[%add3A_177, %dma_start3A_198, %dma_start3A_202] : memref<128x5x40xi32, #tpu.memory_space<vmem>> -> memref<1x1x40xi32, #tpu.memory_space<vmem>>
          %dma_start3A_204 = tpu.memref_squeeze %dma_start3A_203 : memref<1x1x40xi32, #tpu.memory_space<vmem>> -> memref<40xi32, #tpu.memory_space<vmem>>
          %dma_start3A_205 = arith.constant 0 : i32
          %dma_start3A_206 = arith.constant 0 : i32
          %dma_start3A_207 = tpu.memref_slice %arg3[%dma_start3A_205, %dma_start3A_206] : memref<1000000x64xf32, #tpu.memory_space<hbm>> -> memref<1000000x64xf32, #tpu.memory_space<hbm>>
          tpu.enqueue_indirect_dma source(%dma_start3A_207 : memref<1000000x64xf32, #tpu.memory_space<hbm>>) target(%dma_start3A_201 : memref<40x64xf32, #tpu.memory_space<vmem>>) offsets(%dma_start3A_204 : memref<40xi32, #tpu.memory_space<vmem>>) semaphore(%arg13 : memref<!tpu.dma_semaphore, #tpu.memory_space<semaphore_mem>>)
          %dma_start3A_208 = arith.constant 3 : i32
          %dma_start3A_209 = arith.constant 120 : i32
          %dma_start3A_210 = arith.constant 0 : i32
          %dma_start3A_211 = tpu.memref_slice %arg8[%dma_start3A_209, %dma_start3A_210] : memref<200x64xf32, #tpu.memory_space<vmem>> -> memref<40x64xf32, #tpu.memory_space<vmem>>
          %dma_start3A_212 = arith.constant 0 : i32
          %dma_start3A_213 = tpu.memref_slice %arg7[%add3A_177, %dma_start3A_208, %dma_start3A_212] : memref<128x5x40xi32, #tpu.memory_space<vmem>> -> memref<1x1x40xi32, #tpu.memory_space<vmem>>
          %dma_start3A_214 = tpu.memref_squeeze %dma_start3A_213 : memref<1x1x40xi32, #tpu.memory_space<vmem>> -> memref<40xi32, #tpu.memory_space<vmem>>
          %dma_start3A_215 = arith.constant 0 : i32
          %dma_start3A_216 = arith.constant 0 : i32
          %dma_start3A_217 = tpu.memref_slice %arg3[%dma_start3A_215, %dma_start3A_216] : memref<1000000x64xf32, #tpu.memory_space<hbm>> -> memref<1000000x64xf32, #tpu.memory_space<hbm>>
          tpu.enqueue_indirect_dma source(%dma_start3A_217 : memref<1000000x64xf32, #tpu.memory_space<hbm>>) target(%dma_start3A_211 : memref<40x64xf32, #tpu.memory_space<vmem>>) offsets(%dma_start3A_214 : memref<40xi32, #tpu.memory_space<vmem>>) semaphore(%arg13 : memref<!tpu.dma_semaphore, #tpu.memory_space<semaphore_mem>>)
          %dma_start3A_218 = arith.constant 4 : i32
          %dma_start3A_219 = arith.constant 160 : i32
          %dma_start3A_220 = arith.constant 0 : i32
          %dma_start3A_221 = tpu.memref_slice %arg8[%dma_start3A_219, %dma_start3A_220] : memref<200x64xf32, #tpu.memory_space<vmem>> -> memref<40x64xf32, #tpu.memory_space<vmem>>
          %dma_start3A_222 = arith.constant 0 : i32
          %dma_start3A_223 = tpu.memref_slice %arg7[%add3A_177, %dma_start3A_218, %dma_start3A_222] : memref<128x5x40xi32, #tpu.memory_space<vmem>> -> memref<1x1x40xi32, #tpu.memory_space<vmem>>
          %dma_start3A_224 = tpu.memref_squeeze %dma_start3A_223 : memref<1x1x40xi32, #tpu.memory_space<vmem>> -> memref<40xi32, #tpu.memory_space<vmem>>
          %dma_start3A_225 = arith.constant 0 : i32
          %dma_start3A_226 = arith.constant 0 : i32
          %dma_start3A_227 = tpu.memref_slice %arg3[%dma_start3A_225, %dma_start3A_226] : memref<1000000x64xf32, #tpu.memory_space<hbm>> -> memref<1000000x64xf32, #tpu.memory_space<hbm>>
          tpu.enqueue_indirect_dma source(%dma_start3A_227 : memref<1000000x64xf32, #tpu.memory_space<hbm>>) target(%dma_start3A_221 : memref<40x64xf32, #tpu.memory_space<vmem>>) offsets(%dma_start3A_224 : memref<40xi32, #tpu.memory_space<vmem>>) semaphore(%arg13 : memref<!tpu.dma_semaphore, #tpu.memory_space<semaphore_mem>>)
        } else {
        }
        %scan3A_161 = arith.constant 0 : i32
        %scan3A_162 = arith.constant 0 : i32
        %scan3A_163 = arith.constant 25 : i32
        %scan3A_164 = arith.addi %scan3A_162, %scan3A_163 : i32
        %scan3A_165 = arith.constant 1 : i32
        scf.for %scan3A_176 = %scan3A_162 to %scan3A_164 step %scan3A_165  : i32 {
          %mul3A_177 = arith.constant 8 : i32
          %mul3A_178 = arith.muli %mul3A_177, %scan3A_176 : i32
          %add3A_179 = arith.constant 0 : i32
          %add3A_180 = arith.addi %mul3A_178, %add3A_179 : i32
          %get3A = arith.index_cast %add3A_180 : i32 to index
          %get3A_181 = arith.constant 0 : index
          %get3A_182 = tpu.vector_load %arg6[%get3A, %get3A_181] {strides = array<i32>} : memref<200x64xf32, #tpu.memory_space<vmem>>, vector<1x16xf32>,
          %get3A_183 = vector.shape_cast %get3A_182 : vector<1x16xf32> to vector<16xf32>
          %swap3A = arith.index_cast %add3A_180 : i32 to index
          %swap3A_184 = arith.constant 0 : index
          %swap3A_185 = tpu.vector_load %arg10[%swap3A, %swap3A_184] {strides = array<i32>} : memref<200x64xf32, #tpu.memory_space<vmem>>, vector<1x16xf32>,
          %swap3A_186 = vector.shape_cast %swap3A_185 : vector<1x16xf32> to vector<16xf32>
          %swap3A_187 = vector.shape_cast %get3A_183 : vector<16xf32> to vector<1x16xf32>
          tpu.vector_store %arg10[%swap3A, %swap3A_184], %swap3A_187 {add = true, strides = array<i32>} : memref<200x64xf32, #tpu.memory_space<vmem>>, vector<1x16xf32>,
          %get3A_188 = arith.index_cast %add3A_180 : i32 to index
          %get3A_189 = arith.constant 16 : index
          %get3A_190 = tpu.vector_load %arg6[%get3A_188, %get3A_189] {strides = array<i32>} : memref<200x64xf32, #tpu.memory_space<vmem>>, vector<1x16xf32>,
          %get3A_191 = vector.shape_cast %get3A_190 : vector<1x16xf32> to vector<16xf32>
          %swap3A_192 = arith.index_cast %add3A_180 : i32 to index
          %swap3A_193 = arith.constant 16 : index
          %swap3A_194 = tpu.vector_load %arg10[%swap3A_192, %swap3A_193] {strides = array<i32>} : memref<200x64xf32, #tpu.memory_space<vmem>>, vector<1x16xf32>,
          %swap3A_195 = vector.shape_cast %swap3A_194 : vector<1x16xf32> to vector<16xf32>
          %swap3A_196 = vector.shape_cast %get3A_191 : vector<16xf32> to vector<1x16xf32>
          tpu.vector_store %arg10[%swap3A_192, %swap3A_193], %swap3A_196 {add = true, strides = array<i32>} : memref<200x64xf32, #tpu.memory_space<vmem>>, vector<1x16xf32>,
          %get3A_197 = arith.index_cast %add3A_180 : i32 to index
          %get3A_198 = arith.constant 32 : index
          %get3A_199 = tpu.vector_load %arg6[%get3A_197, %get3A_198] {strides = array<i32>} : memref<200x64xf32, #tpu.memory_space<vmem>>, vector<1x16xf32>,
          %get3A_200 = vector.shape_cast %get3A_199 : vector<1x16xf32> to vector<16xf32>
          %swap3A_201 = arith.index_cast %add3A_180 : i32 to index
          %swap3A_202 = arith.constant 32 : index
          %swap3A_203 = tpu.vector_load %arg10[%swap3A_201, %swap3A_202] {strides = array<i32>} : memref<200x64xf32, #tpu.memory_space<vmem>>, vector<1x16xf32>,
          %swap3A_204 = vector.shape_cast %swap3A_203 : vector<1x16xf32> to vector<16xf32>
          %swap3A_205 = vector.shape_cast %get3A_200 : vector<16xf32> to vector<1x16xf32>
          tpu.vector_store %arg10[%swap3A_201, %swap3A_202], %swap3A_205 {add = true, strides = array<i32>} : memref<200x64xf32, #tpu.memory_space<vmem>>, vector<1x16xf32>,
          %get3A_206 = arith.index_cast %add3A_180 : i32 to index
          %get3A_207 = arith.constant 48 : index
          %get3A_208 = tpu.vector_load %arg6[%get3A_206, %get3A_207] {strides = array<i32>} : memref<200x64xf32, #tpu.memory_space<vmem>>, vector<1x16xf32>,
          %get3A_209 = vector.shape_cast %get3A_208 : vector<1x16xf32> to vector<16xf32>
          %swap3A_210 = arith.index_cast %add3A_180 : i32 to index
          %swap3A_211 = arith.constant 48 : index
          %swap3A_212 = tpu.vector_load %arg10[%swap3A_210, %swap3A_211] {strides = array<i32>} : memref<200x64xf32, #tpu.memory_space<vmem>>, vector<1x16xf32>,
          %swap3A_213 = vector.shape_cast %swap3A_212 : vector<1x16xf32> to vector<16xf32>
          %swap3A_214 = vector.shape_cast %get3A_209 : vector<16xf32> to vector<1x16xf32>
          tpu.vector_store %arg10[%swap3A_210, %swap3A_211], %swap3A_214 {add = true, strides = array<i32>} : memref<200x64xf32, #tpu.memory_space<vmem>>, vector<1x16xf32>,
          %mul3A_215 = arith.constant 8 : i32
          %mul3A_216 = arith.muli %mul3A_215, %scan3A_176 : i32
          %add3A_217 = arith.constant 1 : i32
          %add3A_218 = arith.addi %mul3A_216, %add3A_217 : i32
          %get3A_219 = arith.index_cast %add3A_218 : i32 to index
          %get3A_220 = arith.constant 0 : index
          %get3A_221 = tpu.vector_load %arg6[%get3A_219, %get3A_220] {strides = array<i32>} : memref<200x64xf32, #tpu.memory_space<vmem>>, vector<1x16xf32>,
          %get3A_222 = vector.shape_cast %get3A_221 : vector<1x16xf32> to vector<16xf32>
          %swap3A_223 = arith.index_cast %add3A_218 : i32 to index
          %swap3A_224 = arith.constant 0 : index
          %swap3A_225 = tpu.vector_load %arg10[%swap3A_223, %swap3A_224] {strides = array<i32>} : memref<200x64xf32, #tpu.memory_space<vmem>>, vector<1x16xf32>,
          %swap3A_226 = vector.shape_cast %swap3A_225 : vector<1x16xf32> to vector<16xf32>
          %swap3A_227 = vector.shape_cast %get3A_222 : vector<16xf32> to vector<1x16xf32>
          tpu.vector_store %arg10[%swap3A_223, %swap3A_224], %swap3A_227 {add = true, strides = array<i32>} : memref<200x64xf32, #tpu.memory_space<vmem>>, vector<1x16xf32>,
          %get3A_228 = arith.index_cast %add3A_218 : i32 to index
          %get3A_229 = arith.constant 16 : index
          %get3A_230 = tpu.vector_load %arg6[%get3A_228, %get3A_229] {strides = array<i32>} : memref<200x64xf32, #tpu.memory_space<vmem>>, vector<1x16xf32>,
          %get3A_231 = vector.shape_cast %get3A_230 : vector<1x16xf32> to vector<16xf32>
          %swap3A_232 = arith.index_cast %add3A_218 : i32 to index
          %swap3A_233 = arith.constant 16 : index
          %swap3A_234 = tpu.vector_load %arg10[%swap3A_232, %swap3A_233] {strides = array<i32>} : memref<200x64xf32, #tpu.memory_space<vmem>>, vector<1x16xf32>,
          %swap3A_235 = vector.shape_cast %swap3A_234 : vector<1x16xf32> to vector<16xf32>
          %swap3A_236 = vector.shape_cast %get3A_231 : vector<16xf32> to vector<1x16xf32>
          tpu.vector_store %arg10[%swap3A_232, %swap3A_233], %swap3A_236 {add = true, strides = array<i32>} : memref<200x64xf32, #tpu.memory_space<vmem>>, vector<1x16xf32>,
          %get3A_237 = arith.index_cast %add3A_218 : i32 to index
          %get3A_238 = arith.constant 32 : index
          %get3A_239 = tpu.vector_load %arg6[%get3A_237, %get3A_238] {strides = array<i32>} : memref<200x64xf32, #tpu.memory_space<vmem>>, vector<1x16xf32>,
          %get3A_240 = vector.shape_cast %get3A_239 : vector<1x16xf32> to vector<16xf32>
          %swap3A_241 = arith.index_cast %add3A_218 : i32 to index
          %swap3A_242 = arith.constant 32 : index
          %swap3A_243 = tpu.vector_load %arg10[%swap3A_241, %swap3A_242] {strides = array<i32>} : memref<200x64xf32, #tpu.memory_space<vmem>>, vector<1x16xf32>,
          %swap3A_244 = vector.shape_cast %swap3A_243 : vector<1x16xf32> to vector<16xf32>
          %swap3A_245 = vector.shape_cast %get3A_240 : vector<16xf32> to vector<1x16xf32>
          tpu.vector_store %arg10[%swap3A_241, %swap3A_242], %swap3A_245 {add = true, strides = array<i32>} : memref<200x64xf32, #tpu.memory_space<vmem>>, vector<1x16xf32>,
          %get3A_246 = arith.index_cast %add3A_218 : i32 to index
          %get3A_247 = arith.constant 48 : index
          %get3A_248 = tpu.vector_load %arg6[%get3A_246, %get3A_247] {strides = array<i32>} : memref<200x64xf32, #tpu.memory_space<vmem>>, vector<1x16xf32>,
          %get3A_249 = vector.shape_cast %get3A_248 : vector<1x16xf32> to vector<16xf32>
          %swap3A_250 = arith.index_cast %add3A_218 : i32 to index
          %swap3A_251 = arith.constant 48 : index
          %swap3A_252 = tpu.vector_load %arg10[%swap3A_250, %swap3A_251] {strides = array<i32>} : memref<200x64xf32, #tpu.memory_space<vmem>>, vector<1x16xf32>,
          %swap3A_253 = vector.shape_cast %swap3A_252 : vector<1x16xf32> to vector<16xf32>
          %swap3A_254 = vector.shape_cast %get3A_249 : vector<16xf32> to vector<1x16xf32>
          tpu.vector_store %arg10[%swap3A_250, %swap3A_251], %swap3A_254 {add = true, strides = array<i32>} : memref<200x64xf32, #tpu.memory_space<vmem>>, vector<1x16xf32>,
          %mul3A_255 = arith.constant 8 : i32
          %mul3A_256 = arith.muli %mul3A_255, %scan3A_176 : i32
          %add3A_257 = arith.constant 2 : i32
          %add3A_258 = arith.addi %mul3A_256, %add3A_257 : i32
          %get3A_259 = arith.index_cast %add3A_258 : i32 to index
          %get3A_260 = arith.constant 0 : index
          %get3A_261 = tpu.vector_load %arg6[%get3A_259, %get3A_260] {strides = array<i32>} : memref<200x64xf32, #tpu.memory_space<vmem>>, vector<1x16xf32>,
          %get3A_262 = vector.shape_cast %get3A_261 : vector<1x16xf32> to vector<16xf32>
          %swap3A_263 = arith.index_cast %add3A_258 : i32 to index
          %swap3A_264 = arith.constant 0 : index
          %swap3A_265 = tpu.vector_load %arg10[%swap3A_263, %swap3A_264] {strides = array<i32>} : memref<200x64xf32, #tpu.memory_space<vmem>>, vector<1x16xf32>,
          %swap3A_266 = vector.shape_cast %swap3A_265 : vector<1x16xf32> to vector<16xf32>
          %swap3A_267 = vector.shape_cast %get3A_262 : vector<16xf32> to vector<1x16xf32>
          tpu.vector_store %arg10[%swap3A_263, %swap3A_264], %swap3A_267 {add = true, strides = array<i32>} : memref<200x64xf32, #tpu.memory_space<vmem>>, vector<1x16xf32>,
          %get3A_268 = arith.index_cast %add3A_258 : i32 to index
          %get3A_269 = arith.constant 16 : index
          %get3A_270 = tpu.vector_load %arg6[%get3A_268, %get3A_269] {strides = array<i32>} : memref<200x64xf32, #tpu.memory_space<vmem>>, vector<1x16xf32>,
          %get3A_271 = vector.shape_cast %get3A_270 : vector<1x16xf32> to vector<16xf32>
          %swap3A_272 = arith.index_cast %add3A_258 : i32 to index
          %swap3A_273 = arith.constant 16 : index
          %swap3A_274 = tpu.vector_load %arg10[%swap3A_272, %swap3A_273] {strides = array<i32>} : memref<200x64xf32, #tpu.memory_space<vmem>>, vector<1x16xf32>,
          %swap3A_275 = vector.shape_cast %swap3A_274 : vector<1x16xf32> to vector<16xf32>
          %swap3A_276 = vector.shape_cast %get3A_271 : vector<16xf32> to vector<1x16xf32>
          tpu.vector_store %arg10[%swap3A_272, %swap3A_273], %swap3A_276 {add = true, strides = array<i32>} : memref<200x64xf32, #tpu.memory_space<vmem>>, vector<1x16xf32>,
          %get3A_277 = arith.index_cast %add3A_258 : i32 to index
          %get3A_278 = arith.constant 32 : index
          %get3A_279 = tpu.vector_load %arg6[%get3A_277, %get3A_278] {strides = array<i32>} : memref<200x64xf32, #tpu.memory_space<vmem>>, vector<1x16xf32>,
          %get3A_280 = vector.shape_cast %get3A_279 : vector<1x16xf32> to vector<16xf32>
          %swap3A_281 = arith.index_cast %add3A_258 : i32 to index
          %swap3A_282 = arith.constant 32 : index
          %swap3A_283 = tpu.vector_load %arg10[%swap3A_281, %swap3A_282] {strides = array<i32>} : memref<200x64xf32, #tpu.memory_space<vmem>>, vector<1x16xf32>,
          %swap3A_284 = vector.shape_cast %swap3A_283 : vector<1x16xf32> to vector<16xf32>
          %swap3A_285 = vector.shape_cast %get3A_280 : vector<16xf32> to vector<1x16xf32>
          tpu.vector_store %arg10[%swap3A_281, %swap3A_282], %swap3A_285 {add = true, strides = array<i32>} : memref<200x64xf32, #tpu.memory_space<vmem>>, vector<1x16xf32>,
          %get3A_286 = arith.index_cast %add3A_258 : i32 to index
          %get3A_287 = arith.constant 48 : index
          %get3A_288 = tpu.vector_load %arg6[%get3A_286, %get3A_287] {strides = array<i32>} : memref<200x64xf32, #tpu.memory_space<vmem>>, vector<1x16xf32>,
          %get3A_289 = vector.shape_cast %get3A_288 : vector<1x16xf32> to vector<16xf32>
          %swap3A_290 = arith.index_cast %add3A_258 : i32 to index
          %swap3A_291 = arith.constant 48 : index
          %swap3A_292 = tpu.vector_load %arg10[%swap3A_290, %swap3A_291] {strides = array<i32>} : memref<200x64xf32, #tpu.memory_space<vmem>>, vector<1x16xf32>,
          %swap3A_293 = vector.shape_cast %swap3A_292 : vector<1x16xf32> to vector<16xf32>
          %swap3A_294 = vector.shape_cast %get3A_289 : vector<16xf32> to vector<1x16xf32>
          tpu.vector_store %arg10[%swap3A_290, %swap3A_291], %swap3A_294 {add = true, strides = array<i32>} : memref<200x64xf32, #tpu.memory_space<vmem>>, vector<1x16xf32>,
          %mul3A_295 = arith.constant 8 : i32
          %mul3A_296 = arith.muli %mul3A_295, %scan3A_176 : i32
          %add3A_297 = arith.constant 3 : i32
          %add3A_298 = arith.addi %mul3A_296, %add3A_297 : i32
          %get3A_299 = arith.index_cast %add3A_298 : i32 to index
          %get3A_300 = arith.constant 0 : index
          %get3A_301 = tpu.vector_load %arg6[%get3A_299, %get3A_300] {strides = array<i32>} : memref<200x64xf32, #tpu.memory_space<vmem>>, vector<1x16xf32>,
          %get3A_302 = vector.shape_cast %get3A_301 : vector<1x16xf32> to vector<16xf32>
          %swap3A_303 = arith.index_cast %add3A_298 : i32 to index
          %swap3A_304 = arith.constant 0 : index
          %swap3A_305 = tpu.vector_load %arg10[%swap3A_303, %swap3A_304] {strides = array<i32>} : memref<200x64xf32, #tpu.memory_space<vmem>>, vector<1x16xf32>,
          %swap3A_306 = vector.shape_cast %swap3A_305 : vector<1x16xf32> to vector<16xf32>
          %swap3A_307 = vector.shape_cast %get3A_302 : vector<16xf32> to vector<1x16xf32>
          tpu.vector_store %arg10[%swap3A_303, %swap3A_304], %swap3A_307 {add = true, strides = array<i32>} : memref<200x64xf32, #tpu.memory_space<vmem>>, vector<1x16xf32>,
          %get3A_308 = arith.index_cast %add3A_298 : i32 to index
          %get3A_309 = arith.constant 16 : index
          %get3A_310 = tpu.vector_load %arg6[%get3A_308, %get3A_309] {strides = array<i32>} : memref<200x64xf32, #tpu.memory_space<vmem>>, vector<1x16xf32>,
          %get3A_311 = vector.shape_cast %get3A_310 : vector<1x16xf32> to vector<16xf32>
          %swap3A_312 = arith.index_cast %add3A_298 : i32 to index
          %swap3A_313 = arith.constant 16 : index
          %swap3A_314 = tpu.vector_load %arg10[%swap3A_312, %swap3A_313] {strides = array<i32>} : memref<200x64xf32, #tpu.memory_space<vmem>>, vector<1x16xf32>,
          %swap3A_315 = vector.shape_cast %swap3A_314 : vector<1x16xf32> to vector<16xf32>
          %swap3A_316 = vector.shape_cast %get3A_311 : vector<16xf32> to vector<1x16xf32>
          tpu.vector_store %arg10[%swap3A_312, %swap3A_313], %swap3A_316 {add = true, strides = array<i32>} : memref<200x64xf32, #tpu.memory_space<vmem>>, vector<1x16xf32>,
          %get3A_317 = arith.index_cast %add3A_298 : i32 to index
          %get3A_318 = arith.constant 32 : index
          %get3A_319 = tpu.vector_load %arg6[%get3A_317, %get3A_318] {strides = array<i32>} : memref<200x64xf32, #tpu.memory_space<vmem>>, vector<1x16xf32>,
          %get3A_320 = vector.shape_cast %get3A_319 : vector<1x16xf32> to vector<16xf32>
          %swap3A_321 = arith.index_cast %add3A_298 : i32 to index
          %swap3A_322 = arith.constant 32 : index
          %swap3A_323 = tpu.vector_load %arg10[%swap3A_321, %swap3A_322] {strides = array<i32>} : memref<200x64xf32, #tpu.memory_space<vmem>>, vector<1x16xf32>,
          %swap3A_324 = vector.shape_cast %swap3A_323 : vector<1x16xf32> to vector<16xf32>
          %swap3A_325 = vector.shape_cast %get3A_320 : vector<16xf32> to vector<1x16xf32>
          tpu.vector_store %arg10[%swap3A_321, %swap3A_322], %swap3A_325 {add = true, strides = array<i32>} : memref<200x64xf32, #tpu.memory_space<vmem>>, vector<1x16xf32>,
          %get3A_326 = arith.index_cast %add3A_298 : i32 to index
          %get3A_327 = arith.constant 48 : index
          %get3A_328 = tpu.vector_load %arg6[%get3A_326, %get3A_327] {strides = array<i32>} : memref<200x64xf32, #tpu.memory_space<vmem>>, vector<1x16xf32>,
          %get3A_329 = vector.shape_cast %get3A_328 : vector<1x16xf32> to vector<16xf32>
          %swap3A_330 = arith.index_cast %add3A_298 : i32 to index
          %swap3A_331 = arith.constant 48 : index
          %swap3A_332 = tpu.vector_load %arg10[%swap3A_330, %swap3A_331] {strides = array<i32>} : memref<200x64xf32, #tpu.memory_space<vmem>>, vector<1x16xf32>,
          %swap3A_333 = vector.shape_cast %swap3A_332 : vector<1x16xf32> to vector<16xf32>
          %swap3A_334 = vector.shape_cast %get3A_329 : vector<16xf32> to vector<1x16xf32>
          tpu.vector_store %arg10[%swap3A_330, %swap3A_331], %swap3A_334 {add = true, strides = array<i32>} : memref<200x64xf32, #tpu.memory_space<vmem>>, vector<1x16xf32>,
          %mul3A_335 = arith.constant 8 : i32
          %mul3A_336 = arith.muli %mul3A_335, %scan3A_176 : i32
          %add3A_337 = arith.constant 4 : i32
          %add3A_338 = arith.addi %mul3A_336, %add3A_337 : i32
          %get3A_339 = arith.index_cast %add3A_338 : i32 to index
          %get3A_340 = arith.constant 0 : index
          %get3A_341 = tpu.vector_load %arg6[%get3A_339, %get3A_340] {strides = array<i32>} : memref<200x64xf32, #tpu.memory_space<vmem>>, vector<1x16xf32>,
          %get3A_342 = vector.shape_cast %get3A_341 : vector<1x16xf32> to vector<16xf32>
          %swap3A_343 = arith.index_cast %add3A_338 : i32 to index
          %swap3A_344 = arith.constant 0 : index
          %swap3A_345 = tpu.vector_load %arg10[%swap3A_343, %swap3A_344] {strides = array<i32>} : memref<200x64xf32, #tpu.memory_space<vmem>>, vector<1x16xf32>,
          %swap3A_346 = vector.shape_cast %swap3A_345 : vector<1x16xf32> to vector<16xf32>
          %swap3A_347 = vector.shape_cast %get3A_342 : vector<16xf32> to vector<1x16xf32>
          tpu.vector_store %arg10[%swap3A_343, %swap3A_344], %swap3A_347 {add = true, strides = array<i32>} : memref<200x64xf32, #tpu.memory_space<vmem>>, vector<1x16xf32>,
          %get3A_348 = arith.index_cast %add3A_338 : i32 to index
          %get3A_349 = arith.constant 16 : index
          %get3A_350 = tpu.vector_load %arg6[%get3A_348, %get3A_349] {strides = array<i32>} : memref<200x64xf32, #tpu.memory_space<vmem>>, vector<1x16xf32>,
          %get3A_351 = vector.shape_cast %get3A_350 : vector<1x16xf32> to vector<16xf32>
          %swap3A_352 = arith.index_cast %add3A_338 : i32 to index
          %swap3A_353 = arith.constant 16 : index
          %swap3A_354 = tpu.vector_load %arg10[%swap3A_352, %swap3A_353] {strides = array<i32>} : memref<200x64xf32, #tpu.memory_space<vmem>>, vector<1x16xf32>,
          %swap3A_355 = vector.shape_cast %swap3A_354 : vector<1x16xf32> to vector<16xf32>
          %swap3A_356 = vector.shape_cast %get3A_351 : vector<16xf32> to vector<1x16xf32>
          tpu.vector_store %arg10[%swap3A_352, %swap3A_353], %swap3A_356 {add = true, strides = array<i32>} : memref<200x64xf32, #tpu.memory_space<vmem>>, vector<1x16xf32>,
          %get3A_357 = arith.index_cast %add3A_338 : i32 to index
          %get3A_358 = arith.constant 32 : index
          %get3A_359 = tpu.vector_load %arg6[%get3A_357, %get3A_358] {strides = array<i32>} : memref<200x64xf32, #tpu.memory_space<vmem>>, vector<1x16xf32>,
          %get3A_360 = vector.shape_cast %get3A_359 : vector<1x16xf32> to vector<16xf32>
          %swap3A_361 = arith.index_cast %add3A_338 : i32 to index
          %swap3A_362 = arith.constant 32 : index
          %swap3A_363 = tpu.vector_load %arg10[%swap3A_361, %swap3A_362] {strides = array<i32>} : memref<200x64xf32, #tpu.memory_space<vmem>>, vector<1x16xf32>,
          %swap3A_364 = vector.shape_cast %swap3A_363 : vector<1x16xf32> to vector<16xf32>
          %swap3A_365 = vector.shape_cast %get3A_360 : vector<16xf32> to vector<1x16xf32>
          tpu.vector_store %arg10[%swap3A_361, %swap3A_362], %swap3A_365 {add = true, strides = array<i32>} : memref<200x64xf32, #tpu.memory_space<vmem>>, vector<1x16xf32>,
          %get3A_366 = arith.index_cast %add3A_338 : i32 to index
          %get3A_367 = arith.constant 48 : index
          %get3A_368 = tpu.vector_load %arg6[%get3A_366, %get3A_367] {strides = array<i32>} : memref<200x64xf32, #tpu.memory_space<vmem>>, vector<1x16xf32>,
          %get3A_369 = vector.shape_cast %get3A_368 : vector<1x16xf32> to vector<16xf32>
          %swap3A_370 = arith.index_cast %add3A_338 : i32 to index
          %swap3A_371 = arith.constant 48 : index
          %swap3A_372 = tpu.vector_load %arg10[%swap3A_370, %swap3A_371] {strides = array<i32>} : memref<200x64xf32, #tpu.memory_space<vmem>>, vector<1x16xf32>,
          %swap3A_373 = vector.shape_cast %swap3A_372 : vector<1x16xf32> to vector<16xf32>
          %swap3A_374 = vector.shape_cast %get3A_369 : vector<16xf32> to vector<1x16xf32>
          tpu.vector_store %arg10[%swap3A_370, %swap3A_371], %swap3A_374 {add = true, strides = array<i32>} : memref<200x64xf32, #tpu.memory_space<vmem>>, vector<1x16xf32>,
          %mul3A_375 = arith.constant 8 : i32
          %mul3A_376 = arith.muli %mul3A_375, %scan3A_176 : i32
          %add3A_377 = arith.constant 5 : i32
          %add3A_378 = arith.addi %mul3A_376, %add3A_377 : i32
          %get3A_379 = arith.index_cast %add3A_378 : i32 to index
          %get3A_380 = arith.constant 0 : index
          %get3A_381 = tpu.vector_load %arg6[%get3A_379, %get3A_380] {strides = array<i32>} : memref<200x64xf32, #tpu.memory_space<vmem>>, vector<1x16xf32>,
          %get3A_382 = vector.shape_cast %get3A_381 : vector<1x16xf32> to vector<16xf32>
          %swap3A_383 = arith.index_cast %add3A_378 : i32 to index
          %swap3A_384 = arith.constant 0 : index
          %swap3A_385 = tpu.vector_load %arg10[%swap3A_383, %swap3A_384] {strides = array<i32>} : memref<200x64xf32, #tpu.memory_space<vmem>>, vector<1x16xf32>,
          %swap3A_386 = vector.shape_cast %swap3A_385 : vector<1x16xf32> to vector<16xf32>
          %swap3A_387 = vector.shape_cast %get3A_382 : vector<16xf32> to vector<1x16xf32>
          tpu.vector_store %arg10[%swap3A_383, %swap3A_384], %swap3A_387 {add = true, strides = array<i32>} : memref<200x64xf32, #tpu.memory_space<vmem>>, vector<1x16xf32>,
          %get3A_388 = arith.index_cast %add3A_378 : i32 to index
          %get3A_389 = arith.constant 16 : index
          %get3A_390 = tpu.vector_load %arg6[%get3A_388, %get3A_389] {strides = array<i32>} : memref<200x64xf32, #tpu.memory_space<vmem>>, vector<1x16xf32>,
          %get3A_391 = vector.shape_cast %get3A_390 : vector<1x16xf32> to vector<16xf32>
          %swap3A_392 = arith.index_cast %add3A_378 : i32 to index
          %swap3A_393 = arith.constant 16 : index
          %swap3A_394 = tpu.vector_load %arg10[%swap3A_392, %swap3A_393] {strides = array<i32>} : memref<200x64xf32, #tpu.memory_space<vmem>>, vector<1x16xf32>,
          %swap3A_395 = vector.shape_cast %swap3A_394 : vector<1x16xf32> to vector<16xf32>
          %swap3A_396 = vector.shape_cast %get3A_391 : vector<16xf32> to vector<1x16xf32>
          tpu.vector_store %arg10[%swap3A_392, %swap3A_393], %swap3A_396 {add = true, strides = array<i32>} : memref<200x64xf32, #tpu.memory_space<vmem>>, vector<1x16xf32>,
          %get3A_397 = arith.index_cast %add3A_378 : i32 to index
          %get3A_398 = arith.constant 32 : index
          %get3A_399 = tpu.vector_load %arg6[%get3A_397, %get3A_398] {strides = array<i32>} : memref<200x64xf32, #tpu.memory_space<vmem>>, vector<1x16xf32>,
          %get3A_400 = vector.shape_cast %get3A_399 : vector<1x16xf32> to vector<16xf32>
          %swap3A_401 = arith.index_cast %add3A_378 : i32 to index
          %swap3A_402 = arith.constant 32 : index
          %swap3A_403 = tpu.vector_load %arg10[%swap3A_401, %swap3A_402] {strides = array<i32>} : memref<200x64xf32, #tpu.memory_space<vmem>>, vector<1x16xf32>,
          %swap3A_404 = vector.shape_cast %swap3A_403 : vector<1x16xf32> to vector<16xf32>
          %swap3A_405 = vector.shape_cast %get3A_400 : vector<16xf32> to vector<1x16xf32>
          tpu.vector_store %arg10[%swap3A_401, %swap3A_402], %swap3A_405 {add = true, strides = array<i32>} : memref<200x64xf32, #tpu.memory_space<vmem>>, vector<1x16xf32>,
          %get3A_406 = arith.index_cast %add3A_378 : i32 to index
          %get3A_407 = arith.constant 48 : index
          %get3A_408 = tpu.vector_load %arg6[%get3A_406, %get3A_407] {strides = array<i32>} : memref<200x64xf32, #tpu.memory_space<vmem>>, vector<1x16xf32>,
          %get3A_409 = vector.shape_cast %get3A_408 : vector<1x16xf32> to vector<16xf32>
          %swap3A_410 = arith.index_cast %add3A_378 : i32 to index
          %swap3A_411 = arith.constant 48 : index
          %swap3A_412 = tpu.vector_load %arg10[%swap3A_410, %swap3A_411] {strides = array<i32>} : memref<200x64xf32, #tpu.memory_space<vmem>>, vector<1x16xf32>,
          %swap3A_413 = vector.shape_cast %swap3A_412 : vector<1x16xf32> to vector<16xf32>
          %swap3A_414 = vector.shape_cast %get3A_409 : vector<16xf32> to vector<1x16xf32>
          tpu.vector_store %arg10[%swap3A_410, %swap3A_411], %swap3A_414 {add = true, strides = array<i32>} : memref<200x64xf32, #tpu.memory_space<vmem>>, vector<1x16xf32>,
          %mul3A_415 = arith.constant 8 : i32
          %mul3A_416 = arith.muli %mul3A_415, %scan3A_176 : i32
          %add3A_417 = arith.constant 6 : i32
          %add3A_418 = arith.addi %mul3A_416, %add3A_417 : i32
          %get3A_419 = arith.index_cast %add3A_418 : i32 to index
          %get3A_420 = arith.constant 0 : index
          %get3A_421 = tpu.vector_load %arg6[%get3A_419, %get3A_420] {strides = array<i32>} : memref<200x64xf32, #tpu.memory_space<vmem>>, vector<1x16xf32>,
          %get3A_422 = vector.shape_cast %get3A_421 : vector<1x16xf32> to vector<16xf32>
          %swap3A_423 = arith.index_cast %add3A_418 : i32 to index
          %swap3A_424 = arith.constant 0 : index
          %swap3A_425 = tpu.vector_load %arg10[%swap3A_423, %swap3A_424] {strides = array<i32>} : memref<200x64xf32, #tpu.memory_space<vmem>>, vector<1x16xf32>,
          %swap3A_426 = vector.shape_cast %swap3A_425 : vector<1x16xf32> to vector<16xf32>
          %swap3A_427 = vector.shape_cast %get3A_422 : vector<16xf32> to vector<1x16xf32>
          tpu.vector_store %arg10[%swap3A_423, %swap3A_424], %swap3A_427 {add = true, strides = array<i32>} : memref<200x64xf32, #tpu.memory_space<vmem>>, vector<1x16xf32>,
          %get3A_428 = arith.index_cast %add3A_418 : i32 to index
          %get3A_429 = arith.constant 16 : index
          %get3A_430 = tpu.vector_load %arg6[%get3A_428, %get3A_429] {strides = array<i32>} : memref<200x64xf32, #tpu.memory_space<vmem>>, vector<1x16xf32>,
          %get3A_431 = vector.shape_cast %get3A_430 : vector<1x16xf32> to vector<16xf32>
          %swap3A_432 = arith.index_cast %add3A_418 : i32 to index
          %swap3A_433 = arith.constant 16 : index
          %swap3A_434 = tpu.vector_load %arg10[%swap3A_432, %swap3A_433] {strides = array<i32>} : memref<200x64xf32, #tpu.memory_space<vmem>>, vector<1x16xf32>,
          %swap3A_435 = vector.shape_cast %swap3A_434 : vector<1x16xf32> to vector<16xf32>
          %swap3A_436 = vector.shape_cast %get3A_431 : vector<16xf32> to vector<1x16xf32>
          tpu.vector_store %arg10[%swap3A_432, %swap3A_433], %swap3A_436 {add = true, strides = array<i32>} : memref<200x64xf32, #tpu.memory_space<vmem>>, vector<1x16xf32>,
          %get3A_437 = arith.index_cast %add3A_418 : i32 to index
          %get3A_438 = arith.constant 32 : index
          %get3A_439 = tpu.vector_load %arg6[%get3A_437, %get3A_438] {strides = array<i32>} : memref<200x64xf32, #tpu.memory_space<vmem>>, vector<1x16xf32>,
          %get3A_440 = vector.shape_cast %get3A_439 : vector<1x16xf32> to vector<16xf32>
          %swap3A_441 = arith.index_cast %add3A_418 : i32 to index
          %swap3A_442 = arith.constant 32 : index
          %swap3A_443 = tpu.vector_load %arg10[%swap3A_441, %swap3A_442] {strides = array<i32>} : memref<200x64xf32, #tpu.memory_space<vmem>>, vector<1x16xf32>,
          %swap3A_444 = vector.shape_cast %swap3A_443 : vector<1x16xf32> to vector<16xf32>
          %swap3A_445 = vector.shape_cast %get3A_440 : vector<16xf32> to vector<1x16xf32>
          tpu.vector_store %arg10[%swap3A_441, %swap3A_442], %swap3A_445 {add = true, strides = array<i32>} : memref<200x64xf32, #tpu.memory_space<vmem>>, vector<1x16xf32>,
          %get3A_446 = arith.index_cast %add3A_418 : i32 to index
          %get3A_447 = arith.constant 48 : index
          %get3A_448 = tpu.vector_load %arg6[%get3A_446, %get3A_447] {strides = array<i32>} : memref<200x64xf32, #tpu.memory_space<vmem>>, vector<1x16xf32>,
          %get3A_449 = vector.shape_cast %get3A_448 : vector<1x16xf32> to vector<16xf32>
          %swap3A_450 = arith.index_cast %add3A_418 : i32 to index
          %swap3A_451 = arith.constant 48 : index
          %swap3A_452 = tpu.vector_load %arg10[%swap3A_450, %swap3A_451] {strides = array<i32>} : memref<200x64xf32, #tpu.memory_space<vmem>>, vector<1x16xf32>,
          %swap3A_453 = vector.shape_cast %swap3A_452 : vector<1x16xf32> to vector<16xf32>
          %swap3A_454 = vector.shape_cast %get3A_449 : vector<16xf32> to vector<1x16xf32>
          tpu.vector_store %arg10[%swap3A_450, %swap3A_451], %swap3A_454 {add = true, strides = array<i32>} : memref<200x64xf32, #tpu.memory_space<vmem>>, vector<1x16xf32>,
          %mul3A_455 = arith.constant 8 : i32
          %mul3A_456 = arith.muli %mul3A_455, %scan3A_176 : i32
          %add3A_457 = arith.constant 7 : i32
          %add3A_458 = arith.addi %mul3A_456, %add3A_457 : i32
          %get3A_459 = arith.index_cast %add3A_458 : i32 to index
          %get3A_460 = arith.constant 0 : index
          %get3A_461 = tpu.vector_load %arg6[%get3A_459, %get3A_460] {strides = array<i32>} : memref<200x64xf32, #tpu.memory_space<vmem>>, vector<1x16xf32>,
          %get3A_462 = vector.shape_cast %get3A_461 : vector<1x16xf32> to vector<16xf32>
          %swap3A_463 = arith.index_cast %add3A_458 : i32 to index
          %swap3A_464 = arith.constant 0 : index
          %swap3A_465 = tpu.vector_load %arg10[%swap3A_463, %swap3A_464] {strides = array<i32>} : memref<200x64xf32, #tpu.memory_space<vmem>>, vector<1x16xf32>,
          %swap3A_466 = vector.shape_cast %swap3A_465 : vector<1x16xf32> to vector<16xf32>
          %swap3A_467 = vector.shape_cast %get3A_462 : vector<16xf32> to vector<1x16xf32>
          tpu.vector_store %arg10[%swap3A_463, %swap3A_464], %swap3A_467 {add = true, strides = array<i32>} : memref<200x64xf32, #tpu.memory_space<vmem>>, vector<1x16xf32>,
          %get3A_468 = arith.index_cast %add3A_458 : i32 to index
          %get3A_469 = arith.constant 16 : index
          %get3A_470 = tpu.vector_load %arg6[%get3A_468, %get3A_469] {strides = array<i32>} : memref<200x64xf32, #tpu.memory_space<vmem>>, vector<1x16xf32>,
          %get3A_471 = vector.shape_cast %get3A_470 : vector<1x16xf32> to vector<16xf32>
          %swap3A_472 = arith.index_cast %add3A_458 : i32 to index
          %swap3A_473 = arith.constant 16 : index
          %swap3A_474 = tpu.vector_load %arg10[%swap3A_472, %swap3A_473] {strides = array<i32>} : memref<200x64xf32, #tpu.memory_space<vmem>>, vector<1x16xf32>,
          %swap3A_475 = vector.shape_cast %swap3A_474 : vector<1x16xf32> to vector<16xf32>
          %swap3A_476 = vector.shape_cast %get3A_471 : vector<16xf32> to vector<1x16xf32>
          tpu.vector_store %arg10[%swap3A_472, %swap3A_473], %swap3A_476 {add = true, strides = array<i32>} : memref<200x64xf32, #tpu.memory_space<vmem>>, vector<1x16xf32>,
          %get3A_477 = arith.index_cast %add3A_458 : i32 to index
          %get3A_478 = arith.constant 32 : index
          %get3A_479 = tpu.vector_load %arg6[%get3A_477, %get3A_478] {strides = array<i32>} : memref<200x64xf32, #tpu.memory_space<vmem>>, vector<1x16xf32>,
          %get3A_480 = vector.shape_cast %get3A_479 : vector<1x16xf32> to vector<16xf32>
          %swap3A_481 = arith.index_cast %add3A_458 : i32 to index
          %swap3A_482 = arith.constant 32 : index
          %swap3A_483 = tpu.vector_load %arg10[%swap3A_481, %swap3A_482] {strides = array<i32>} : memref<200x64xf32, #tpu.memory_space<vmem>>, vector<1x16xf32>,
          %swap3A_484 = vector.shape_cast %swap3A_483 : vector<1x16xf32> to vector<16xf32>
          %swap3A_485 = vector.shape_cast %get3A_480 : vector<16xf32> to vector<1x16xf32>
          tpu.vector_store %arg10[%swap3A_481, %swap3A_482], %swap3A_485 {add = true, strides = array<i32>} : memref<200x64xf32, #tpu.memory_space<vmem>>, vector<1x16xf32>,
          %get3A_486 = arith.index_cast %add3A_458 : i32 to index
          %get3A_487 = arith.constant 48 : index
          %get3A_488 = tpu.vector_load %arg6[%get3A_486, %get3A_487] {strides = array<i32>} : memref<200x64xf32, #tpu.memory_space<vmem>>, vector<1x16xf32>,
          %get3A_489 = vector.shape_cast %get3A_488 : vector<1x16xf32> to vector<16xf32>
          %swap3A_490 = arith.index_cast %add3A_458 : i32 to index
          %swap3A_491 = arith.constant 48 : index
          %swap3A_492 = tpu.vector_load %arg10[%swap3A_490, %swap3A_491] {strides = array<i32>} : memref<200x64xf32, #tpu.memory_space<vmem>>, vector<1x16xf32>,
          %swap3A_493 = vector.shape_cast %swap3A_492 : vector<1x16xf32> to vector<16xf32>
          %swap3A_494 = vector.shape_cast %get3A_489 : vector<16xf32> to vector<1x16xf32>
          tpu.vector_store %arg10[%swap3A_490, %swap3A_491], %swap3A_494 {add = true, strides = array<i32>} : memref<200x64xf32, #tpu.memory_space<vmem>>, vector<1x16xf32>,
        }
        %scan3A_166 = arith.constant 25 : i32
        %add3A_167 = arith.addi %mul3A_2, %scan3A_89 : i32
        %dma_start3A_168 = arith.constant 0 : i32
        %dma_start3A_169 = arith.constant 0 : i32
        %dma_start3A_170 = tpu.memref_slice %arg5[%add3A_167, %dma_start3A_168, %dma_start3A_169] : memref<4096x200x64xf32, #tpu.memory_space<hbm>> -> memref<1x200x64xf32, #tpu.memory_space<hbm>>
        %dma_start3A_171 = tpu.memref_squeeze %dma_start3A_170 : memref<1x200x64xf32, #tpu.memory_space<hbm>> -> memref<200x64xf32, #tpu.memory_space<hbm>>
        %dma_start3A_172 = arith.constant 0 : i32
        %dma_start3A_173 = arith.constant 0 : i32
        %dma_start3A_174 = tpu.memref_slice %arg5[%add3A_167, %dma_start3A_172, %dma_start3A_173] : memref<4096x200x64xf32, #tpu.memory_space<hbm>> -> memref<1x200x64xf32, #tpu.memory_space<hbm>>
        %dma_start3A_175 = tpu.memref_squeeze %dma_start3A_174 : memref<1x200x64xf32, #tpu.memory_space<hbm>> -> memref<200x64xf32, #tpu.memory_space<hbm>>
        tpu.enqueue_dma source(%arg10 : memref<200x64xf32, #tpu.memory_space<vmem>>) target(%dma_start3A_175 : memref<200x64xf32, #tpu.memory_space<hbm>>) target_semaphore(%arg18 : memref<!tpu.dma_semaphore, #tpu.memory_space<semaphore_mem>>)
      } else {
      }
    }
    %scan3A_72 = arith.constant 128 : i32
    %dma_wait3A_73 = arith.constant 0 : i32
    %dma_wait3A_74 = arith.constant 0 : i32
    %dma_wait3A_75 = tpu.memref_slice %arg5[%mul3A_2, %dma_wait3A_73, %dma_wait3A_74] : memref<4096x200x64xf32, #tpu.memory_space<hbm>> -> memref<1x200x64xf32, #tpu.memory_space<hbm>>
    %dma_wait3A_76 = tpu.memref_squeeze %dma_wait3A_75 : memref<1x200x64xf32, #tpu.memory_space<hbm>> -> memref<200x64xf32, #tpu.memory_space<hbm>>
    %dma_wait3A_77 = arith.constant 0 : i32
    %dma_wait3A_78 = arith.constant 0 : i32
    %dma_wait3A_79 = tpu.memref_slice %arg5[%mul3A_2, %dma_wait3A_77, %dma_wait3A_78] : memref<4096x200x64xf32, #tpu.memory_space<hbm>> -> memref<1x200x64xf32, #tpu.memory_space<hbm>>
    %dma_wait3A_80 = tpu.memref_squeeze %dma_wait3A_79 : memref<1x200x64xf32, #tpu.memory_space<hbm>> -> memref<200x64xf32, #tpu.memory_space<hbm>>
    tpu.wait_dma2 semaphore(%arg16 : memref<!tpu.dma_semaphore, #tpu.memory_space<semaphore_mem>>) src(%arg8 : memref<200x64xf32, #tpu.memory_space<vmem>>) dst(%dma_wait3A_80 : memref<200x64xf32, #tpu.memory_space<hbm>>)
    %dma_wait3A_81 = arith.constant 0 : i32
    %dma_wait3A_82 = arith.constant 0 : i32
    %dma_wait3A_83 = tpu.memref_slice %arg5[%mul3A_2, %dma_wait3A_81, %dma_wait3A_82] : memref<4096x200x64xf32, #tpu.memory_space<hbm>> -> memref<1x200x64xf32, #tpu.memory_space<hbm>>
    %dma_wait3A_84 = tpu.memref_squeeze %dma_wait3A_83 : memref<1x200x64xf32, #tpu.memory_space<hbm>> -> memref<200x64xf32, #tpu.memory_space<hbm>>
    %dma_wait3A_85 = arith.constant 0 : i32
    %dma_wait3A_86 = arith.constant 0 : i32
    %dma_wait3A_87 = tpu.memref_slice %arg5[%mul3A_2, %dma_wait3A_85, %dma_wait3A_86] : memref<4096x200x64xf32, #tpu.memory_space<hbm>> -> memref<1x200x64xf32, #tpu.memory_space<hbm>>
    %dma_wait3A_88 = tpu.memref_squeeze %dma_wait3A_87 : memref<1x200x64xf32, #tpu.memory_space<hbm>> -> memref<200x64xf32, #tpu.memory_space<hbm>>
    tpu.wait_dma2 semaphore(%arg17 : memref<!tpu.dma_semaphore, #tpu.memory_space<semaphore_mem>>) src(%arg9 : memref<200x64xf32, #tpu.memory_space<vmem>>) dst(%dma_wait3A_88 : memref<200x64xf32, #tpu.memory_space<hbm>>)
    return
  }
}

</mosaic_0001>

<sc_bundles>
// kernel: _run.3.cloned.1.call-start
scs
__scs_entry_jumppad:
0x0: {  	(pc) =	sbr.rel $0x88, $3  }
0x1: {  	(tag) =	ssettag $0x0;
	lr =	simm.s32 $0x1  }
0x2: {  	[smem:$0x3F9E] =	sst lr;
	_ =	strace $0xD0000000  }
0x3: {  	_ = 	snop  }
0x4: {  	_ = 	snop  }
0x5: {  	_ = 	snop  }
0x6: {  	_ = 	snop  }
0x7: {  	_ = 	snop  }
__scs_overlays_trampoline_lowered:
0x8: {  	[smem:$0x3FAD] =	sst s0  }
0x9: {  	[smem:$0x3FAE] =	sst s1  }
0xa: {  	[smem:$0x3FAF] =	sst s2  }
0xb: {  	[smem:$0x3FB0] =	sst s3  }
0xc: {  	[smem:$0x3FB1] =	sst s4  }
0xd: {  	[smem:$0x3FB2] =	sst s5  }
0xe: {  	[smem:$0x3FB3] =	sst s6  }
0xf: {  	[smem:$0x3FB4] =	sst s7  }
0x10: {  	[smem:$0x3FB5] =	sst s8  }
0x11: {  	[smem:$0x3FB6] =	sst s9;
	s0 =	simm.s32 @!p0 $0x0  }
0x12: {  	s1 =	sld [smem:$0x3F9C];
	s0 =	simm.s32 @p0 $0x1  }
0x13: {  	[smem:$0x3FB7] =	sst s0;
	s0 =	simm.s32 @!p1 $0x0  }
0x14: {  	s2 =	sld [smem:$0x3F9B];
	s0 =	simm.s32 @p1 $0x1  }
0x15: {  	[smem:$0x3FB8] =	sst s0;
	s0 =	simm.s32 @!p2 $0x0  }
0x16: {  	s3 =	sld [smem:$0x3FDB];
	s0 =	simm.s32 @p2 $0x1  }
0x17: {  	s4 =	simm.s32 $0x1BF5;
	[smem:$0x3FBA] =	sst s0  }
0x18: {  	s0 =	sld [smem:$0x3F9D];
	_ =	swait.ge [sflag:s4], $0x0  }
0x19: {  	s7 =	sld [smem:$0x3F9E]  }
0x1a: {  	s8 =	sadd.s32 $0xFFFFE003, lr  }
0x1b: {  	s9 =	sadd.s32 $0xFFFFFEF7, lr;
	s5 =	simm.s32 $0xFFFFFFFF;
	p2 =	slt.u32 s8, $0xFFFFF086  }
0x1c: {  	p1 =	slt.u32 s9, $0xF7A;
	s5 =	simm.s32 @!p2 $0x0  }
0x1d: {  	s5 =	simm.s32 @p1 $0x1;
	p0 =	seq.s32 s7, s2  }
0x1e: {  	s7 =	smul.u32 @!p0 $0xF7A, s2;
	p2 =	seq.s32 @!p0 s5, $0x0  }
0x1f: {  	s9 =	smul.u32 $0xF7A, s1;
	s8 =	simm.s32 @!p0 $0x1BF5;
	p2 =	por !p2, p0  }
0x20: {  	[sflag:s8] =	ssyncset.s32 @!p0 $0xFFFFF086;
	s6 =	sadd.s32 @!p0 s3, s7;
	s7 =	simm.s32 @!p0 $0x108  }
0x21: {  	s3 =	sadd.s32 s3, s9;
	s6 =	sadd.s32 @!p0 $0x88, s6;
	s7 =	simm.s32 @p2 $0x1082  }
0x22: {  	[simem:s7], [sflag:s8] =	dma.local @!p0 [hbm:s6], $0xF7A  }
0x23: {  	s9 =	sor.u32 $0xD0000000, s2;
	s6 =	simm.s32 $0x108;
	_ =	swait.ge @!p0 [sflag:s8], $0x0  }
0x24: {  	s3 =	sadd.s32 $0x88, s3;
	s6 =	simm.s32 @!p1 $0x1082;
	[sflag:s4] =	ssyncset.s32 $0xFFFFF086  }
0x25: {  	[simem:s6], [sflag:s4] =	dma.local [hbm:s3], $0xF7A  }
0x26: {  	[smem:$0x3F9E] =	sst s1;
	(tag) =	ssettag s2;
	_ =	strace s9  }
0x27: {  	s1 =	sld [smem:$0x3FAE]  }
0x28: {  	s2 =	sld [smem:$0x3FAF]  }
0x29: {  	s4 =	sld [smem:$0x3FB1]  }
0x2a: {  	p0 =	seq.s32 s5, $0x0;
	s5 =	sld [smem:$0x3FB2]  }
0x2b: {  	s6 =	sld [smem:$0x3FB3]  }
0x2c: {  	s7 =	sld [smem:$0x3FB4]  }
0x2d: {  	s3 =	simm.s32 $0x108;
	s8 =	sld [smem:$0x3FB5]  }
0x2e: {  	s3 =	simm.s32 @!p0 $0x1082;
	s9 =	sld [smem:$0x3FB6]  }
0x2f: {  	lr =	sadd.s32 s0, s3;
	s0 =	sld [smem:$0x3FAD]  }
0x30: {  	s3 =	sld [smem:$0x3FB0]  }
0x31: {  	[smem:$0x3FB9] =	sst s10  }
0x32: {  	s10 =	sld [smem:$0x3FB7];
	_ =	sdelay $0x3  }
0x33: {  	p0 =	seq.s32 s10, $0x1;
	s10 =	sld [smem:$0x3FB9];
	_ =	sdelay $0x3  }
0x34: {  	[smem:$0x3FB9] =	sst s10  }
0x35: {  	s10 =	sld [smem:$0x3FB8];
	_ =	sdelay $0x3  }
0x36: {  	p1 =	seq.s32 s10, $0x1;
	s10 =	sld [smem:$0x3FB9];
	_ =	sdelay $0x3  }
0x37: {  	[smem:$0x3FB9] =	sst s10  }
0x38: {  	s10 =	sld [smem:$0x3FBA]  }
0x39: {  	_ = 	snop;
	(pc) =	sbr.ind lr, $3  }
0x3a: {  	_ = 	snop  }
0x3b: {  	_ = 	snop  }
0x3c: {  	p2 =	seq.s32 s10, $0x1;
	s10 =	sld [smem:$0x3FB9]  }
0x3d: {  	_ =	shalt  }
0x3e: {  	_ =	shalt  }
0x3f: {  	_ =	shalt  }
0x40: {  	_ =	shalt  }
0x41: {  	_ =	shalt  }
0x42: {  	_ =	shalt  }
0x43: {  	_ =	shalt  }
0x44: {  	_ =	shalt  }
0x45: {  	_ =	shalt  }
0x46: {  	_ =	shalt  }
0x47: {  	_ =	shalt  }
0x48: {  	_ =	shalt  }
0x49: {  	_ =	shalt  }
0x4a: {  	_ =	shalt  }
0x4b: {  	_ =	shalt  }
0x4c: {  	_ =	shalt  }
0x4d: {  	_ =	shalt  }
0x4e: {  	_ =	shalt  }
0x4f: {  	_ =	shalt  }
0x50: {  	_ =	shalt  }
0x51: {  	_ =	shalt  }
0x52: {  	_ =	shalt  }
0x53: {  	_ =	shalt  }
0x54: {  	_ =	shalt  }
0x55: {  	_ =	shalt  }
0x56: {  	_ =	shalt  }
0x57: {  	_ =	shalt  }
0x58: {  	_ =	shalt  }
0x59: {  	_ =	shalt  }
0x5a: {  	_ =	shalt  }
0x5b: {  	_ =	shalt  }
0x5c: {  	_ =	shalt  }
0x5d: {  	_ =	shalt  }
0x5e: {  	_ =	shalt  }
0x5f: {  	_ =	shalt  }
0x60: {  	_ =	shalt  }
0x61: {  	_ =	shalt  }
0x62: {  	_ =	shalt  }
0x63: {  	_ =	shalt  }
0x64: {  	_ =	shalt  }
0x65: {  	_ =	shalt  }
0x66: {  	_ =	shalt  }
0x67: {  	_ =	shalt  }
0x68: {  	_ =	shalt  }
0x69: {  	_ =	shalt  }
0x6a: {  	_ =	shalt  }
0x6b: {  	_ =	shalt  }
0x6c: {  	_ =	shalt  }
0x6d: {  	_ =	shalt  }
0x6e: {  	_ =	shalt  }
0x6f: {  	_ =	shalt  }
0x70: {  	_ =	shalt  }
0x71: {  	_ =	shalt  }
0x72: {  	_ =	shalt  }
0x73: {  	_ =	shalt  }
0x74: {  	_ =	shalt  }
0x75: {  	_ =	shalt  }
0x76: {  	_ =	shalt  }
0x77: {  	_ =	shalt  }
0x78: {  	_ =	shalt  }
0x79: {  	_ =	shalt  }
0x7a: {  	_ =	shalt  }
0x7b: {  	_ =	shalt  }
0x7c: {  	_ =	shalt  }
0x7d: {  	_ =	shalt  }
0x7e: {  	_ =	shalt  }
0x7f: {  	_ =	shalt  }
0x80: {  	_ =	shalt  }
0x81: {  	_ =	shalt  }
0x82: {  	_ =	shalt  }
0x83: {  	_ =	shalt  }
0x84: {  	_ =	shalt  }
0x85: {  	_ =	shalt  }
0x86: {  	_ =	shalt  }
0x87: {  	_ =	shalt  }
.Lfunc_end0:
.L_simem_size_0:
called_computation.1_lowered:
.L_overlay_start_0:
0x88: {  	s2 =	sld [smem:$0x3FD9]  }
0x89: {  	s3 =	sld [smem:$0x3FFE];
	_ =	sdelay $0x1  }
0x8a: {  	s1 =	srdreg.scid  }
0x8b: {  	s0 =	sand.u32 $0x1, s1  }
0x8c: {  	s17 =	sshll.u32 s0, $0xA;
	s2 =	sadd.s32 s3, s2  }
0x8d: {  	s2 =	sadd.s32 s2, s17  }
0x8e: {  	[smem:$0x3FC5] =	sst s2  }
0x8f: {  	_ = 	snop  }
0x90: {  	s2 =	sld [smem:$0x3FD0];
	(tm) =	ssettm $0x1  }
0x91: {  	s18 =	sld [smem:$0x3FFB];
	_ =	sdelay $0x3  }
0x92: {  	_ =	strace s18  }
0x93: {  	s3 =	sld [smem:$0x3FFC];
	_ =	sdelay $0x3  }
0x94: {  	_ =	strace s3  }
0x95: {  	s3 =	sld [smem:$0x3FFD];
	_ =	sdelay $0x3  }
0x96: {  	_ =	strace s3  }
0x97: {  	_ =	strace $0x8FFFFFFF  }
0x98: {  	s19 =	sld [smem:$0x3FDB];
	_ =	sdelay $0x1  }
0x99: {  	s4 =	simm.s32 $_scs_section_size  }
0x9a: {  	s5 =	simm.s32 $_size__tile_overlayer_lowered;
	s6 =	simm.s32 $_tile_overlayer_lowered  }
0x9b: {  	s22 =	simm.s32 $0x1BFF;
	s21 =	sshll.u32 s6, $0x1;
	s3 =	sadd.s32 s4, s19  }
0x9c: {  	s7 =	simm.s32 $0x0;
	s20 =	sshll.u32 s5, $0x1;
	s5 =	sadd.s32 s21, s3  }
0x9d: {  	[timem:s7], [sflag:s22] =	dma.local [hbm:s5], s20  }
0x9e: {  	_ =	swait.ge [sflag:s22], s20  }
0x9f: {  	s4 =	ssub.s32 $0x0, s20;
	[sflag:s22] =	ssyncset.done $0x0  }
0xa0: {  	[sflag:s22] =	ssyncadd.s32 s4;
	_ =	sdelay $0x1  }
0xa1: {  	s23 =	simm.s32 $0x1B8B  }
0xa2: {  	_ =	swait.ge [sflag:s23], $0x1  }
0xa3: {  	[sflag:s23] =	ssyncset.done $0x0  }
0xa4: {  	s25 =	simm.s32 $0x1B8E;
	s24 =	sld [smem:$0x3FFE];
	[sflag:s23] =	ssyncadd.s32 $0xFFFFFFFF  }
0xa5: {  	s26 =	simm.s32 $execute0_lowered;
	[smem:$0x3FD2] =	sst s25  }
0xa6: {  	s5 =	sshll.u32 s26, $0x1;
	_ =	strace $0x80000046;
	[dreg:$0x1] =	wrdreg $0xFFFFFFFF  }
0xa7: {  	s28 =	simm.s32 $_size_execute0_lowered;
	s3 =	sadd.s32 s3, s5;
	[dreg:$0x0] =	wrdreg $0x0  }
0xa8: {  	s5 =	sshll.u32 s28, $0x1;
	[dreg:$0x2] =	wrdreg s3  }
0xa9: {  	[dreg:$0x3] =	wrdreg s5  }
0xaa: {  	[dreg:$0x4] =	wrdreg $0xC0  }
0xab: {  	_ =	task [dreg:s7], $0x5FFFF  }
0xac: {  	[dreg:$0x1] =	wrdreg $0xFFFFFFFF  }
0xad: {  	[dreg:$0x0] =	wrdreg $0x60  }
0xae: {  	[dreg:$0x2] =	wrdreg s24  }
0xaf: {  	[dreg:$0x3] =	wrdreg s2  }
0xb0: {  	[dreg:$0x4] =	wrdreg $0x9  }
0xb1: {  	_ =	task.clear_ibuf [dreg:s7], $0x5FFFF;
	_ =	strace $0x90000046  }
0xb2: {  	s29 =	simm.s32 $0x9;
	_ =	strace $0x80000048  }
0xb3: {  	_ =	swait.ge [sflag:s29], $0x1  }
0xb4: {  	[sflag:s29] =	ssyncadd.s32 $0xFFFFFFFF  }
0xb5: {  	_ =	strace $0x90000048  }
0xb6: {  	_ =	sfence  }
0xb7: {  	s30 =	sld [smem:$0x0];
	_ =	sdelay $0x2  }
0xb8: {  	s31 =	sshll.u32 s1, $0xD;
	s1 =	sshrl.u32 s1, $0x2  }
0xb9: {  	s3 =	sand.u32 $0x4000, s31;
	s1 =	sadd.s32 s1, s30  }
0xba: {  	s0 =	sor.u32 s3, s0;
	s1 =	sshll.u32 s1, $0x11  }
0xbb: {  	s0 =	sor.u32 s1, s0  }
0xbc: {  	s0 =	sadd.s32 $0x8F2B, s0  }
0xbd: {  	[sflag:s0] =	ssyncadd.remote.s32 $0x1  }
0xbe: {  	_ =	sfence.sel $0xFFFF  }
0xbf: {  	[dreg:$0x0] =	wrdreg $0xFFFFFFFF;
	(pc) =	sbr.abs _section_cstart, $3  }
0xc0: {  	[dreg:$0x1] =	wrdreg $0xFFFFFFFF  }
0xc1: {  	_ =	task.clear_ibuf [dreg:s7], $0x2FFFF;
	_ =	strace $0x9FFFFFFF  }
0xc2: {  	(tm) =	ssettm $0x7FFFFFFF  }
0xc3: {  	_ =	shalt  }
tec
execute0_lowered:
.L_overlay_start_1:
0x0: {  	(tag) =	ssettag $0x1  }
0x1: {  	s0 =	srdreg.scid  }
0x2: {  	s1 =	rddreg [dreg:$0x0];
	s3 =	stileid.u32  }
0x3: {  	s2 =	rddreg [dreg:$0x1];
	s10 =	simm.s32 $0x1;
	s11 =	simm.s32 $0x2  }
0x4: {  	s12 =	simm.s32 $0x28;
	s13 =	simm.s32 $0x9600;
	s15 =	simm.s32 $0xA000  }
0x5: {  	s17 =	simm.s32 $0xAA00;
	s19 =	simm.s32 $0xB400;
	s21 =	simm.s32 $0xBE00  }
0x6: {  	s22 =	simm.s32 $0x5;
	s23 =	simm.s32 $0xFA00;
	s24 =	simm.s32 $0x6  }
0x7: {  	s25 =	simm.s32 $0x7;
	s28 =	simm.s32 $0xC800;
	s29 =	simm.s32 $0x10400  }
0x8: {  	s30 =	simm.s32 $0x10E00;
	s31 =	simm.s32 $0x11800;
	s14 =	simm.s32 $0xD200  }
0x9: {  	s16 =	simm.s32 $0xDC00;
	s18 =	simm.s32 $0xE600;
	s0 =	sand.u32 $0x1, s0  }
0xa: {  	s20 =	simm.s32 $0xF000;
	s4 =	sshll.u32 s3, $0x8;
	s5 =	sshll.u32 s0, $0x7  }
0xb: {  	s9 =	simm.s32 $0x0;
	s0 =	ssub.s32 $0x2, s0;
	s4 =	sor.u32 s5, s4  }
0xc: {  	s3 =	simm.s32 $0x0;
	s7 =	sshrl.u32 s0, $0x1;
	s5 =	smul.u32 $0x19, s4  }
.Ltmp0:
0xd: {  	[smem:$0x7FF] =	sst s3;
	s0 =	ssub.s32 s0, s7;
	(pc) =	sbr.rel .LBB2_1-.Ltmp0, $4  }
0xe: {  	_ =	strace $0x80000047;
	s0 =	smax.u32 s0, $0x1;
	s6 =	sadd.s32 s5, s1  }
0xf: {  	s5 =	sadd.s32 $0xF43000, s1;
	s1 =	sadd.s32 $0x19C00, s1;
	[dreg:$0x5] =	wrdreg s0  }
0x10: {  	s0 =	simm.s32 $0x3;
	[dreg:$0x3] =	wrdreg s1;
	s26 =	sadd.s32 $0xC00, s6  }
0x11: {  	s1 =	simm.s32 $0x12200;
	[dreg:$0x4] =	wrdreg s26;
	s26 =	simm.s32 $0x4  }
.LBB2_14:
0x12: {  	_ =	swait.ge [sflag:s24], $0x3200  }
0x13: {  	[sflag:s24] =	ssyncset.done $0x0  }
0x14: {  	[sflag:s24] =	ssyncadd.s32 $0xFFFFCE00  }
0x15: {  	_ =	swait.ge [sflag:s25], $0x3200  }
0x16: {  	s9 =	sadd.s32 $0x1, s9;
	s6 =	rddreg [dreg:$0x5]  }
0x17: {  	p0 =	sne.s32 s9, s6  }
.Ltmp1:
0x18: {  	_ = 	snop;
	(pc) =	sbr.rel @!p0 .LBB2_15-.Ltmp1, $3  }
0x19: {  	_ =	sdelay $0x1  }
0x1a: {  	[sflag:s25] =	ssyncset.done $0x0  }
0x1b: {  	[sflag:s25] =	ssyncadd.s32 $0xFFFFCE00  }
.LBB2_1:
0x1c: {  	s6 =	rddreg [dreg:$0x3]  }
0x1d: {  	[tilespmem:s3], [sflag:$0x1] =	stream.linear.gather [hbm4b:s6+s3], $0x3200, $0x38;
	[tilespmem:$0x12C00] =	vst v63  }
0x1e: {  	s8 =	rddreg [dreg:$0x4];
	s7 =	simm.s32 $0x3200  }
0x1f: {  	[tilespmem:s7], [sflag:$0x2] =	stream.linear.gather [hbm4b:s8+s3], $0x6400, $0x38;
	[tilespmem:$0x12C00] =	vst v63  }
0x20: {  	_ =	swait.ge [sflag:s10], $0x3200  }
0x21: {  	[sflag:s10] =	ssyncset.done $0x0  }
0x22: {  	[sflag:s10] =	ssyncadd.s32 $0xFFFFCE00  }
0x23: {  	_ =	swait.ge [sflag:s11], $0x6400  }
0x24: {  	[sflag:s11] =	ssyncset.done $0x0  }
0x25: {  	[sflag:s11] =	ssyncadd.s32 $0xFFFF9C00  }
0x26: {  	[tilespmem:s13], [sflag:$0x3] =	stream.indirect.gather [hbm4b:s5+s12], $0x40, s7, s12, $0xb8;
	[tilespmem:$0x12C00] =	vst v63  }
0x27: {  	s7 =	simm.s32 $0x3228  }
0x28: {  	[tilespmem:s15], [sflag:$0x3] =	stream.indirect.gather [hbm4b:s5+s12], $0x40, s7, s12, $0xb8;
	[tilespmem:$0x12C00] =	vst v63  }
0x29: {  	s8 =	simm.s32 $0x3250  }
0x2a: {  	[tilespmem:s17], [sflag:$0x3] =	stream.indirect.gather [hbm4b:s5+s12], $0x40, s8, s12, $0xb8;
	[tilespmem:$0x12C00] =	vst v63  }
.Ltmp2:
0x2b: {  	_ = 	snop;
	(pc) =	sbr.rel .LBB2_2-.Ltmp2, $4  }
0x2c: {  	s7 =	simm.s32 $0x3278  }
0x2d: {  	[tilespmem:s19], [sflag:$0x3] =	stream.indirect.gather [hbm4b:s5+s12], $0x40, s7, s12, $0xb8;
	[tilespmem:$0x12C00] =	vst v63  }
0x2e: {  	s6 =	simm.s32 $0x0;
	s8 =	simm.s32 $0x32A0  }
0x2f: {  	[tilespmem:s21], [sflag:$0x3] =	stream.indirect.gather [hbm4b:s5+s12], $0x40, s8, s12, $0xb8;
	[tilespmem:$0x12C00] =	vst v63  }
.LBB2_13:
0x30: {  	s6 =	sadd.s32 $0x1, s6  }
0x31: {  	p0 =	sne.s32 s6, $0x80  }
.Ltmp3:
0x32: {  	_ = 	snop;
	(pc) =	sbr.rel @!p0 .LBB2_14-.Ltmp3, $1  }
0x33: {  	_ =	sdelay $0x3  }
.LBB2_2:
0x34: {  	s7 =	smul.u32 $0xAB, s6;
	_ =	sdelay $0x1  }
0x35: {  	s7 =	sshrl.u32 s7, $0x9  }
0x36: {  	s7 =	sand.u32 $0x7F, s7  }
0x37: {  	s7 =	smul.u32 $0x3, s7;
	_ =	sdelay $0x1  }
0x38: {  	s7 =	ssub.s32 s6, s7  }
0x39: {  	s7 =	sand.u32 $0xFF, s7  }
0x3a: {  	p1 =	seq.s32 s7, $0x2  }
.Ltmp4:
0x3b: {  	_ = 	snop;
	(pc) =	sbr.rel @p1 .LBB2_10-.Ltmp4, $2  }
0x3c: {  	_ =	sdelay $0x2  }
0x3d: {  	p0 =	slt.u32 s6, $0x2  }
0x3e: {  	p2 =	seq.s32 s7, $0x1  }
.Ltmp5:
0x3f: {  	_ = 	snop;
	(pc) =	sbr.rel @!p2 .LBB2_4-.Ltmp5, $2  }
0x40: {  	_ =	sdelay $0x2  }
0x41: {  	p1 =	seq.s32 @!p0 s6, $0x7F  }
0x42: {  	_ =	swait.ge [sflag:s26], $0xA00  }
0x43: {  	[sflag:s26] =	ssyncset.done $0x0  }
0x44: {  	[sflag:s26] =	ssyncadd.s32 $0xFFFFF600  }
0x45: {  	_ =	swait.ge [sflag:s26], $0xA00  }
0x46: {  	[sflag:s26] =	ssyncset.done $0x0  }
0x47: {  	[sflag:s26] =	ssyncadd.s32 $0xFFFFF600  }
0x48: {  	_ =	swait.ge [sflag:s26], $0xA00  }
0x49: {  	[sflag:s26] =	ssyncset.done $0x0  }
0x4a: {  	[sflag:s26] =	ssyncadd.s32 $0xFFFFF600  }
0x4b: {  	_ =	swait.ge [sflag:s26], $0xA00  }
0x4c: {  	[sflag:s26] =	ssyncset.done $0x0  }
0x4d: {  	[sflag:s26] =	ssyncadd.s32 $0xFFFFF600  }
0x4e: {  	_ =	swait.ge [sflag:s26], $0xA00  }
0x4f: {  	[sflag:s26] =	ssyncset.done $0x0  }
0x50: {  	s7 =	simm.s32 @!p0 $0x8;
	[sflag:s26] =	ssyncadd.s32 $0xFFFFF600  }
0x51: {  	_ =	swait.ge @!p0 [sflag:s7], $0x3200  }
0x52: {  	p1 =	por p0, !p1;
	[sflag:s7] =	ssyncset.done @!p0 $0x0  }
0x53: {  	[sflag:s7] =	ssyncadd.s32 @!p0 $0xFFFFCE00;
	s7 =	smul.u32 @p1 $0x320, s6;
	_ =	sdelay $0x1  }
0x54: {  	s7 =	sshra.s32 @p1 s7, $0x2  }
0x55: {  	s8 =	sadd.s32 @p1 $0x32C8, s7  }
0x56: {  	[tilespmem:s23], [sflag:$0x5] =	stream.indirect.gather @p1 [hbm4b:s5+s12], $0x40, s8, s12, $0xb8;
	[tilespmem:$0x12C00] =	vst v63  }
0x57: {  	s8 =	sadd.s32 @p1 $0x32F0, s7  }
0x58: {  	[tilespmem:s29], [sflag:$0x5] =	stream.indirect.gather @p1 [hbm4b:s5+s12], $0x40, s8, s12, $0xb8;
	[tilespmem:$0x12C00] =	vst v63  }
0x59: {  	s8 =	sadd.s32 @p1 $0x3318, s7  }
0x5a: {  	[tilespmem:s30], [sflag:$0x5] =	stream.indirect.gather @p1 [hbm4b:s5+s12], $0x40, s8, s12, $0xb8;
	[tilespmem:$0x12C00] =	vst v63  }
0x5b: {  	s8 =	sadd.s32 @p1 $0x3340, s7  }
0x5c: {  	[tilespmem:s31], [sflag:$0x5] =	stream.indirect.gather @p1 [hbm4b:s5+s12], $0x40, s8, s12, $0xb8;
	[tilespmem:$0x12C00] =	vst v63  }
0x5d: {  	s7 =	sadd.s32 @p1 $0x3368, s7  }
0x5e: {  	[tilespmem:s1], [sflag:$0x5] =	stream.indirect.gather @p1 [hbm4b:s5+s12], $0x40, s7, s12, $0xb8;
	[tilespmem:$0x12C00] =	vst v63  }
0x5f: {  	s8 =	simm.s32 $0x800;
	s7 =	simm.s32 $0x0  }
.LBB2_8:
0x60: {  	p0 =	sne.s32 s8, $0xC000;
	v0 =	vld [tilespmem:s7+$0x1F0]  }
0x61: {  	v1 =	vld [tilespmem:s7+$0x0]  }
0x62: {  	v2 =	vld [tilespmem:s7+$0x10]  }
0x63: {  	v3 =	vld [tilespmem:s7+$0x20]  }
0x64: {  	v4 =	vld [tilespmem:s7+$0x30]  }
0x65: {  	[tilespmem:s7+$0xC9F0] =	vst.add.f32.msk $0xffff, v0  }
0x66: {  	v0 =	vld [tilespmem:s7+$0x40]  }
0x67: {  	v5 =	vld [tilespmem:s7+$0x50]  }
0x68: {  	v6 =	vld [tilespmem:s7+$0x60]  }
0x69: {  	v7 =	vld [tilespmem:s7+$0x70]  }
0x6a: {  	v8 =	vld [tilespmem:s7+$0x80]  }
0x6b: {  	v9 =	vld [tilespmem:s7+$0x90]  }
0x6c: {  	v10 =	vld [tilespmem:s7+$0xA0]  }
0x6d: {  	v11 =	vld [tilespmem:s7+$0xB0]  }
0x6e: {  	v12 =	vld [tilespmem:s7+$0xC0]  }
0x6f: {  	v13 =	vld [tilespmem:s7+$0xD0]  }
0x70: {  	v14 =	vld [tilespmem:s7+$0xE0]  }
0x71: {  	v15 =	vld [tilespmem:s7+$0xF0]  }
0x72: {  	v16 =	vld [tilespmem:s7+$0x100]  }
0x73: {  	v17 =	vld [tilespmem:s7+$0x110]  }
0x74: {  	v18 =	vld [tilespmem:s7+$0x120]  }
0x75: {  	v19 =	vld [tilespmem:s7+$0x130]  }
0x76: {  	v20 =	vld [tilespmem:s7+$0x140]  }
0x77: {  	v21 =	vld [tilespmem:s7+$0x150]  }
0x78: {  	v22 =	vld [tilespmem:s7+$0x160]  }
0x79: {  	v23 =	vld [tilespmem:s7+$0x170]  }
0x7a: {  	v24 =	vld [tilespmem:s7+$0x180]  }
0x7b: {  	v25 =	vld [tilespmem:s7+$0x190]  }
0x7c: {  	v26 =	vld [tilespmem:s7+$0x1A0]  }
0x7d: {  	v27 =	vld [tilespmem:s7+$0x1B0]  }
0x7e: {  	v28 =	vld [tilespmem:s7+$0x1C0]  }
0x7f: {  	v29 =	vld [tilespmem:s7+$0x1D0]  }
0x80: {  	v30 =	vld [tilespmem:s7+$0x1E0]  }
0x81: {  	[tilespmem:s7+$0xC800] =	vst.add.f32.msk $0xffff, v1  }
0x82: {  	[tilespmem:s7+$0xC810] =	vst.add.f32.msk $0xffff, v2  }
0x83: {  	[tilespmem:s7+$0xC820] =	vst.add.f32.msk $0xffff, v3  }
0x84: {  	[tilespmem:s7+$0xC830] =	vst.add.f32.msk $0xffff, v4  }
0x85: {  	[tilespmem:s7+$0xC840] =	vst.add.f32.msk $0xffff, v0  }
0x86: {  	[tilespmem:s7+$0xC850] =	vst.add.f32.msk $0xffff, v5  }
0x87: {  	[tilespmem:s7+$0xC860] =	vst.add.f32.msk $0xffff, v6  }
0x88: {  	[tilespmem:s7+$0xC870] =	vst.add.f32.msk $0xffff, v7  }
0x89: {  	[tilespmem:s7+$0xC880] =	vst.add.f32.msk $0xffff, v8  }
0x8a: {  	[tilespmem:s7+$0xC890] =	vst.add.f32.msk $0xffff, v9  }
0x8b: {  	[tilespmem:s7+$0xC8A0] =	vst.add.f32.msk $0xffff, v10  }
0x8c: {  	[tilespmem:s7+$0xC8B0] =	vst.add.f32.msk $0xffff, v11  }
0x8d: {  	[tilespmem:s7+$0xC8C0] =	vst.add.f32.msk $0xffff, v12  }
0x8e: {  	[tilespmem:s7+$0xC8D0] =	vst.add.f32.msk $0xffff, v13  }
0x8f: {  	[tilespmem:s7+$0xC8E0] =	vst.add.f32.msk $0xffff, v14  }
0x90: {  	[tilespmem:s7+$0xC8F0] =	vst.add.f32.msk $0xffff, v15  }
0x91: {  	[tilespmem:s7+$0xC900] =	vst.add.f32.msk $0xffff, v16  }
0x92: {  	[tilespmem:s7+$0xC910] =	vst.add.f32.msk $0xffff, v17  }
0x93: {  	[tilespmem:s7+$0xC920] =	vst.add.f32.msk $0xffff, v18  }
0x94: {  	[tilespmem:s7+$0xC930] =	vst.add.f32.msk $0xffff, v19  }
0x95: {  	[tilespmem:s7+$0xC940] =	vst.add.f32.msk $0xffff, v20  }
0x96: {  	[tilespmem:s7+$0xC950] =	vst.add.f32.msk $0xffff, v21  }
0x97: {  	[tilespmem:s7+$0xC960] =	vst.add.f32.msk $0xffff, v22  }
0x98: {  	[tilespmem:s7+$0xC970] =	vst.add.f32.msk $0xffff, v23  }
0x99: {  	[tilespmem:s7+$0xC980] =	vst.add.f32.msk $0xffff, v24  }
0x9a: {  	[tilespmem:s7+$0xC990] =	vst.add.f32.msk $0xffff, v25  }
.Ltmp6:
0x9b: {  	[tilespmem:s7+$0xC9A0] =	vst.add.f32.msk $0xffff, v26;
	(pc) =	sbr.rel @p0 .LBB2_8-.Ltmp6, $4  }
0x9c: {  	[tilespmem:s7+$0xC9B0] =	vst.add.f32.msk $0xffff, v27  }
0x9d: {  	[tilespmem:s7+$0xC9C0] =	vst.add.f32.msk $0xffff, v28  }
0x9e: {  	[tilespmem:s7+$0xC9D0] =	vst.add.f32.msk $0xffff, v29  }
0x9f: {  	[tilespmem:s7+$0xC9E0] =	vst.add.f32.msk $0xffff, v30;
	s7 =	sshra.s32 s8, $0x2;
	s8 =	sadd.s32 $0x800, s8  }
0xa0: {  	v0 =	vld [tilespmem:s7+$0x1F0]  }
0xa1: {  	v1 =	vld [tilespmem:s7+$0x0]  }
0xa2: {  	v2 =	vld [tilespmem:s7+$0x10]  }
0xa3: {  	v3 =	vld [tilespmem:s7+$0x20]  }
0xa4: {  	v4 =	vld [tilespmem:s7+$0x30]  }
0xa5: {  	v63 =	vld [tilespmem:s7+$0x40]  }
0xa6: {  	v5 =	vld [tilespmem:s7+$0x50]  }
0xa7: {  	v6 =	vld [tilespmem:s7+$0x60]  }
0xa8: {  	v7 =	vld [tilespmem:s7+$0x70]  }
0xa9: {  	v8 =	vld [tilespmem:s7+$0x80]  }
0xaa: {  	v9 =	vld [tilespmem:s7+$0x90]  }
0xab: {  	v10 =	vld [tilespmem:s7+$0xA0]  }
0xac: {  	v11 =	vld [tilespmem:s7+$0xB0]  }
0xad: {  	v12 =	vld [tilespmem:s7+$0xC0]  }
0xae: {  	v13 =	vld [tilespmem:s7+$0xD0]  }
0xaf: {  	v14 =	vld [tilespmem:s7+$0xE0]  }
0xb0: {  	v15 =	vld [tilespmem:s7+$0xF0]  }
0xb1: {  	v16 =	vld [tilespmem:s7+$0x100]  }
0xb2: {  	v17 =	vld [tilespmem:s7+$0x110]  }
0xb3: {  	v18 =	vld [tilespmem:s7+$0x120]  }
0xb4: {  	v19 =	vld [tilespmem:s7+$0x130]  }
0xb5: {  	v20 =	vld [tilespmem:s7+$0x140]  }
0xb6: {  	v21 =	vld [tilespmem:s7+$0x150]  }
0xb7: {  	v22 =	vld [tilespmem:s7+$0x160]  }
0xb8: {  	v23 =	vld [tilespmem:s7+$0x170]  }
0xb9: {  	v24 =	vld [tilespmem:s7+$0x180]  }
0xba: {  	v25 =	vld [tilespmem:s7+$0x190]  }
0xbb: {  	v26 =	vld [tilespmem:s7+$0x1A0]  }
0xbc: {  	v27 =	vld [tilespmem:s7+$0x1B0]  }
0xbd: {  	v28 =	vld [tilespmem:s7+$0x1C0]  }
0xbe: {  	v29 =	vld [tilespmem:s7+$0x1D0]  }
0xbf: {  	v30 =	vld [tilespmem:s7+$0x1E0]  }
0xc0: {  	[tilespmem:s7+$0xC9F0] =	vst.add.f32.msk $0xffff, v0  }
0xc1: {  	[tilespmem:s7+$0xC800] =	vst.add.f32.msk $0xffff, v1  }
0xc2: {  	[tilespmem:s7+$0xC810] =	vst.add.f32.msk $0xffff, v2  }
0xc3: {  	[tilespmem:s7+$0xC820] =	vst.add.f32.msk $0xffff, v3  }
0xc4: {  	[tilespmem:s7+$0xC830] =	vst.add.f32.msk $0xffff, v4  }
0xc5: {  	[tilespmem:s7+$0xC840] =	vst.add.f32.msk $0xffff, v63  }
0xc6: {  	[tilespmem:s7+$0xC850] =	vst.add.f32.msk $0xffff, v5  }
0xc7: {  	[tilespmem:s7+$0xC860] =	vst.add.f32.msk $0xffff, v6  }
0xc8: {  	[tilespmem:s7+$0xC870] =	vst.add.f32.msk $0xffff, v7  }
0xc9: {  	[tilespmem:s7+$0xC880] =	vst.add.f32.msk $0xffff, v8  }
0xca: {  	[tilespmem:s7+$0xC890] =	vst.add.f32.msk $0xffff, v9  }
0xcb: {  	[tilespmem:s7+$0xC8A0] =	vst.add.f32.msk $0xffff, v10  }
0xcc: {  	[tilespmem:s7+$0xC8B0] =	vst.add.f32.msk $0xffff, v11  }
0xcd: {  	[tilespmem:s7+$0xC8C0] =	vst.add.f32.msk $0xffff, v12  }
0xce: {  	[tilespmem:s7+$0xC8D0] =	vst.add.f32.msk $0xffff, v13  }
0xcf: {  	[tilespmem:s7+$0xC8E0] =	vst.add.f32.msk $0xffff, v14  }
0xd0: {  	[tilespmem:s7+$0xC8F0] =	vst.add.f32.msk $0xffff, v15  }
0xd1: {  	[tilespmem:s7+$0xC900] =	vst.add.f32.msk $0xffff, v16  }
0xd2: {  	[tilespmem:s7+$0xC910] =	vst.add.f32.msk $0xffff, v17  }
0xd3: {  	[tilespmem:s7+$0xC920] =	vst.add.f32.msk $0xffff, v18  }
0xd4: {  	[tilespmem:s7+$0xC930] =	vst.add.f32.msk $0xffff, v19  }
0xd5: {  	[tilespmem:s7+$0xC940] =	vst.add.f32.msk $0xffff, v20  }
0xd6: {  	[tilespmem:s7+$0xC950] =	vst.add.f32.msk $0xffff, v21  }
0xd7: {  	[tilespmem:s7+$0xC960] =	vst.add.f32.msk $0xffff, v22  }
0xd8: {  	[tilespmem:s7+$0xC970] =	vst.add.f32.msk $0xffff, v23  }
0xd9: {  	[tilespmem:s7+$0xC980] =	vst.add.f32.msk $0xffff, v24  }
0xda: {  	[tilespmem:s7+$0xC990] =	vst.add.f32.msk $0xffff, v25  }
0xdb: {  	[tilespmem:s7+$0xC9A0] =	vst.add.f32.msk $0xffff, v26  }
.Ltmp7:
0xdc: {  	s8 =	sadd.s32 s4, s6;
	[tilespmem:s7+$0xC9B0] =	vst.add.f32.msk $0xffff, v27;
	(pc) =	sbr.rel .LBB2_13-.Ltmp7, $4  }
0xdd: {  	s8 =	smul.u32 $0x640, s8;
	[tilespmem:s7+$0xC9C0] =	vst.add.f32.msk $0xffff, v28  }
0xde: {  	[tilespmem:s7+$0xC9D0] =	vst.add.f32.msk $0xffff, v29  }
0xdf: {  	s8 =	sadd.s32 s2, s8;
	[tilespmem:s7+$0xC9E0] =	vst.add.f32.msk $0xffff, v30  }
0xe0: {  	[hbm4b:s8+s3] =	stream.linear.scatter [tilespmem:s28], [sflag:$0x7], $0x3200, $0x38;
	[tilespmem:$0x12C00] =	vst v63  }
.LBB2_10:
0xe1: {  	_ =	swait.ge [sflag:s22], $0xA00  }
0xe2: {  	[sflag:s22] =	ssyncset.done $0x0  }
0xe3: {  	[sflag:s22] =	ssyncadd.s32 $0xFFFFF600  }
0xe4: {  	_ =	swait.ge [sflag:s22], $0xA00  }
0xe5: {  	[sflag:s22] =	ssyncset.done $0x0  }
0xe6: {  	[sflag:s22] =	ssyncadd.s32 $0xFFFFF600  }
0xe7: {  	_ =	swait.ge [sflag:s22], $0xA00  }
0xe8: {  	[sflag:s22] =	ssyncset.done $0x0  }
0xe9: {  	[sflag:s22] =	ssyncadd.s32 $0xFFFFF600  }
0xea: {  	_ =	swait.ge [sflag:s22], $0xA00  }
0xeb: {  	[sflag:s22] =	ssyncset.done $0x0  }
0xec: {  	[sflag:s22] =	ssyncadd.s32 $0xFFFFF600  }
0xed: {  	_ =	swait.ge [sflag:s22], $0xA00  }
0xee: {  	[sflag:s22] =	ssyncset.done $0x0  }
0xef: {  	s7 =	simm.s32 @!p0 $0x6;
	[sflag:s22] =	ssyncadd.s32 $0xFFFFF600  }
0xf0: {  	p1 =	seq.s32 @!p0 s6, $0x7F;
	_ =	swait.ge @!p0 [sflag:s7], $0x3200  }
0xf1: {  	p1 =	por p0, !p1;
	[sflag:s7] =	ssyncset.done @!p0 $0x0  }
0xf2: {  	[sflag:s7] =	ssyncadd.s32 @!p0 $0xFFFFCE00;
	s7 =	smul.u32 @p1 $0x320, s6;
	_ =	sdelay $0x1  }
0xf3: {  	s7 =	sshra.s32 @p1 s7, $0x2  }
0xf4: {  	s8 =	sadd.s32 @p1 $0x32C8, s7  }
0xf5: {  	[tilespmem:s13], [sflag:$0x3] =	stream.indirect.gather @p1 [hbm4b:s5+s12], $0x40, s8, s12, $0xb8;
	[tilespmem:$0x12C00] =	vst v63  }
0xf6: {  	s8 =	sadd.s32 @p1 $0x32F0, s7  }
0xf7: {  	[tilespmem:s15], [sflag:$0x3] =	stream.indirect.gather @p1 [hbm4b:s5+s12], $0x40, s8, s12, $0xb8;
	[tilespmem:$0x12C00] =	vst v63  }
0xf8: {  	s8 =	sadd.s32 @p1 $0x3318, s7  }
0xf9: {  	[tilespmem:s17], [sflag:$0x3] =	stream.indirect.gather @p1 [hbm4b:s5+s12], $0x40, s8, s12, $0xb8;
	[tilespmem:$0x12C00] =	vst v63  }
0xfa: {  	s8 =	sadd.s32 @p1 $0x3340, s7  }
0xfb: {  	[tilespmem:s19], [sflag:$0x3] =	stream.indirect.gather @p1 [hbm4b:s5+s12], $0x40, s8, s12, $0xb8;
	[tilespmem:$0x12C00] =	vst v63  }
0xfc: {  	s7 =	sadd.s32 @p1 $0x3368, s7  }
0xfd: {  	[tilespmem:s21], [sflag:$0x3] =	stream.indirect.gather @p1 [hbm4b:s5+s12], $0x40, s7, s12, $0xb8;
	[tilespmem:$0x12C00] =	vst v63  }
0xfe: {  	s8 =	simm.s32 $0x800;
	s7 =	simm.s32 $0x0  }
.LBB2_11:
0xff: {  	p0 =	sne.s32 s8, $0xC000;
	v0 =	vld [tilespmem:s7+$0x1F0]  }
0x100: {  	v1 =	vld [tilespmem:s7+$0x0]  }
0x101: {  	v2 =	vld [tilespmem:s7+$0x10]  }
0x102: {  	v3 =	vld [tilespmem:s7+$0x20]  }
0x103: {  	v4 =	vld [tilespmem:s7+$0x30]  }
0x104: {  	[tilespmem:s7+$0xFBF0] =	vst.add.f32.msk $0xffff, v0  }
0x105: {  	v0 =	vld [tilespmem:s7+$0x40]  }
0x106: {  	v5 =	vld [tilespmem:s7+$0x50]  }
0x107: {  	v6 =	vld [tilespmem:s7+$0x60]  }
0x108: {  	v7 =	vld [tilespmem:s7+$0x70]  }
0x109: {  	v8 =	vld [tilespmem:s7+$0x80]  }
0x10a: {  	v9 =	vld [tilespmem:s7+$0x90]  }
0x10b: {  	v10 =	vld [tilespmem:s7+$0xA0]  }
0x10c: {  	v11 =	vld [tilespmem:s7+$0xB0]  }
0x10d: {  	v12 =	vld [tilespmem:s7+$0xC0]  }
0x10e: {  	v13 =	vld [tilespmem:s7+$0xD0]  }
0x10f: {  	v14 =	vld [tilespmem:s7+$0xE0]  }
0x110: {  	v15 =	vld [tilespmem:s7+$0xF0]  }
0x111: {  	v16 =	vld [tilespmem:s7+$0x100]  }
0x112: {  	v17 =	vld [tilespmem:s7+$0x110]  }
0x113: {  	v18 =	vld [tilespmem:s7+$0x120]  }
0x114: {  	v19 =	vld [tilespmem:s7+$0x130]  }
0x115: {  	v20 =	vld [tilespmem:s7+$0x140]  }
0x116: {  	v21 =	vld [tilespmem:s7+$0x150]  }
0x117: {  	v22 =	vld [tilespmem:s7+$0x160]  }
0x118: {  	v23 =	vld [tilespmem:s7+$0x170]  }
0x119: {  	v24 =	vld [tilespmem:s7+$0x180]  }
0x11a: {  	v25 =	vld [tilespmem:s7+$0x190]  }
0x11b: {  	v26 =	vld [tilespmem:s7+$0x1A0]  }
0x11c: {  	v27 =	vld [tilespmem:s7+$0x1B0]  }
0x11d: {  	v28 =	vld [tilespmem:s7+$0x1C0]  }
0x11e: {  	v29 =	vld [tilespmem:s7+$0x1D0]  }
0x11f: {  	v30 =	vld [tilespmem:s7+$0x1E0]  }
0x120: {  	[tilespmem:s7+$0xFA00] =	vst.add.f32.msk $0xffff, v1  }
0x121: {  	[tilespmem:s7+$0xFA10] =	vst.add.f32.msk $0xffff, v2  }
0x122: {  	[tilespmem:s7+$0xFA20] =	vst.add.f32.msk $0xffff, v3  }
0x123: {  	[tilespmem:s7+$0xFA30] =	vst.add.f32.msk $0xffff, v4  }
0x124: {  	[tilespmem:s7+$0xFA40] =	vst.add.f32.msk $0xffff, v0  }
0x125: {  	[tilespmem:s7+$0xFA50] =	vst.add.f32.msk $0xffff, v5  }
0x126: {  	[tilespmem:s7+$0xFA60] =	vst.add.f32.msk $0xffff, v6  }
0x127: {  	[tilespmem:s7+$0xFA70] =	vst.add.f32.msk $0xffff, v7  }
0x128: {  	[tilespmem:s7+$0xFA80] =	vst.add.f32.msk $0xffff, v8  }
0x129: {  	[tilespmem:s7+$0xFA90] =	vst.add.f32.msk $0xffff, v9  }
0x12a: {  	[tilespmem:s7+$0xFAA0] =	vst.add.f32.msk $0xffff, v10  }
0x12b: {  	[tilespmem:s7+$0xFAB0] =	vst.add.f32.msk $0xffff, v11  }
0x12c: {  	[tilespmem:s7+$0xFAC0] =	vst.add.f32.msk $0xffff, v12  }
0x12d: {  	[tilespmem:s7+$0xFAD0] =	vst.add.f32.msk $0xffff, v13  }
0x12e: {  	[tilespmem:s7+$0xFAE0] =	vst.add.f32.msk $0xffff, v14  }
0x12f: {  	[tilespmem:s7+$0xFAF0] =	vst.add.f32.msk $0xffff, v15  }
0x130: {  	[tilespmem:s7+$0xFB00] =	vst.add.f32.msk $0xffff, v16  }
0x131: {  	[tilespmem:s7+$0xFB10] =	vst.add.f32.msk $0xffff, v17  }
0x132: {  	[tilespmem:s7+$0xFB20] =	vst.add.f32.msk $0xffff, v18  }
0x133: {  	[tilespmem:s7+$0xFB30] =	vst.add.f32.msk $0xffff, v19  }
0x134: {  	[tilespmem:s7+$0xFB40] =	vst.add.f32.msk $0xffff, v20  }
0x135: {  	[tilespmem:s7+$0xFB50] =	vst.add.f32.msk $0xffff, v21  }
0x136: {  	[tilespmem:s7+$0xFB60] =	vst.add.f32.msk $0xffff, v22  }
0x137: {  	[tilespmem:s7+$0xFB70] =	vst.add.f32.msk $0xffff, v23  }
0x138: {  	[tilespmem:s7+$0xFB80] =	vst.add.f32.msk $0xffff, v24  }
0x139: {  	[tilespmem:s7+$0xFB90] =	vst.add.f32.msk $0xffff, v25  }
.Ltmp8:
0x13a: {  	[tilespmem:s7+$0xFBA0] =	vst.add.f32.msk $0xffff, v26;
	(pc) =	sbr.rel @p0 .LBB2_11-.Ltmp8, $4  }
0x13b: {  	[tilespmem:s7+$0xFBB0] =	vst.add.f32.msk $0xffff, v27  }
0x13c: {  	[tilespmem:s7+$0xFBC0] =	vst.add.f32.msk $0xffff, v28  }
0x13d: {  	[tilespmem:s7+$0xFBD0] =	vst.add.f32.msk $0xffff, v29  }
0x13e: {  	[tilespmem:s7+$0xFBE0] =	vst.add.f32.msk $0xffff, v30;
	s7 =	sshra.s32 s8, $0x2;
	s8 =	sadd.s32 $0x800, s8  }
0x13f: {  	v0 =	vld [tilespmem:s7+$0x1F0]  }
0x140: {  	v1 =	vld [tilespmem:s7+$0x0]  }
0x141: {  	v2 =	vld [tilespmem:s7+$0x10]  }
0x142: {  	v3 =	vld [tilespmem:s7+$0x20]  }
0x143: {  	v4 =	vld [tilespmem:s7+$0x30]  }
0x144: {  	v63 =	vld [tilespmem:s7+$0x40]  }
0x145: {  	v5 =	vld [tilespmem:s7+$0x50]  }
0x146: {  	v6 =	vld [tilespmem:s7+$0x60]  }
0x147: {  	v7 =	vld [tilespmem:s7+$0x70]  }
0x148: {  	v8 =	vld [tilespmem:s7+$0x80]  }
0x149: {  	v9 =	vld [tilespmem:s7+$0x90]  }
0x14a: {  	v10 =	vld [tilespmem:s7+$0xA0]  }
0x14b: {  	v11 =	vld [tilespmem:s7+$0xB0]  }
0x14c: {  	v12 =	vld [tilespmem:s7+$0xC0]  }
0x14d: {  	v13 =	vld [tilespmem:s7+$0xD0]  }
0x14e: {  	v14 =	vld [tilespmem:s7+$0xE0]  }
0x14f: {  	v15 =	vld [tilespmem:s7+$0xF0]  }
0x150: {  	v16 =	vld [tilespmem:s7+$0x100]  }
0x151: {  	v17 =	vld [tilespmem:s7+$0x110]  }
0x152: {  	v18 =	vld [tilespmem:s7+$0x120]  }
0x153: {  	v19 =	vld [tilespmem:s7+$0x130]  }
0x154: {  	v20 =	vld [tilespmem:s7+$0x140]  }
0x155: {  	v21 =	vld [tilespmem:s7+$0x150]  }
0x156: {  	v22 =	vld [tilespmem:s7+$0x160]  }
0x157: {  	v23 =	vld [tilespmem:s7+$0x170]  }
0x158: {  	v24 =	vld [tilespmem:s7+$0x180]  }
0x159: {  	v25 =	vld [tilespmem:s7+$0x190]  }
0x15a: {  	v26 =	vld [tilespmem:s7+$0x1A0]  }
0x15b: {  	v27 =	vld [tilespmem:s7+$0x1B0]  }
0x15c: {  	v28 =	vld [tilespmem:s7+$0x1C0]  }
0x15d: {  	v29 =	vld [tilespmem:s7+$0x1D0]  }
0x15e: {  	v30 =	vld [tilespmem:s7+$0x1E0]  }
0x15f: {  	[tilespmem:s7+$0xFBF0] =	vst.add.f32.msk $0xffff, v0  }
0x160: {  	[tilespmem:s7+$0xFA00] =	vst.add.f32.msk $0xffff, v1  }
0x161: {  	[tilespmem:s7+$0xFA10] =	vst.add.f32.msk $0xffff, v2  }
0x162: {  	[tilespmem:s7+$0xFA20] =	vst.add.f32.msk $0xffff, v3  }
0x163: {  	[tilespmem:s7+$0xFA30] =	vst.add.f32.msk $0xffff, v4  }
0x164: {  	[tilespmem:s7+$0xFA40] =	vst.add.f32.msk $0xffff, v63  }
0x165: {  	[tilespmem:s7+$0xFA50] =	vst.add.f32.msk $0xffff, v5  }
0x166: {  	[tilespmem:s7+$0xFA60] =	vst.add.f32.msk $0xffff, v6  }
0x167: {  	[tilespmem:s7+$0xFA70] =	vst.add.f32.msk $0xffff, v7  }
0x168: {  	[tilespmem:s7+$0xFA80] =	vst.add.f32.msk $0xffff, v8  }
0x169: {  	[tilespmem:s7+$0xFA90] =	vst.add.f32.msk $0xffff, v9  }
0x16a: {  	[tilespmem:s7+$0xFAA0] =	vst.add.f32.msk $0xffff, v10  }
0x16b: {  	[tilespmem:s7+$0xFAB0] =	vst.add.f32.msk $0xffff, v11  }
0x16c: {  	[tilespmem:s7+$0xFAC0] =	vst.add.f32.msk $0xffff, v12  }
0x16d: {  	[tilespmem:s7+$0xFAD0] =	vst.add.f32.msk $0xffff, v13  }
0x16e: {  	[tilespmem:s7+$0xFAE0] =	vst.add.f32.msk $0xffff, v14  }
0x16f: {  	[tilespmem:s7+$0xFAF0] =	vst.add.f32.msk $0xffff, v15  }
0x170: {  	[tilespmem:s7+$0xFB00] =	vst.add.f32.msk $0xffff, v16  }
0x171: {  	[tilespmem:s7+$0xFB10] =	vst.add.f32.msk $0xffff, v17  }
0x172: {  	[tilespmem:s7+$0xFB20] =	vst.add.f32.msk $0xffff, v18  }
0x173: {  	[tilespmem:s7+$0xFB30] =	vst.add.f32.msk $0xffff, v19  }
0x174: {  	[tilespmem:s7+$0xFB40] =	vst.add.f32.msk $0xffff, v20  }
0x175: {  	[tilespmem:s7+$0xFB50] =	vst.add.f32.msk $0xffff, v21  }
0x176: {  	[tilespmem:s7+$0xFB60] =	vst.add.f32.msk $0xffff, v22  }
0x177: {  	[tilespmem:s7+$0xFB70] =	vst.add.f32.msk $0xffff, v23  }
0x178: {  	[tilespmem:s7+$0xFB80] =	vst.add.f32.msk $0xffff, v24  }
0x179: {  	[tilespmem:s7+$0xFB90] =	vst.add.f32.msk $0xffff, v25  }
0x17a: {  	[tilespmem:s7+$0xFBA0] =	vst.add.f32.msk $0xffff, v26  }
.Ltmp9:
0x17b: {  	s8 =	sadd.s32 s4, s6;
	[tilespmem:s7+$0xFBB0] =	vst.add.f32.msk $0xffff, v27;
	(pc) =	sbr.rel .LBB2_13-.Ltmp9, $4  }
0x17c: {  	s8 =	smul.u32 $0x640, s8;
	[tilespmem:s7+$0xFBC0] =	vst.add.f32.msk $0xffff, v28  }
0x17d: {  	[tilespmem:s7+$0xFBD0] =	vst.add.f32.msk $0xffff, v29  }
0x17e: {  	s8 =	sadd.s32 s2, s8;
	[tilespmem:s7+$0xFBE0] =	vst.add.f32.msk $0xffff, v30  }
0x17f: {  	[hbm4b:s8+s3] =	stream.linear.scatter [tilespmem:s23], [sflag:$0x8], $0x3200, $0x38;
	[tilespmem:$0x12C00] =	vst v63  }
.LBB2_4:
0x180: {  	_ =	swait.ge [sflag:s0], $0xA00  }
0x181: {  	[sflag:s0] =	ssyncset.done $0x0  }
0x182: {  	[sflag:s0] =	ssyncadd.s32 $0xFFFFF600  }
0x183: {  	_ =	swait.ge [sflag:s0], $0xA00  }
0x184: {  	[sflag:s0] =	ssyncset.done $0x0  }
0x185: {  	[sflag:s0] =	ssyncadd.s32 $0xFFFFF600  }
0x186: {  	_ =	swait.ge [sflag:s0], $0xA00  }
0x187: {  	[sflag:s0] =	ssyncset.done $0x0  }
0x188: {  	[sflag:s0] =	ssyncadd.s32 $0xFFFFF600  }
0x189: {  	_ =	swait.ge [sflag:s0], $0xA00  }
0x18a: {  	[sflag:s0] =	ssyncset.done $0x0  }
0x18b: {  	[sflag:s0] =	ssyncadd.s32 $0xFFFFF600  }
0x18c: {  	_ =	swait.ge [sflag:s0], $0xA00  }
0x18d: {  	[sflag:s0] =	ssyncset.done $0x0  }
0x18e: {  	s7 =	simm.s32 @!p0 $0x7;
	[sflag:s0] =	ssyncadd.s32 $0xFFFFF600  }
0x18f: {  	_ =	swait.ge @!p0 [sflag:s7], $0x3200  }
0x190: {  	p1 =	por p0, !p1;
	[sflag:s7] =	ssyncset.done @!p0 $0x0  }
0x191: {  	[sflag:s7] =	ssyncadd.s32 @!p0 $0xFFFFCE00;
	s7 =	smul.u32 @p1 $0x320, s6;
	_ =	sdelay $0x1  }
0x192: {  	s7 =	sshra.s32 @p1 s7, $0x2  }
0x193: {  	s8 =	sadd.s32 @p1 $0x32C8, s7  }
0x194: {  	[tilespmem:s28], [sflag:$0x4] =	stream.indirect.gather @p1 [hbm4b:s5+s12], $0x40, s8, s12, $0xb8;
	[tilespmem:$0x12C00] =	vst v63  }
0x195: {  	s8 =	sadd.s32 @p1 $0x32F0, s7  }
0x196: {  	[tilespmem:s14], [sflag:$0x4] =	stream.indirect.gather @p1 [hbm4b:s5+s12], $0x40, s8, s12, $0xb8;
	[tilespmem:$0x12C00] =	vst v63  }
0x197: {  	s8 =	sadd.s32 @p1 $0x3318, s7  }
0x198: {  	[tilespmem:s16], [sflag:$0x4] =	stream.indirect.gather @p1 [hbm4b:s5+s12], $0x40, s8, s12, $0xb8;
	[tilespmem:$0x12C00] =	vst v63  }
0x199: {  	s8 =	sadd.s32 @p1 $0x3340, s7  }
0x19a: {  	[tilespmem:s18], [sflag:$0x4] =	stream.indirect.gather @p1 [hbm4b:s5+s12], $0x40, s8, s12, $0xb8;
	[tilespmem:$0x12C00] =	vst v63  }
0x19b: {  	s7 =	sadd.s32 @p1 $0x3368, s7  }
0x19c: {  	[tilespmem:s20], [sflag:$0x4] =	stream.indirect.gather @p1 [hbm4b:s5+s12], $0x40, s7, s12, $0xb8;
	[tilespmem:$0x12C00] =	vst v63  }
0x19d: {  	s8 =	simm.s32 $0x800;
	s7 =	simm.s32 $0x0  }
.LBB2_5:
0x19e: {  	p0 =	sne.s32 s8, $0xC000;
	v0 =	vld [tilespmem:s7+$0x1F0]  }
0x19f: {  	v1 =	vld [tilespmem:s7+$0x0]  }
0x1a0: {  	v2 =	vld [tilespmem:s7+$0x10]  }
0x1a1: {  	v3 =	vld [tilespmem:s7+$0x20]  }
0x1a2: {  	v4 =	vld [tilespmem:s7+$0x30]  }
0x1a3: {  	[tilespmem:s7+$0x97F0] =	vst.add.f32.msk $0xffff, v0  }
0x1a4: {  	v0 =	vld [tilespmem:s7+$0x40]  }
0x1a5: {  	v5 =	vld [tilespmem:s7+$0x50]  }
0x1a6: {  	v6 =	vld [tilespmem:s7+$0x60]  }
0x1a7: {  	v7 =	vld [tilespmem:s7+$0x70]  }
0x1a8: {  	v8 =	vld [tilespmem:s7+$0x80]  }
0x1a9: {  	v9 =	vld [tilespmem:s7+$0x90]  }
0x1aa: {  	v10 =	vld [tilespmem:s7+$0xA0]  }
0x1ab: {  	v11 =	vld [tilespmem:s7+$0xB0]  }
0x1ac: {  	v12 =	vld [tilespmem:s7+$0xC0]  }
0x1ad: {  	v13 =	vld [tilespmem:s7+$0xD0]  }
0x1ae: {  	v14 =	vld [tilespmem:s7+$0xE0]  }
0x1af: {  	v15 =	vld [tilespmem:s7+$0xF0]  }
0x1b0: {  	v16 =	vld [tilespmem:s7+$0x100]  }
0x1b1: {  	v17 =	vld [tilespmem:s7+$0x110]  }
0x1b2: {  	v18 =	vld [tilespmem:s7+$0x120]  }
0x1b3: {  	v19 =	vld [tilespmem:s7+$0x130]  }
0x1b4: {  	v20 =	vld [tilespmem:s7+$0x140]  }
0x1b5: {  	v21 =	vld [tilespmem:s7+$0x150]  }
0x1b6: {  	v22 =	vld [tilespmem:s7+$0x160]  }
0x1b7: {  	v23 =	vld [tilespmem:s7+$0x170]  }
0x1b8: {  	v24 =	vld [tilespmem:s7+$0x180]  }
0x1b9: {  	v25 =	vld [tilespmem:s7+$0x190]  }
0x1ba: {  	v26 =	vld [tilespmem:s7+$0x1A0]  }
0x1bb: {  	v27 =	vld [tilespmem:s7+$0x1B0]  }
0x1bc: {  	v28 =	vld [tilespmem:s7+$0x1C0]  }
0x1bd: {  	v29 =	vld [tilespmem:s7+$0x1D0]  }
0x1be: {  	v30 =	vld [tilespmem:s7+$0x1E0]  }
0x1bf: {  	[tilespmem:s7+$0x9600] =	vst.add.f32.msk $0xffff, v1  }
0x1c0: {  	[tilespmem:s7+$0x9610] =	vst.add.f32.msk $0xffff, v2  }
0x1c1: {  	[tilespmem:s7+$0x9620] =	vst.add.f32.msk $0xffff, v3  }
0x1c2: {  	[tilespmem:s7+$0x9630] =	vst.add.f32.msk $0xffff, v4  }
0x1c3: {  	[tilespmem:s7+$0x9640] =	vst.add.f32.msk $0xffff, v0  }
0x1c4: {  	[tilespmem:s7+$0x9650] =	vst.add.f32.msk $0xffff, v5  }
0x1c5: {  	[tilespmem:s7+$0x9660] =	vst.add.f32.msk $0xffff, v6  }
0x1c6: {  	[tilespmem:s7+$0x9670] =	vst.add.f32.msk $0xffff, v7  }
0x1c7: {  	[tilespmem:s7+$0x9680] =	vst.add.f32.msk $0xffff, v8  }
0x1c8: {  	[tilespmem:s7+$0x9690] =	vst.add.f32.msk $0xffff, v9  }
0x1c9: {  	[tilespmem:s7+$0x96A0] =	vst.add.f32.msk $0xffff, v10  }
0x1ca: {  	[tilespmem:s7+$0x96B0] =	vst.add.f32.msk $0xffff, v11  }
0x1cb: {  	[tilespmem:s7+$0x96C0] =	vst.add.f32.msk $0xffff, v12  }
0x1cc: {  	[tilespmem:s7+$0x96D0] =	vst.add.f32.msk $0xffff, v13  }
0x1cd: {  	[tilespmem:s7+$0x96E0] =	vst.add.f32.msk $0xffff, v14  }
0x1ce: {  	[tilespmem:s7+$0x96F0] =	vst.add.f32.msk $0xffff, v15  }
0x1cf: {  	[tilespmem:s7+$0x9700] =	vst.add.f32.msk $0xffff, v16  }
0x1d0: {  	[tilespmem:s7+$0x9710] =	vst.add.f32.msk $0xffff, v17  }
0x1d1: {  	[tilespmem:s7+$0x9720] =	vst.add.f32.msk $0xffff, v18  }
0x1d2: {  	[tilespmem:s7+$0x9730] =	vst.add.f32.msk $0xffff, v19  }
0x1d3: {  	[tilespmem:s7+$0x9740] =	vst.add.f32.msk $0xffff, v20  }
0x1d4: {  	[tilespmem:s7+$0x9750] =	vst.add.f32.msk $0xffff, v21  }
0x1d5: {  	[tilespmem:s7+$0x9760] =	vst.add.f32.msk $0xffff, v22  }
0x1d6: {  	[tilespmem:s7+$0x9770] =	vst.add.f32.msk $0xffff, v23  }
0x1d7: {  	[tilespmem:s7+$0x9780] =	vst.add.f32.msk $0xffff, v24  }
0x1d8: {  	[tilespmem:s7+$0x9790] =	vst.add.f32.msk $0xffff, v25  }
.Ltmp10:
0x1d9: {  	[tilespmem:s7+$0x97A0] =	vst.add.f32.msk $0xffff, v26;
	(pc) =	sbr.rel @p0 .LBB2_5-.Ltmp10, $4  }
0x1da: {  	[tilespmem:s7+$0x97B0] =	vst.add.f32.msk $0xffff, v27  }
0x1db: {  	[tilespmem:s7+$0x97C0] =	vst.add.f32.msk $0xffff, v28  }
0x1dc: {  	[tilespmem:s7+$0x97D0] =	vst.add.f32.msk $0xffff, v29  }
0x1dd: {  	[tilespmem:s7+$0x97E0] =	vst.add.f32.msk $0xffff, v30;
	s7 =	sshra.s32 s8, $0x2;
	s8 =	sadd.s32 $0x800, s8  }
0x1de: {  	v0 =	vld [tilespmem:s7+$0x1F0]  }
0x1df: {  	v1 =	vld [tilespmem:s7+$0x0]  }
0x1e0: {  	v2 =	vld [tilespmem:s7+$0x10]  }
0x1e1: {  	v3 =	vld [tilespmem:s7+$0x20]  }
0x1e2: {  	v4 =	vld [tilespmem:s7+$0x30]  }
0x1e3: {  	v63 =	vld [tilespmem:s7+$0x40]  }
0x1e4: {  	v5 =	vld [tilespmem:s7+$0x50]  }
0x1e5: {  	v6 =	vld [tilespmem:s7+$0x60]  }
0x1e6: {  	v7 =	vld [tilespmem:s7+$0x70]  }
0x1e7: {  	v8 =	vld [tilespmem:s7+$0x80]  }
0x1e8: {  	v9 =	vld [tilespmem:s7+$0x90]  }
0x1e9: {  	v10 =	vld [tilespmem:s7+$0xA0]  }
0x1ea: {  	v11 =	vld [tilespmem:s7+$0xB0]  }
0x1eb: {  	v12 =	vld [tilespmem:s7+$0xC0]  }
0x1ec: {  	v13 =	vld [tilespmem:s7+$0xD0]  }
0x1ed: {  	v14 =	vld [tilespmem:s7+$0xE0]  }
0x1ee: {  	v15 =	vld [tilespmem:s7+$0xF0]  }
0x1ef: {  	v16 =	vld [tilespmem:s7+$0x100]  }
0x1f0: {  	v17 =	vld [tilespmem:s7+$0x110]  }
0x1f1: {  	v18 =	vld [tilespmem:s7+$0x120]  }
0x1f2: {  	v19 =	vld [tilespmem:s7+$0x130]  }
0x1f3: {  	v20 =	vld [tilespmem:s7+$0x140]  }
0x1f4: {  	v21 =	vld [tilespmem:s7+$0x150]  }
0x1f5: {  	v22 =	vld [tilespmem:s7+$0x160]  }
0x1f6: {  	v23 =	vld [tilespmem:s7+$0x170]  }
0x1f7: {  	v24 =	vld [tilespmem:s7+$0x180]  }
0x1f8: {  	v25 =	vld [tilespmem:s7+$0x190]  }
0x1f9: {  	v26 =	vld [tilespmem:s7+$0x1A0]  }
0x1fa: {  	v27 =	vld [tilespmem:s7+$0x1B0]  }
0x1fb: {  	v28 =	vld [tilespmem:s7+$0x1C0]  }
0x1fc: {  	v29 =	vld [tilespmem:s7+$0x1D0]  }
0x1fd: {  	v30 =	vld [tilespmem:s7+$0x1E0]  }
0x1fe: {  	[tilespmem:s7+$0x97F0] =	vst.add.f32.msk $0xffff, v0  }
0x1ff: {  	[tilespmem:s7+$0x9600] =	vst.add.f32.msk $0xffff, v1  }
0x200: {  	[tilespmem:s7+$0x9610] =	vst.add.f32.msk $0xffff, v2  }
0x201: {  	[tilespmem:s7+$0x9620] =	vst.add.f32.msk $0xffff, v3  }
0x202: {  	[tilespmem:s7+$0x9630] =	vst.add.f32.msk $0xffff, v4  }
0x203: {  	[tilespmem:s7+$0x9640] =	vst.add.f32.msk $0xffff, v63  }
0x204: {  	[tilespmem:s7+$0x9650] =	vst.add.f32.msk $0xffff, v5  }
0x205: {  	[tilespmem:s7+$0x9660] =	vst.add.f32.msk $0xffff, v6  }
0x206: {  	[tilespmem:s7+$0x9670] =	vst.add.f32.msk $0xffff, v7  }
0x207: {  	[tilespmem:s7+$0x9680] =	vst.add.f32.msk $0xffff, v8  }
0x208: {  	[tilespmem:s7+$0x9690] =	vst.add.f32.msk $0xffff, v9  }
0x209: {  	[tilespmem:s7+$0x96A0] =	vst.add.f32.msk $0xffff, v10  }
0x20a: {  	[tilespmem:s7+$0x96B0] =	vst.add.f32.msk $0xffff, v11  }
0x20b: {  	[tilespmem:s7+$0x96C0] =	vst.add.f32.msk $0xffff, v12  }
0x20c: {  	[tilespmem:s7+$0x96D0] =	vst.add.f32.msk $0xffff, v13  }
0x20d: {  	[tilespmem:s7+$0x96E0] =	vst.add.f32.msk $0xffff, v14  }
0x20e: {  	[tilespmem:s7+$0x96F0] =	vst.add.f32.msk $0xffff, v15  }
0x20f: {  	[tilespmem:s7+$0x9700] =	vst.add.f32.msk $0xffff, v16  }
0x210: {  	[tilespmem:s7+$0x9710] =	vst.add.f32.msk $0xffff, v17  }
0x211: {  	[tilespmem:s7+$0x9720] =	vst.add.f32.msk $0xffff, v18  }
0x212: {  	[tilespmem:s7+$0x9730] =	vst.add.f32.msk $0xffff, v19  }
0x213: {  	[tilespmem:s7+$0x9740] =	vst.add.f32.msk $0xffff, v20  }
0x214: {  	[tilespmem:s7+$0x9750] =	vst.add.f32.msk $0xffff, v21  }
0x215: {  	[tilespmem:s7+$0x9760] =	vst.add.f32.msk $0xffff, v22  }
0x216: {  	[tilespmem:s7+$0x9770] =	vst.add.f32.msk $0xffff, v23  }
0x217: {  	[tilespmem:s7+$0x9780] =	vst.add.f32.msk $0xffff, v24  }
0x218: {  	[tilespmem:s7+$0x9790] =	vst.add.f32.msk $0xffff, v25  }
0x219: {  	[tilespmem:s7+$0x97A0] =	vst.add.f32.msk $0xffff, v26  }
.Ltmp11:
0x21a: {  	s8 =	sadd.s32 s4, s6;
	[tilespmem:s7+$0x97B0] =	vst.add.f32.msk $0xffff, v27;
	(pc) =	sbr.rel .LBB2_13-.Ltmp11, $4  }
0x21b: {  	s8 =	smul.u32 $0x640, s8;
	[tilespmem:s7+$0x97C0] =	vst.add.f32.msk $0xffff, v28  }
0x21c: {  	[tilespmem:s7+$0x97D0] =	vst.add.f32.msk $0xffff, v29  }
0x21d: {  	s8 =	sadd.s32 s2, s8;
	[tilespmem:s7+$0x97E0] =	vst.add.f32.msk $0xffff, v30  }
0x21e: {  	[hbm4b:s8+s3] =	stream.linear.scatter [tilespmem:s13], [sflag:$0x6], $0x3200, $0x38;
	[tilespmem:$0x12C00] =	vst v63  }
.LBB2_15:
0x21f: {  	_ =	sfence.sel $0x180000  }
0x220: {  	[bflag:$0x0] =	sbarrier.arrive $0xFFFF  }
0x221: {  	_ =	strace $0x90000047  }
0x222: {  	s0 =	stileid.u32;
	[bflag:$0x2] =	sbarrier.arrive $0xFFFF  }
0x223: {  	p0 =	sne.s32 s0, $0x0;
	s0 =	rddreg [dreg:$0x2]  }
0x224: {  	s0 =	sadd.s32 @!p0 $0x100000, s0  }
0x225: {  	[sflag:s0] =	ssyncadd.tile.s32 @!p0 $0x1;
	_ =	shalt  }
.Lfunc_end2:
_tile_overlayer_lowered:
.L_overlay_start_2:
0x226: {  	(tag) =	ssettag $0x2  }
0x227: {  	s0 =	rddreg [dreg:$0x0];
	s2 =	stileid.u32  }
0x228: {  	s1 =	rddreg [dreg:$0x1];
	p0 =	sne.s32 s2, $0x0  }
0x229: {  	s3 =	rddreg [dreg:$0x2];
	[bflag:$0x3] =	sbarrier.arrive $0xFFFF;
	s2 =	simm.s32 @!p0 $0x1C09  }
0x22a: {  	[timem:s3], [sflag:s2] =	dma.local @!p0 [hbm:s0], s1  }
0x22b: {  	s0 =	simm.s32 @!p0 $0x9  }
0x22c: {  	_ =	swait.ge @!p0 [sflag:s0], s1  }
0x22d: {  	s1 =	ssub.s32 @!p0 $0x0, s1;
	[sflag:s0] =	ssyncset.done @!p0 $0x0  }
0x22e: {  	[sflag:s0] =	ssyncadd.s32 @!p0 s1  }
0x22f: {  	[bflag:$0x3] =	sbarrier.arrive $0xFFFF  }
0x230: {  	_ =	shalt  }

// kernel: sparse-core-data-format-call.cloned.1.call-start
scs
called_computation_lowered:
.L_overlay_start_0:
0x0: {  	s2 =	sld [smem:$0x3FD9]  }
0x1: {  	s3 =	sld [smem:$0x3FFE];
	_ =	sdelay $0x1  }
0x2: {  	s1 =	srdreg.scid  }
0x3: {  	s0 =	sand.u32 $0x1, s1  }
0x4: {  	s18 =	sshll.u32 s0, $0xA;
	s2 =	sadd.s32 s3, s2  }
0x5: {  	s2 =	sadd.s32 s2, s18  }
0x6: {  	[smem:$0x3FC5] =	sst s2  }
0x7: {  	_ = 	snop  }
0x8: {  	s2 =	sld [smem:$0x3FD0];
	(tm) =	ssettm $0x1  }
0x9: {  	s19 =	sld [smem:$0x3FFB];
	_ =	sdelay $0x3  }
0xa: {  	_ =	strace s19  }
0xb: {  	s3 =	sld [smem:$0x3FFC];
	_ =	sdelay $0x3  }
0xc: {  	_ =	strace s3  }
0xd: {  	s3 =	sld [smem:$0x3FFD];
	_ =	sdelay $0x3  }
0xe: {  	_ =	strace s3  }
0xf: {  	_ =	strace $0x8FFFFFFF  }
0x10: {  	s20 =	sld [smem:$0x3FDB];
	_ =	sdelay $0x1  }
0x11: {  	s4 =	simm.s32 $_scs_section_size  }
0x12: {  	s5 =	simm.s32 $_size__tile_overlayer_lowered;
	s6 =	simm.s32 $_tile_overlayer_lowered  }
0x13: {  	s23 =	simm.s32 $0x1BFF;
	s22 =	sshll.u32 s6, $0x1;
	s3 =	sadd.s32 s4, s20  }
0x14: {  	s7 =	simm.s32 $0x0;
	s21 =	sshll.u32 s5, $0x1;
	s5 =	sadd.s32 s22, s3  }
0x15: {  	[timem:s7], [sflag:s23] =	dma.local [hbm:s5], s21  }
0x16: {  	_ =	swait.ge [sflag:s23], s21  }
0x17: {  	s4 =	ssub.s32 $0x0, s21;
	[sflag:s23] =	ssyncset.done $0x0  }
0x18: {  	[sflag:s23] =	ssyncadd.s32 s4;
	_ =	sdelay $0x1  }
0x19: {  	s24 =	simm.s32 $0x1B8B  }
0x1a: {  	_ =	swait.ge [sflag:s24], $0x1  }
0x1b: {  	[sflag:s24] =	ssyncset.done $0x0  }
0x1c: {  	s26 =	simm.s32 $0x1B8E;
	s25 =	sld [smem:$0x3FFE];
	[sflag:s24] =	ssyncadd.s32 $0xFFFFFFFF  }
0x1d: {  	s27 =	simm.s32 $execute0_lowered;
	[smem:$0x3FD2] =	sst s26  }
0x1e: {  	s5 =	sshll.u32 s27, $0x1;
	_ =	strace $0x80000049;
	[dreg:$0x1] =	wrdreg $0xFFFFFFFF  }
0x1f: {  	s28 =	simm.s32 $_size_execute0_lowered;
	s3 =	sadd.s32 s3, s5;
	[dreg:$0x0] =	wrdreg $0x0  }
0x20: {  	s5 =	sshll.u32 s28, $0x1;
	[dreg:$0x2] =	wrdreg s3  }
0x21: {  	[dreg:$0x3] =	wrdreg s5  }
0x22: {  	[dreg:$0x4] =	wrdreg $0xC0  }
0x23: {  	_ =	task [dreg:s7], $0x5FFFF  }
0x24: {  	[dreg:$0x1] =	wrdreg $0xFFFFFFFF  }
0x25: {  	[dreg:$0x0] =	wrdreg $0x60  }
0x26: {  	[dreg:$0x2] =	wrdreg s25  }
0x27: {  	[dreg:$0x3] =	wrdreg s2  }
0x28: {  	[dreg:$0x4] =	wrdreg $0x9  }
0x29: {  	_ =	task.clear_ibuf [dreg:s7], $0x5FFFF;
	_ =	strace $0x90000049  }
0x2a: {  	s29 =	simm.s32 $0x9;
	_ =	strace $0x8000004B  }
0x2b: {  	_ =	swait.ge [sflag:s29], $0x1  }
0x2c: {  	[sflag:s29] =	ssyncadd.s32 $0xFFFFFFFF  }
0x2d: {  	_ =	strace $0x9000004B  }
0x2e: {  	_ =	sfence  }
0x2f: {  	s30 =	sld [smem:$0x0];
	_ =	sdelay $0x2  }
0x30: {  	s31 =	sshll.u32 s1, $0xD;
	s1 =	sshrl.u32 s1, $0x2  }
0x31: {  	s3 =	sand.u32 $0x4000, s31;
	s1 =	sadd.s32 s1, s30  }
0x32: {  	s0 =	sor.u32 s3, s0;
	s1 =	sshll.u32 s1, $0x11  }
0x33: {  	s0 =	sor.u32 s1, s0  }
0x34: {  	s0 =	sadd.s32 $0x8F2B, s0  }
0x35: {  	[sflag:s0] =	ssyncadd.remote.s32 $0x1  }
0x36: {  	_ =	sfence.sel $0xFFFF  }
0x37: {  	[dreg:$0x0] =	wrdreg $0xFFFFFFFF;
	(pc) =	sbr.abs _section_cstart, $3  }
0x38: {  	[dreg:$0x1] =	wrdreg $0xFFFFFFFF  }
0x39: {  	_ =	task.clear_ibuf [dreg:s7], $0x2FFFF;
	_ =	strace $0x9FFFFFFF  }
0x3a: {  	(tm) =	ssettm $0x7FFFFFFF  }
0x3b: {  	_ =	shalt  }
tec
execute0_lowered:
.L_overlay_start_1:
0x0: {  	(tag) =	ssettag $0x1  }
0x1: {  	s0 =	srdreg.scid  }
0x2: {  	s1 =	sshll.u32 s0, $0x4  }
0x3: {  	s0 =	stileid.u32;
	s1 =	sand.u32 $0x10, s1  }
0x4: {  	s1 =	sor.u32 s0, s1  }
0x5: {  	s6 =	rddreg [dreg:$0x0];
	s4 =	simm.s32 $0x1;
	s2 =	sshll.u32 s1, $0x7  }
0x6: {  	s7 =	simm.s32 $0x2;
	s12 =	simm.s32 $0x0;
	s1 =	ssub.s32 $0x1000, s2  }
0x7: {  	s8 =	simm.s32 $0x8000;
	s13 =	simm.s32 $0x0;
	s3 =	sand.u32 $0xF80, s1  }
0x8: {  	s9 =	simm.s32 $0x0;
	s5 =	sshrl.u32 s1, $0xC;
	p0 =	sne.s32 s3, $0x0  }
.Ltmp0:
0x9: {  	s1 =	rddreg [dreg:$0x2];
	s4 =	simm.s32 @!p0 $0x0;
	(pc) =	sbr.rel .LBB1_1-.Ltmp0, $4  }
0xa: {  	s11 =	simm.s32 $0x0;
	s3 =	rddreg [dreg:$0x1];
	s5 =	sadd.s32 s4, s5  }
0xb: {  	_ =	strace $0x8000004A;
	s4 =	simm.s32 $0x1;
	s5 =	smul.u32 $0xC8, s5  }
0xc: {  	s6 =	sadd.s32 $0xC00, s6;
	s10 =	smov.u32 s2;
	[sflag:s4] =	ssyncpa.u1 $0x0  }
0xd: {  	p0 =	por $0x0, $0x0;
	[sflag:s7] =	ssyncpa.u1 $0x0;
	s7 =	sor.u32 $0x1, s5  }
.LBB1_4:
0xe: {  	s16 =	sshll.u32 s13, $0x3;
	s17 =	sand.u32 $0x78, s13  }
0xf: {  	s30 =	sand.u32 $0x7E00, s13;
	s12 =	sshll.u32 s12, $0xF;
	s16 =	sand.u32 $0xC00, s16  }
0x10: {  	[tilespmem:s15+$0x810 ss:$0x81] =	vst.msk $0xffff, v2;
	s31 =	sand.u32 $0x7, s13;
	s16 =	sor.u32 s17, s16;
	s17 =	sadd.s32 s3, s30  }
0x11: {  	[tilespmem:s15+$0x1020 ss:$0x81] =	vst.msk $0xffff, v0;
	s13 =	sshll.u32 s31, $0x12;
	s12 =	sadd.s32 s12, s17;
	s16 =	sshrl.u32 s16, $0x3  }
0x12: {  	[tilespmem:s15+$0x0 ss:$0x81] =	vst.msk $0xffff, v1;
	s13 =	sor.u32 $0x400, s13;
	s12 =	sadd.s32 s16, s12  }
0x13: {  	[hbm4b:s12+s13] =	stream.strided.scatter [tilespmem:s14], [sflag:$0x2], $0x2000, s8, s13, $0x20;
	[tilespmem:$0x8080] =	vst v63  }
.LBB1_5:
0x14: {  	s14 =	sadd.s32 $0x1, s9  }
0x15: {  	s12 =	sadd.s32 $0x1000, s10;
	s16 =	smov.u32 s10;
	p2 =	sgt.s32 s14, $0xC7  }
0x16: {  	s16 =	smov.u32 @p2 s12  }
0x17: {  	s14 =	simm.s32 @p2 $0x0;
	p2 =	sgt.s32 s16, $0xFFF  }
0x18: {  	s16 =	smov.u32 @p2 s2;
	p2 =	sne.s32 s11, s7  }
.Ltmp1:
0x19: {  	p1 =	slt.u32 s11, $0x2;
	(pc) =	sbr.rel @!p2 .LBB1_6-.Ltmp1, $4  }
0x1a: {  	s15 =	simm.s32 @!p1 $0x2  }
0x1b: {  	s13 =	smov.u32 s10;
	p0 =	por !p0, !p0;
	_ =	swait.ge @!p1 [sflag:s15], $0x2000  }
0x1c: {  	s12 =	smov.u32 s9;
	[sflag:s15] =	ssyncset.done @!p1 $0x0;
	s9 =	smov.u32 s14  }
0x1d: {  	s11 =	sadd.s32 $0x1, s11;
	[sflag:s15] =	ssyncadd.s32 @!p1 $0xFFFFE000;
	s10 =	smov.u32 s16  }
.LBB1_1:
0x1e: {  	p1 =	sge.u32 s11, s5  }
0x1f: {  	s14 =	sand.u32 @!p1 $0x1FFFFFF, s9  }
0x20: {  	s15 =	smulhi.u32 @!p1 $0x147AE15, s14;
	_ =	sdelay $0x1  }
0x21: {  	s15 =	smul.u32 @!p1 $0xC8, s15  }
0x22: {  	s16 =	sxor.u32 @!p1 $0xFFFFFFFF, s11;
	s17 =	smul.u32 @!p1 $0xC80, s10  }
0x23: {  	s31 =	sadd.s32 $0xFFFFFFFF, s11;
	s16 =	sshll.u32 @!p1 s16, $0xD;
	s14 =	ssub.s32 @!p1 s14, s15  }
0x24: {  	s15 =	sand.u32 @!p1 $0x2000, s16;
	s16 =	sadd.s32 @!p1 s6, s17;
	s14 =	sshll.u32 @!p1 s14, $0x4  }
0x25: {  	s17 =	simm.s32 @!p1 $0x6400;
	s14 =	sadd.s32 @!p1 s14, s16;
	s16 =	simm.s32 @!p1 $0x40  }
0x26: {  	[tilespmem:s15], [sflag:$0x1] =	stream.strided.gather @!p1 [hbm4b:s14+s16], $0x2000, s17, s16, $0x38;
	[tilespmem:$0x8080] =	vst v63  }
0x27: {  	p1 =	sge.u32 s31, s5  }
.Ltmp2:
0x28: {  	_ = 	snop;
	(pc) =	sbr.rel @p1 .LBB1_5-.Ltmp2, $1  }
0x29: {  	_ =	sdelay $0x3  }
0x2a: {  	s14 =	simm.s32 $0x1  }
0x2b: {  	_ =	swait.ge [sflag:s4], $0x2000;
	s14 =	simm.s32 @!p0 $0x0  }
0x2c: {  	[sflag:s4] =	ssyncset.done $0x0;
	s15 =	sshll.u32 s14, $0xD  }
0x2d: {  	[sflag:s4] =	ssyncadd.s32 $0xFFFFE000;
	s18 =	sor.u32 $0x20, s15  }
0x2e: {  	s14 =	smul.u32 $0x8100, s14;
	v3 =	vld [tilespmem:s18+$0x10]  }
0x2f: {  	s30 =	sand.u32 $0x1, s11;
	v2 =	vld [tilespmem:s18+$0xFFFFFFF0]  }
0x30: {  	s15 =	smul.u32 $0x8100, s30;
	s14 =	sshrl.u32 s14, $0x2;
	v0 =	vld [tilespmem:s18+$0x0]  }
0x31: {  	v1 =	vld [tilespmem:s18+$0xFFFFFFE0];
	s16 =	sor.u32 $0x4000, s14  }
0x32: {  	s31 =	sshrl.u32 s15, $0x2;
	s15 =	sadd.s32 $0x0, s16  }
0x33: {  	s17 =	simm.s32 $0x4;
	s18 =	sadd.s32 $0x40, s18;
	s14 =	sor.u32 $0x4000, s31;
	[tilespmem:s15+$0x1830 ss:$0x81] =	vst.msk $0xffff, v3  }
.LBB1_3:
0x34: {  	v3 =	vld [tilespmem:s18+$0x10];
	p1 =	sne.s32 s17, $0x1FC;
	[tilespmem:s15+$0x810 ss:$0x81] =	vst.msk $0xffff, v2;
	s19 =	smov.u32 s17;
	s17 =	sadd.s32 $0x4, s17  }
.Ltmp3:
0x35: {  	v2 =	vld [tilespmem:s18+$0xFFFFFFF0];
	[tilespmem:s15+$0x1020 ss:$0x81] =	vst.msk $0xffff, v0;
	(pc) =	sbr.rel @p1 .LBB1_3-.Ltmp3, $4  }
0x36: {  	v0 =	vld [tilespmem:s18+$0x0];
	[tilespmem:s15+$0x0 ss:$0x81] =	vst.msk $0xffff, v1  }
0x37: {  	s15 =	sshra.s32 s19, $0x2;
	v1 =	vld [tilespmem:s18+$0xFFFFFFE0]  }
0x38: {  	s15 =	sadd.s32 s15, s16  }
0x39: {  	s18 =	sadd.s32 $0x40, s18;
	[tilespmem:s15+$0x1830 ss:$0x81] =	vst.msk $0xffff, v3  }
.Ltmp4:
0x3a: {  	_ = 	snop;
	(pc) =	sbr.rel .LBB1_4-.Ltmp4, $1  }
0x3b: {  	_ =	sdelay $0x3  }
.LBB1_6:
0x3c: {  	_ =	sfence.sel $0x180000  }
0x3d: {  	s2 =	simm.s32 $0x1;
	[bflag:$0x0] =	sbarrier.arrive $0xFFFF  }
0x3e: {  	s31 =	simm.s32 $0x2;
	[sflag:s2] =	ssyncpa.u1 $0x1  }
0x3f: {  	[sflag:s31] =	ssyncpa.u1 $0x1  }
0x40: {  	p0 =	sne.s32 s0, $0x0;
	_ =	strace $0x9000004A  }
0x41: {  	s0 =	sadd.s32 @!p0 $0x100000, s1;
	[bflag:$0x2] =	sbarrier.arrive $0xFFFF  }
0x42: {  	[sflag:s0] =	ssyncadd.tile.s32 @!p0 $0x1;
	_ =	shalt  }
.Lfunc_end1:
_tile_overlayer_lowered:
.L_overlay_start_2:
0x43: {  	(tag) =	ssettag $0x2  }
0x44: {  	s0 =	rddreg [dreg:$0x0];
	s2 =	stileid.u32  }
0x45: {  	s1 =	rddreg [dreg:$0x1];
	p0 =	sne.s32 s2, $0x0  }
0x46: {  	s3 =	rddreg [dreg:$0x2];
	[bflag:$0x3] =	sbarrier.arrive $0xFFFF;
	s2 =	simm.s32 @!p0 $0x1C01  }
0x47: {  	[timem:s3], [sflag:s2] =	dma.local @!p0 [hbm:s0], s1  }
0x48: {  	s0 =	simm.s32 @!p0 $0x1  }
0x49: {  	_ =	swait.ge @!p0 [sflag:s0], s1  }
0x4a: {  	s1 =	ssub.s32 @!p0 $0x0, s1;
	[sflag:s0] =	ssyncset.done @!p0 $0x0  }
0x4b: {  	[sflag:s0] =	ssyncadd.s32 @!p0 s1  }
0x4c: {  	[bflag:$0x3] =	sbarrier.arrive $0xFFFF  }
0x4d: {  	_ =	shalt  }

</sc_bundles>
